<compile_context>
chip_gen: v7x
topology: tpu7x:2x2x1
jax: 0.10.2.dev20260603
libtpu: 0.0.44.dev20260713+nightly
codegen_flags: <defaults>
</compile_context>

<pallas_src>
import functools

import jax
import jax.numpy as jnp
import numpy as np
from jax import lax
from jax.experimental import pallas as pl
from jax.experimental.pallas import tpu as pltpu
from jax.experimental.pallas import tpu_sc as plsc

N = 10000
D = 128
DH = D // 2
E = 320000

NC = 2
NS = 16
NW = NC * NS
CHUNK = 128
RPT = 80
NROWS = NW * RPT
RPT_SC = NROWS // NS
MPAIR = RPT_SC // 2
E_PAD = NROWS * CHUNK
NP = 10240
ROW_SLICE = NP // NS
ZROWS = ROW_SLICE // 5

_CM = np.empty((D,), np.int32)
for _base in range(0, D, 32):
    for _t in range(16):
        _CM[_base + 2 * _t] = _base + _t
        _CM[_base + 2 * _t + 1] = _base + 16 + _t
_COLMAP = _CM

_MESH = plsc.VectorSubcoreMesh(core_axis_name="c", subcore_axis_name="s")



@functools.partial(
    pl.kernel,
    out_type=jax.ShapeDtypeStruct((NC, NP), jnp.float32),
    mesh=_MESH,
    scratch_types=[
        pltpu.VMEM((RPT, CHUNK), jnp.int32),
        pltpu.VMEM((CHUNK,), jnp.float32),
        pltpu.VMEM((ROW_SLICE,), jnp.float32),
        pltpu.VMEM_SHARED((NP,), jnp.float32),
    ],
)
def _deg_kernel(dst_hbm, out_hbm, dst_v, ones_v, zero_v, acc_sh):
    c = lax.axis_index("c")
    s = lax.axis_index("s")
    wid = c * NS + s

    for j in range(CHUNK // 16):
        ones_v[pl.ds(j * 16, 16)] = jnp.full((16,), 1.0, jnp.float32)

    def zfill(k, carry):
        zero_v[pl.ds(k * 16, 16)] = jnp.zeros((16,), jnp.float32)
        return carry

    lax.fori_loop(0, ROW_SLICE // 16, zfill, 0)
    pltpu.sync_copy(zero_v, acc_sh.at[pl.ds(s * ROW_SLICE, ROW_SLICE)])
    pltpu.sync_copy(dst_hbm.at[pl.ds(wid * RPT, RPT)], dst_v)
    plsc.subcore_barrier()

    def body(j, carry):
        pltpu.sync_copy(ones_v, acc_sh.at[dst_v.at[j]], add=True)
        return carry

    lax.fori_loop(0, RPT, body, 0)
    plsc.subcore_barrier()
    pltpu.sync_copy(
        acc_sh.at[pl.ds(s * ROW_SLICE, ROW_SLICE)],
        out_hbm.at[c, pl.ds(s * ROW_SLICE, ROW_SLICE)],
    )


@functools.partial(
    pl.kernel,
    out_type=jax.ShapeDtypeStruct((NC, NP, DH), jnp.float32),
    mesh=_MESH,
    compiler_params=pltpu.CompilerParams(
        use_tc_tiling_on_sc=False, needs_layout_passes=False,
        internal_scratch_in_bytes=262144),
    scratch_types=[
        pltpu.VMEM((RPT_SC, CHUNK), jnp.int32),
        pltpu.VMEM((RPT_SC, CHUNK), jnp.int32),
        pltpu.VMEM((2, CHUNK, DH), jnp.bfloat16),
        pltpu.VMEM((2, CHUNK, DH), jnp.float32),
        pltpu.VMEM((ZROWS, DH), jnp.float32),
        pltpu.VMEM_SHARED((NP, DH), jnp.float32),
        pltpu.SemaphoreType.DMA,
        pltpu.SemaphoreType.DMA,
        pltpu.SemaphoreType.DMA,
        pltpu.SemaphoreType.DMA,
    ],
)
def _scatter_kernel(ybf_hbm, src_hbm, dst_hbm, out_hbm,
                    src_v, dst_v, rows_bf, rows_f, zero_v, acc_sh,
                    gsem0, gsem1, ssem0, ssem1):
    c = lax.axis_index("c")
    s = lax.axis_index("s")
    base = s * RPT_SC
    row0 = s * ROW_SLICE

    gsems = (gsem0, gsem1)
    ssems = (ssem0, ssem1)

    def gather(chunk, buf):
        pltpu.async_copy(
            ybf_hbm.at[src_v.at[chunk]], rows_bf.at[buf], gsems[buf])

    def wait_gather(chunk, buf):
        pltpu.make_async_copy(
            ybf_hbm.at[src_v.at[chunk]], rows_bf.at[buf], gsems[buf]).wait()

    src_cp = pltpu.async_copy(src_hbm.at[pl.ds(base, RPT_SC)], src_v, gsem0)
    dst_cp = pltpu.async_copy(dst_hbm.at[pl.ds(base, RPT_SC)], dst_v, gsem1)

    def zfill(k, carry):
        for jj in range(DH // 16):
            zero_v[k, pl.ds(jj * 16, 16)] = jnp.zeros((16,), jnp.float32)
        return carry

    lax.fori_loop(0, ZROWS, zfill, 0)
    zero_cps = [
        pltpu.async_copy(
            zero_v, acc_sh.at[pl.ds(row0 + r * ZROWS, ZROWS)], ssem0)
        for r in range(5)
    ]
    src_cp.wait()
    off = jax.lax.broadcast(c * NP, (16,))

    def offs(r, carry):
        for g in range(CHUNK // 16):
            src_v[r, pl.ds(g * 16, 16)] = src_v[r, pl.ds(g * 16, 16)] + off
        return carry

    lax.fori_loop(0, RPT_SC, offs, 0)
    dst_cp.wait()
    for cp in zero_cps:
        cp.wait()
    gather(0, 0)
    gather(1, 1)
    plsc.subcore_barrier()

    def unpack(buf):
        def urow(r, carry):
            for g in range(DH // 32):
                v = rows_bf[buf, r, pl.ds(g * 32, 32)]
                ev, od = plsc.unpack(v, format=plsc.PackFormat.INTERLEAVED)
                rows_f[buf, r, pl.ds(g * 32, 16)] = ev
                rows_f[buf, r, pl.ds(g * 32 + 16, 16)] = od
            return carry

        lax.fori_loop(0, CHUNK, urow, 0)

    def scatter(chunk, buf):
        pltpu.async_copy(
            rows_f.at[buf], acc_sh.at[dst_v.at[chunk]], ssems[buf], add=True)

    def wait_scatter(chunk, buf):
        pltpu.make_async_copy(
            rows_f.at[buf], acc_sh.at[dst_v.at[chunk]], ssems[buf]).wait()

    wait_gather(0, 0)
    unpack(0)
    scatter(0, 0)
    gather(2, 0)
    wait_gather(1, 1)
    unpack(1)
    scatter(1, 1)
    gather(3, 1)

    def body(j, carry):
        a = 2 * j
        wait_scatter(a - 2, 0)
        wait_gather(a, 0)
        unpack(0)
        scatter(a, 0)
        gather(a + 2, 0)
        wait_scatter(a - 1, 1)
        wait_gather(a + 1, 1)
        unpack(1)
        scatter(a + 1, 1)
        gather(a + 3, 1)
        return carry

    lax.fori_loop(1, MPAIR - 1, body, 0)
    a = RPT_SC - 2
    wait_scatter(a - 2, 0)
    wait_gather(a, 0)
    unpack(0)
    scatter(a, 0)
    wait_scatter(a - 1, 1)
    wait_gather(a + 1, 1)
    unpack(1)
    scatter(a + 1, 1)
    wait_scatter(a, 0)
    wait_scatter(a + 1, 1)
    plsc.subcore_barrier()
    pltpu.sync_copy(
        acc_sh.at[pl.ds(row0, ROW_SLICE)],
        out_hbm.at[c, pl.ds(row0, ROW_SLICE)],
    )



BLK = 2000
GRID = N // BLK


def _dinv_col(deg_ref):
    i = pl.program_id(0)
    d0 = deg_ref[pl.ds(i * BLK, BLK), 0]
    d1 = deg_ref[pl.ds(i * BLK, BLK), 1]
    return lax.rsqrt(d0 + d1 + 1.0)[:, None]


def _k1_body(x_ref, w_ref, wp_ref, deg_ref, y_ref, ybf_ref):
    dinv = _dinv_col(deg_ref)
    x = x_ref[...]
    y = jnp.dot(x, w_ref[...], preferred_element_type=jnp.float32) * dinv
    y_ref[0] = y[:, :DH]
    y_ref[1] = y[:, DH:]
    yp = jnp.dot(x, wp_ref[...], preferred_element_type=jnp.float32) * dinv
    ypb = yp.astype(jnp.bfloat16)
    ybf_ref[0] = ypb[:, :DH]
    ybf_ref[1] = ypb[:, DH:]


_k1 = pl.pallas_call(
    _k1_body,
    grid=(GRID,),
    in_specs=[
        pl.BlockSpec((BLK, D), lambda i: (i, 0)),
        pl.BlockSpec((D, D), lambda i: (0, 0)),
        pl.BlockSpec((D, D), lambda i: (0, 0)),
        pl.BlockSpec((NP, 2), lambda i: (0, 0)),
    ],
    out_specs=[
        pl.BlockSpec((2, BLK, DH), lambda i: (0, i, 0)),
        pl.BlockSpec((2, BLK, DH), lambda i: (0, i, 0)),
    ],
    out_shape=[
        jax.ShapeDtypeStruct((2, N, DH), jnp.float32),
        jax.ShapeDtypeStruct((NC, NP, DH), jnp.bfloat16),
    ],
)


def _k2_body(acc_ref, y0_ref, deg_ref, b_ref, w_ref, wp_ref, y1_ref, ybf_ref):
    dinv = _dinv_col(deg_ref)
    t = jnp.concatenate(
        [acc_ref[0] + y0_ref[0], acc_ref[1] + y0_ref[1]], axis=1
    )
    h = jnp.maximum(t * dinv + b_ref[...], 0.0)
    y1 = jnp.dot(h, w_ref[...], preferred_element_type=jnp.float32) * dinv
    y1_ref[0] = y1[:, :DH]
    y1_ref[1] = y1[:, DH:]
    yp = jnp.dot(h, wp_ref[...], preferred_element_type=jnp.float32) * dinv
    ypb = yp.astype(jnp.bfloat16)
    ybf_ref[0] = ypb[:, :DH]
    ybf_ref[1] = ypb[:, DH:]


_k2 = pl.pallas_call(
    _k2_body,
    grid=(GRID,),
    in_specs=[
        pl.BlockSpec((2, BLK, DH), lambda i: (0, i, 0)),
        pl.BlockSpec((2, BLK, DH), lambda i: (0, i, 0)),
        pl.BlockSpec((NP, 2), lambda i: (0, 0)),
        pl.BlockSpec((1, D), lambda i: (0, 0)),
        pl.BlockSpec((D, D), lambda i: (0, 0)),
        pl.BlockSpec((D, D), lambda i: (0, 0)),
    ],
    out_specs=[
        pl.BlockSpec((2, BLK, DH), lambda i: (0, i, 0)),
        pl.BlockSpec((2, BLK, DH), lambda i: (0, i, 0)),
    ],
    out_shape=[
        jax.ShapeDtypeStruct((2, N, DH), jnp.float32),
        jax.ShapeDtypeStruct((NC, NP, DH), jnp.bfloat16),
    ],
)


def _k3_body(acc_ref, y1_ref, deg_ref, b_ref, out_ref):
    dinv = _dinv_col(deg_ref)
    t = jnp.concatenate(
        [acc_ref[0] + y1_ref[0], acc_ref[1] + y1_ref[1]], axis=1
    )
    out_ref[...] = jnp.maximum(t * dinv + b_ref[...], 0.0)


_k3 = pl.pallas_call(
    _k3_body,
    grid=(GRID,),
    in_specs=[
        pl.BlockSpec((2, BLK, DH), lambda i: (0, i, 0)),
        pl.BlockSpec((2, BLK, DH), lambda i: (0, i, 0)),
        pl.BlockSpec((NP, 2), lambda i: (0, 0)),
        pl.BlockSpec((1, D), lambda i: (0, 0)),
    ],
    out_specs=pl.BlockSpec((BLK, D), lambda i: (i, 0)),
    out_shape=jax.ShapeDtypeStruct((N, D), jnp.float32),
)


def kernel(edge_index, emb, W0, b0, W1, b1):
    pad = E_PAD - E
    src = jnp.concatenate(
        [edge_index[0].astype(jnp.int32), jnp.zeros((pad,), jnp.int32)]
    ).reshape(NROWS, CHUNK)
    dst = jnp.concatenate(
        [edge_index[1].astype(jnp.int32), jnp.full((pad,), N, jnp.int32)]
    ).reshape(NROWS, CHUNK)
    b0r = b0.reshape(1, D)
    b1r = b1.reshape(1, D)
    W0p = W0[:, _COLMAP]
    W1p = W1[:, _COLMAP]

    deg2 = _deg_kernel(dst).T
    y0, ybf0 = _k1(emb, W0, W0p, deg2)
    acc0 = _scatter_kernel(ybf0.reshape(NC * NP, DH), src, dst)
    y1, ybf1 = _k2(acc0, y0, deg2, b0r, W1, W1p)
    acc1 = _scatter_kernel(ybf1.reshape(NC * NP, DH), src, dst)
    return _k3(acc1, y1, deg2, b1r)

# --- scband reference (transcript-rebuilt; emitter-appended) ---
"""Pipeline reference for scband-gcnmodel-7859790152118 (READ-ONLY COPY).

The authoritative reference and input builder live on the scoring server;
editing this copy changes nothing except your own understanding.
"""

import jax, jax.numpy as jnp
import numpy as np

N = 10000
D = 128
E = 320000


def glorot(key, shape):
    limit = np.sqrt(6.0 / (shape[0] + shape[1]))
    return jax.random.uniform(key, shape, jnp.float32, -limit, limit)


def setup_inputs(seed: int = 0) -> dict:
    key = jax.random.key(seed)
    k1, k2, k3, k4 = jax.random.split(key, 4)
    edge_index = jax.random.randint(k1, (2, E), 0, N)
    emb = glorot(k2, (N, D))  # nn.Embedding weight, xavier_uniform init
    W0 = glorot(k3, (D, D))
    b0 = jnp.zeros((D,), jnp.float32)
    W1 = glorot(k4, (D, D))
    b1 = jnp.zeros((D,), jnp.float32)
    return {"edge_index": edge_index, "emb": emb, "W0": W0, "b0": b0, "W1": W1, "b1": b1}


def gcn_conv(x, edge_index, W, b):
    # PyG GCNConv: add self-loops, symmetric normalization D^-1/2 (A+I) D^-1/2 x W + b
    n = x.shape[0]
    loop = jnp.arange(n)
    src = jnp.concatenate([edge_index[0], loop])
    dst = jnp.concatenate([edge_index[1], loop])
    deg = jnp.zeros((n,), x.dtype).at[dst].add(1.0)
    deg_inv_sqrt = jnp.where(deg > 0, 1.0 / jnp.sqrt(deg), 0.0)
    norm = deg_inv_sqrt[src] * deg_inv_sqrt[dst]
    xw = x @ W
    msgs = xw[src] * norm[:, None]
    out = jnp.zeros_like(xw).at[dst].add(msgs)
    return out + b


def reference(edge_index, emb, W0, b0, W1, b1):
    # GCNModel.forward: x = embedding.weight; for each conv: conv -> relu -> dropout(eval/p=0)
    x = emb
    x = jax.nn.relu(gcn_conv(x, edge_index, W0, b0))
    x = jax.nn.relu(gcn_conv(x, edge_index, W1, b1))
    return x

if __name__ == "__main__":
    import jax
    _d = setup_inputs()
    print(jax.jit(kernel)(*tuple(_d.values())))

</pallas_src>

<mosaic_0001>
#map = affine_map<(d0, d1) -> (0, 0)>
#map1 = affine_map<(d0, d1) -> (0, 0, 0)>
module attributes {stable_mosaic.version = 14 : i64} {
  func.func @_scatter_kernel(%arg0: i32, %arg1: i32, %arg2: memref<20480x64xbf16, #tpu.memory_space<hbm>>, %arg3: memref<2560x128xi32, #tpu.memory_space<hbm>>, %arg4: memref<2560x128xi32, #tpu.memory_space<hbm>>, %arg5: memref<2x10240x64xf32, #tpu.memory_space<hbm>>, %arg6: memref<160x128xi32, #tpu.memory_space<vmem>>, %arg7: memref<160x128xi32, #tpu.memory_space<vmem>>, %arg8: memref<2x128x64xbf16, #tpu.memory_space<vmem>>, %arg9: memref<2x128x64xf32, #tpu.memory_space<vmem>>, %arg10: memref<128x64xf32, #tpu.memory_space<vmem>>, %arg11: memref<10240x64xf32, #tpu.memory_space<vmem_shared>>, %arg12: memref<!tpu.dma_semaphore, #tpu.memory_space<semaphore_mem>>, %arg13: memref<!tpu.dma_semaphore, #tpu.memory_space<semaphore_mem>>, %arg14: memref<!tpu.dma_semaphore, #tpu.memory_space<semaphore_mem>>, %arg15: memref<!tpu.dma_semaphore, #tpu.memory_space<semaphore_mem>>) attributes {dimension_semantics = [#tpu.dimension_semantics<core_parallel>, #tpu.dimension_semantics<subcore_parallel>], iteration_bounds = array<i64: 2, 16>, scalar_prefetch = 0 : i64, scratch_operands = 10 : i64, tpu.core_type = #tpu.core_type<sc_vector_subcore>, window_params = [{transform_indices = #map}, {transform_indices = #map}, {transform_indices = #map}, {transform_indices = #map1}]} {
    %mul3A = arith.constant 160 : i32
    %mul3A_0 = arith.muli %arg1, %mul3A : i32
    %mul3A_1 = arith.constant 640 : i32
    %mul3A_2 = arith.muli %arg1, %mul3A_1 : i32
    %dma_start3A = arith.constant 0 : i32
    %dma_start3A_3 = tpu.memref_slice %arg3[%mul3A_0, %dma_start3A] : memref<2560x128xi32, #tpu.memory_space<hbm>> -> memref<160x128xi32, #tpu.memory_space<hbm>>
    %dma_start3A_4 = arith.constant 0 : i32
    %dma_start3A_5 = tpu.memref_slice %arg3[%mul3A_0, %dma_start3A_4] : memref<2560x128xi32, #tpu.memory_space<hbm>> -> memref<160x128xi32, #tpu.memory_space<hbm>>
    tpu.enqueue_dma source(%dma_start3A_5 : memref<160x128xi32, #tpu.memory_space<hbm>>) target(%arg6 : memref<160x128xi32, #tpu.memory_space<vmem>>) target_semaphore(%arg12 : memref<!tpu.dma_semaphore, #tpu.memory_space<semaphore_mem>>)
    %dma_start3A_6 = arith.constant 0 : i32
    %dma_start3A_7 = tpu.memref_slice %arg4[%mul3A_0, %dma_start3A_6] : memref<2560x128xi32, #tpu.memory_space<hbm>> -> memref<160x128xi32, #tpu.memory_space<hbm>>
    %dma_start3A_8 = arith.constant 0 : i32
    %dma_start3A_9 = tpu.memref_slice %arg4[%mul3A_0, %dma_start3A_8] : memref<2560x128xi32, #tpu.memory_space<hbm>> -> memref<160x128xi32, #tpu.memory_space<hbm>>
    tpu.enqueue_dma source(%dma_start3A_9 : memref<160x128xi32, #tpu.memory_space<hbm>>) target(%arg7 : memref<160x128xi32, #tpu.memory_space<vmem>>) target_semaphore(%arg13 : memref<!tpu.dma_semaphore, #tpu.memory_space<semaphore_mem>>)
    %scan3A = arith.constant 0 : i32
    %scan3A_10 = arith.constant 0 : i32
    %scan3A_11 = arith.constant 128 : i32
    %scan3A_12 = arith.addi %scan3A_10, %scan3A_11 : i32
    %scan3A_13 = arith.constant 1 : i32
    scf.for %scan3A_302 = %scan3A_10 to %scan3A_12 step %scan3A_13  : i32 {
      %broadcast_in_dim3A_303 = arith.constant 0.000000e+00 : f32
      %broadcast_in_dim3A_304 = vector.broadcast %broadcast_in_dim3A_303 : f32 to vector<16xf32>
      %swap3A = arith.index_cast %scan3A_302 : i32 to index
      %swap3A_305 = arith.constant 0 : index
      %swap3A_306 = tpu.vector_load %arg10[%swap3A, %swap3A_305] {strides = array<i32>} : memref<128x64xf32, #tpu.memory_space<vmem>>, vector<16xf32>,
      tpu.vector_store %arg10[%swap3A, %swap3A_305], %broadcast_in_dim3A_304 {strides = array<i32>} : memref<128x64xf32, #tpu.memory_space<vmem>>, vector<16xf32>,
      %broadcast_in_dim3A_307 = arith.constant 0.000000e+00 : f32
      %broadcast_in_dim3A_308 = vector.broadcast %broadcast_in_dim3A_307 : f32 to vector<16xf32>
      %swap3A_309 = arith.index_cast %scan3A_302 : i32 to index
      %swap3A_310 = arith.constant 16 : index
      %swap3A_311 = tpu.vector_load %arg10[%swap3A_309, %swap3A_310] {strides = array<i32>} : memref<128x64xf32, #tpu.memory_space<vmem>>, vector<16xf32>,
      tpu.vector_store %arg10[%swap3A_309, %swap3A_310], %broadcast_in_dim3A_308 {strides = array<i32>} : memref<128x64xf32, #tpu.memory_space<vmem>>, vector<16xf32>,
      %broadcast_in_dim3A_312 = arith.constant 0.000000e+00 : f32
      %broadcast_in_dim3A_313 = vector.broadcast %broadcast_in_dim3A_312 : f32 to vector<16xf32>
      %swap3A_314 = arith.index_cast %scan3A_302 : i32 to index
      %swap3A_315 = arith.constant 32 : index
      %swap3A_316 = tpu.vector_load %arg10[%swap3A_314, %swap3A_315] {strides = array<i32>} : memref<128x64xf32, #tpu.memory_space<vmem>>, vector<16xf32>,
      tpu.vector_store %arg10[%swap3A_314, %swap3A_315], %broadcast_in_dim3A_313 {strides = array<i32>} : memref<128x64xf32, #tpu.memory_space<vmem>>, vector<16xf32>,
      %broadcast_in_dim3A_317 = arith.constant 0.000000e+00 : f32
      %broadcast_in_dim3A_318 = vector.broadcast %broadcast_in_dim3A_317 : f32 to vector<16xf32>
      %swap3A_319 = arith.index_cast %scan3A_302 : i32 to index
      %swap3A_320 = arith.constant 48 : index
      %swap3A_321 = tpu.vector_load %arg10[%swap3A_319, %swap3A_320] {strides = array<i32>} : memref<128x64xf32, #tpu.memory_space<vmem>>, vector<16xf32>,
      tpu.vector_store %arg10[%swap3A_319, %swap3A_320], %broadcast_in_dim3A_318 {strides = array<i32>} : memref<128x64xf32, #tpu.memory_space<vmem>>, vector<16xf32>,
    }
    %scan3A_14 = arith.constant 128 : i32
    %add3A = arith.constant 0 : i32
    %add3A_15 = arith.addi %mul3A_2, %add3A : i32
    %dma_start3A_16 = arith.constant 0 : i32
    %dma_start3A_17 = tpu.memref_slice %arg11[%add3A_15, %dma_start3A_16] : memref<10240x64xf32, #tpu.memory_space<vmem_shared>> -> memref<128x64xf32, #tpu.memory_space<vmem_shared>>
    %dma_start3A_18 = arith.constant 0 : i32
    %dma_start3A_19 = tpu.memref_slice %arg11[%add3A_15, %dma_start3A_18] : memref<10240x64xf32, #tpu.memory_space<vmem_shared>> -> memref<128x64xf32, #tpu.memory_space<vmem_shared>>
    tpu.enqueue_dma source(%arg10 : memref<128x64xf32, #tpu.memory_space<vmem>>) target(%dma_start3A_19 : memref<128x64xf32, #tpu.memory_space<vmem_shared>>) target_semaphore(%arg14 : memref<!tpu.dma_semaphore, #tpu.memory_space<semaphore_mem>>)
    %add3A_20 = arith.constant 128 : i32
    %add3A_21 = arith.addi %mul3A_2, %add3A_20 : i32
    %dma_start3A_22 = arith.constant 0 : i32
    %dma_start3A_23 = tpu.memref_slice %arg11[%add3A_21, %dma_start3A_22] : memref<10240x64xf32, #tpu.memory_space<vmem_shared>> -> memref<128x64xf32, #tpu.memory_space<vmem_shared>>
    %dma_start3A_24 = arith.constant 0 : i32
    %dma_start3A_25 = tpu.memref_slice %arg11[%add3A_21, %dma_start3A_24] : memref<10240x64xf32, #tpu.memory_space<vmem_shared>> -> memref<128x64xf32, #tpu.memory_space<vmem_shared>>
    tpu.enqueue_dma source(%arg10 : memref<128x64xf32, #tpu.memory_space<vmem>>) target(%dma_start3A_25 : memref<128x64xf32, #tpu.memory_space<vmem_shared>>) target_semaphore(%arg14 : memref<!tpu.dma_semaphore, #tpu.memory_space<semaphore_mem>>)
    %add3A_26 = arith.constant 256 : i32
    %add3A_27 = arith.addi %mul3A_2, %add3A_26 : i32
    %dma_start3A_28 = arith.constant 0 : i32
    %dma_start3A_29 = tpu.memref_slice %arg11[%add3A_27, %dma_start3A_28] : memref<10240x64xf32, #tpu.memory_space<vmem_shared>> -> memref<128x64xf32, #tpu.memory_space<vmem_shared>>
    %dma_start3A_30 = arith.constant 0 : i32
    %dma_start3A_31 = tpu.memref_slice %arg11[%add3A_27, %dma_start3A_30] : memref<10240x64xf32, #tpu.memory_space<vmem_shared>> -> memref<128x64xf32, #tpu.memory_space<vmem_shared>>
    tpu.enqueue_dma source(%arg10 : memref<128x64xf32, #tpu.memory_space<vmem>>) target(%dma_start3A_31 : memref<128x64xf32, #tpu.memory_space<vmem_shared>>) target_semaphore(%arg14 : memref<!tpu.dma_semaphore, #tpu.memory_space<semaphore_mem>>)
    %add3A_32 = arith.constant 384 : i32
    %add3A_33 = arith.addi %mul3A_2, %add3A_32 : i32
    %dma_start3A_34 = arith.constant 0 : i32
    %dma_start3A_35 = tpu.memref_slice %arg11[%add3A_33, %dma_start3A_34] : memref<10240x64xf32, #tpu.memory_space<vmem_shared>> -> memref<128x64xf32, #tpu.memory_space<vmem_shared>>
    %dma_start3A_36 = arith.constant 0 : i32
    %dma_start3A_37 = tpu.memref_slice %arg11[%add3A_33, %dma_start3A_36] : memref<10240x64xf32, #tpu.memory_space<vmem_shared>> -> memref<128x64xf32, #tpu.memory_space<vmem_shared>>
    tpu.enqueue_dma source(%arg10 : memref<128x64xf32, #tpu.memory_space<vmem>>) target(%dma_start3A_37 : memref<128x64xf32, #tpu.memory_space<vmem_shared>>) target_semaphore(%arg14 : memref<!tpu.dma_semaphore, #tpu.memory_space<semaphore_mem>>)
    %add3A_38 = arith.constant 512 : i32
    %add3A_39 = arith.addi %mul3A_2, %add3A_38 : i32
    %dma_start3A_40 = arith.constant 0 : i32
    %dma_start3A_41 = tpu.memref_slice %arg11[%add3A_39, %dma_start3A_40] : memref<10240x64xf32, #tpu.memory_space<vmem_shared>> -> memref<128x64xf32, #tpu.memory_space<vmem_shared>>
    %dma_start3A_42 = arith.constant 0 : i32
    %dma_start3A_43 = tpu.memref_slice %arg11[%add3A_39, %dma_start3A_42] : memref<10240x64xf32, #tpu.memory_space<vmem_shared>> -> memref<128x64xf32, #tpu.memory_space<vmem_shared>>
    tpu.enqueue_dma source(%arg10 : memref<128x64xf32, #tpu.memory_space<vmem>>) target(%dma_start3A_43 : memref<128x64xf32, #tpu.memory_space<vmem_shared>>) target_semaphore(%arg14 : memref<!tpu.dma_semaphore, #tpu.memory_space<semaphore_mem>>)
    %dma_wait3A = arith.constant 0 : i32
    %dma_wait3A_44 = tpu.memref_slice %arg3[%mul3A_0, %dma_wait3A] : memref<2560x128xi32, #tpu.memory_space<hbm>> -> memref<160x128xi32, #tpu.memory_space<hbm>>
    %dma_wait3A_45 = arith.constant 0 : i32
    %dma_wait3A_46 = tpu.memref_slice %arg3[%mul3A_0, %dma_wait3A_45] : memref<2560x128xi32, #tpu.memory_space<hbm>> -> memref<160x128xi32, #tpu.memory_space<hbm>>
    tpu.wait_dma2 semaphore(%arg12 : memref<!tpu.dma_semaphore, #tpu.memory_space<semaphore_mem>>) src(%dma_wait3A_46 : memref<160x128xi32, #tpu.memory_space<hbm>>) dst(%arg6 : memref<160x128xi32, #tpu.memory_space<vmem>>)
    %mul3A_47 = arith.constant 10240 : i32
    %mul3A_48 = arith.muli %arg0, %mul3A_47 : i32
    %broadcast_in_dim3A = vector.broadcast %mul3A_48 : i32 to vector<16xi32>
    %scan3A_49 = arith.constant 0 : i32
    %scan3A_50 = arith.constant 0 : i32
    %scan3A_51 = arith.constant 160 : i32
    %scan3A_52 = arith.addi %scan3A_50, %scan3A_51 : i32
    %scan3A_53 = arith.constant 1 : i32
    scf.for %scan3A_302 = %scan3A_50 to %scan3A_52 step %scan3A_53  : i32 {
      %get3A = arith.index_cast %scan3A_302 : i32 to index
      %get3A_303 = arith.constant 0 : index
      %get3A_304 = tpu.vector_load %arg6[%get3A, %get3A_303] {strides = array<i32>} : memref<160x128xi32, #tpu.memory_space<vmem>>, vector<16xi32>,
      %add3A_305 = arith.addi %get3A_304, %broadcast_in_dim3A : vector<16xi32>
      %swap3A = arith.index_cast %scan3A_302 : i32 to index
      %swap3A_306 = arith.constant 0 : index
      %swap3A_307 = tpu.vector_load %arg6[%swap3A, %swap3A_306] {strides = array<i32>} : memref<160x128xi32, #tpu.memory_space<vmem>>, vector<16xi32>,
      tpu.vector_store %arg6[%swap3A, %swap3A_306], %add3A_305 {strides = array<i32>} : memref<160x128xi32, #tpu.memory_space<vmem>>, vector<16xi32>,
      %get3A_308 = arith.index_cast %scan3A_302 : i32 to index
      %get3A_309 = arith.constant 16 : index
      %get3A_310 = tpu.vector_load %arg6[%get3A_308, %get3A_309] {strides = array<i32>} : memref<160x128xi32, #tpu.memory_space<vmem>>, vector<16xi32>,
      %add3A_311 = arith.addi %get3A_310, %broadcast_in_dim3A : vector<16xi32>
      %swap3A_312 = arith.index_cast %scan3A_302 : i32 to index
      %swap3A_313 = arith.constant 16 : index
      %swap3A_314 = tpu.vector_load %arg6[%swap3A_312, %swap3A_313] {strides = array<i32>} : memref<160x128xi32, #tpu.memory_space<vmem>>, vector<16xi32>,
      tpu.vector_store %arg6[%swap3A_312, %swap3A_313], %add3A_311 {strides = array<i32>} : memref<160x128xi32, #tpu.memory_space<vmem>>, vector<16xi32>,
      %get3A_315 = arith.index_cast %scan3A_302 : i32 to index
      %get3A_316 = arith.constant 32 : index
      %get3A_317 = tpu.vector_load %arg6[%get3A_315, %get3A_316] {strides = array<i32>} : memref<160x128xi32, #tpu.memory_space<vmem>>, vector<16xi32>,
      %add3A_318 = arith.addi %get3A_317, %broadcast_in_dim3A : vector<16xi32>
      %swap3A_319 = arith.index_cast %scan3A_302 : i32 to index
      %swap3A_320 = arith.constant 32 : index
      %swap3A_321 = tpu.vector_load %arg6[%swap3A_319, %swap3A_320] {strides = array<i32>} : memref<160x128xi32, #tpu.memory_space<vmem>>, vector<16xi32>,
      tpu.vector_store %arg6[%swap3A_319, %swap3A_320], %add3A_318 {strides = array<i32>} : memref<160x128xi32, #tpu.memory_space<vmem>>, vector<16xi32>,
      %get3A_322 = arith.index_cast %scan3A_302 : i32 to index
      %get3A_323 = arith.constant 48 : index
      %get3A_324 = tpu.vector_load %arg6[%get3A_322, %get3A_323] {strides = array<i32>} : memref<160x128xi32, #tpu.memory_space<vmem>>, vector<16xi32>,
      %add3A_325 = arith.addi %get3A_324, %broadcast_in_dim3A : vector<16xi32>
      %swap3A_326 = arith.index_cast %scan3A_302 : i32 to index
      %swap3A_327 = arith.constant 48 : index
      %swap3A_328 = tpu.vector_load %arg6[%swap3A_326, %swap3A_327] {strides = array<i32>} : memref<160x128xi32, #tpu.memory_space<vmem>>, vector<16xi32>,
      tpu.vector_store %arg6[%swap3A_326, %swap3A_327], %add3A_325 {strides = array<i32>} : memref<160x128xi32, #tpu.memory_space<vmem>>, vector<16xi32>,
      %get3A_329 = arith.index_cast %scan3A_302 : i32 to index
      %get3A_330 = arith.constant 64 : index
      %get3A_331 = tpu.vector_load %arg6[%get3A_329, %get3A_330] {strides = array<i32>} : memref<160x128xi32, #tpu.memory_space<vmem>>, vector<16xi32>,
      %add3A_332 = arith.addi %get3A_331, %broadcast_in_dim3A : vector<16xi32>
      %swap3A_333 = arith.index_cast %scan3A_302 : i32 to index
      %swap3A_334 = arith.constant 64 : index
      %swap3A_335 = tpu.vector_load %arg6[%swap3A_333, %swap3A_334] {strides = array<i32>} : memref<160x128xi32, #tpu.memory_space<vmem>>, vector<16xi32>,
      tpu.vector_store %arg6[%swap3A_333, %swap3A_334], %add3A_332 {strides = array<i32>} : memref<160x128xi32, #tpu.memory_space<vmem>>, vector<16xi32>,
      %get3A_336 = arith.index_cast %scan3A_302 : i32 to index
      %get3A_337 = arith.constant 80 : index
      %get3A_338 = tpu.vector_load %arg6[%get3A_336, %get3A_337] {strides = array<i32>} : memref<160x128xi32, #tpu.memory_space<vmem>>, vector<16xi32>,
      %add3A_339 = arith.addi %get3A_338, %broadcast_in_dim3A : vector<16xi32>
      %swap3A_340 = arith.index_cast %scan3A_302 : i32 to index
      %swap3A_341 = arith.constant 80 : index
      %swap3A_342 = tpu.vector_load %arg6[%swap3A_340, %swap3A_341] {strides = array<i32>} : memref<160x128xi32, #tpu.memory_space<vmem>>, vector<16xi32>,
      tpu.vector_store %arg6[%swap3A_340, %swap3A_341], %add3A_339 {strides = array<i32>} : memref<160x128xi32, #tpu.memory_space<vmem>>, vector<16xi32>,
      %get3A_343 = arith.index_cast %scan3A_302 : i32 to index
      %get3A_344 = arith.constant 96 : index
      %get3A_345 = tpu.vector_load %arg6[%get3A_343, %get3A_344] {strides = array<i32>} : memref<160x128xi32, #tpu.memory_space<vmem>>, vector<16xi32>,
      %add3A_346 = arith.addi %get3A_345, %broadcast_in_dim3A : vector<16xi32>
      %swap3A_347 = arith.index_cast %scan3A_302 : i32 to index
      %swap3A_348 = arith.constant 96 : index
      %swap3A_349 = tpu.vector_load %arg6[%swap3A_347, %swap3A_348] {strides = array<i32>} : memref<160x128xi32, #tpu.memory_space<vmem>>, vector<16xi32>,
      tpu.vector_store %arg6[%swap3A_347, %swap3A_348], %add3A_346 {strides = array<i32>} : memref<160x128xi32, #tpu.memory_space<vmem>>, vector<16xi32>,
      %get3A_350 = arith.index_cast %scan3A_302 : i32 to index
      %get3A_351 = arith.constant 112 : index
      %get3A_352 = tpu.vector_load %arg6[%get3A_350, %get3A_351] {strides = array<i32>} : memref<160x128xi32, #tpu.memory_space<vmem>>, vector<16xi32>,
      %add3A_353 = arith.addi %get3A_352, %broadcast_in_dim3A : vector<16xi32>
      %swap3A_354 = arith.index_cast %scan3A_302 : i32 to index
      %swap3A_355 = arith.constant 112 : index
      %swap3A_356 = tpu.vector_load %arg6[%swap3A_354, %swap3A_355] {strides = array<i32>} : memref<160x128xi32, #tpu.memory_space<vmem>>, vector<16xi32>,
      tpu.vector_store %arg6[%swap3A_354, %swap3A_355], %add3A_353 {strides = array<i32>} : memref<160x128xi32, #tpu.memory_space<vmem>>, vector<16xi32>,
    }
    %scan3A_54 = arith.constant 160 : i32
    %dma_wait3A_55 = arith.constant 0 : i32
    %dma_wait3A_56 = tpu.memref_slice %arg4[%mul3A_0, %dma_wait3A_55] : memref<2560x128xi32, #tpu.memory_space<hbm>> -> memref<160x128xi32, #tpu.memory_space<hbm>>
    %dma_wait3A_57 = arith.constant 0 : i32
    %dma_wait3A_58 = tpu.memref_slice %arg4[%mul3A_0, %dma_wait3A_57] : memref<2560x128xi32, #tpu.memory_space<hbm>> -> memref<160x128xi32, #tpu.memory_space<hbm>>
    tpu.wait_dma2 semaphore(%arg13 : memref<!tpu.dma_semaphore, #tpu.memory_space<semaphore_mem>>) src(%dma_wait3A_58 : memref<160x128xi32, #tpu.memory_space<hbm>>) dst(%arg7 : memref<160x128xi32, #tpu.memory_space<vmem>>)
    %dma_wait3A_59 = arith.constant 0 : i32
    %dma_wait3A_60 = tpu.memref_slice %arg11[%add3A_15, %dma_wait3A_59] : memref<10240x64xf32, #tpu.memory_space<vmem_shared>> -> memref<128x64xf32, #tpu.memory_space<vmem_shared>>
    %dma_wait3A_61 = arith.constant 0 : i32
    %dma_wait3A_62 = tpu.memref_slice %arg11[%add3A_15, %dma_wait3A_61] : memref<10240x64xf32, #tpu.memory_space<vmem_shared>> -> memref<128x64xf32, #tpu.memory_space<vmem_shared>>
    tpu.wait_dma2 semaphore(%arg14 : memref<!tpu.dma_semaphore, #tpu.memory_space<semaphore_mem>>) src(%arg10 : memref<128x64xf32, #tpu.memory_space<vmem>>) dst(%dma_wait3A_62 : memref<128x64xf32, #tpu.memory_space<vmem_shared>>)
    %dma_wait3A_63 = arith.constant 0 : i32
    %dma_wait3A_64 = tpu.memref_slice %arg11[%add3A_21, %dma_wait3A_63] : memref<10240x64xf32, #tpu.memory_space<vmem_shared>> -> memref<128x64xf32, #tpu.memory_space<vmem_shared>>
    %dma_wait3A_65 = arith.constant 0 : i32
    %dma_wait3A_66 = tpu.memref_slice %arg11[%add3A_21, %dma_wait3A_65] : memref<10240x64xf32, #tpu.memory_space<vmem_shared>> -> memref<128x64xf32, #tpu.memory_space<vmem_shared>>
    tpu.wait_dma2 semaphore(%arg14 : memref<!tpu.dma_semaphore, #tpu.memory_space<semaphore_mem>>) src(%arg10 : memref<128x64xf32, #tpu.memory_space<vmem>>) dst(%dma_wait3A_66 : memref<128x64xf32, #tpu.memory_space<vmem_shared>>)
    %dma_wait3A_67 = arith.constant 0 : i32
    %dma_wait3A_68 = tpu.memref_slice %arg11[%add3A_27, %dma_wait3A_67] : memref<10240x64xf32, #tpu.memory_space<vmem_shared>> -> memref<128x64xf32, #tpu.memory_space<vmem_shared>>
    %dma_wait3A_69 = arith.constant 0 : i32
    %dma_wait3A_70 = tpu.memref_slice %arg11[%add3A_27, %dma_wait3A_69] : memref<10240x64xf32, #tpu.memory_space<vmem_shared>> -> memref<128x64xf32, #tpu.memory_space<vmem_shared>>
    tpu.wait_dma2 semaphore(%arg14 : memref<!tpu.dma_semaphore, #tpu.memory_space<semaphore_mem>>) src(%arg10 : memref<128x64xf32, #tpu.memory_space<vmem>>) dst(%dma_wait3A_70 : memref<128x64xf32, #tpu.memory_space<vmem_shared>>)
    %dma_wait3A_71 = arith.constant 0 : i32
    %dma_wait3A_72 = tpu.memref_slice %arg11[%add3A_33, %dma_wait3A_71] : memref<10240x64xf32, #tpu.memory_space<vmem_shared>> -> memref<128x64xf32, #tpu.memory_space<vmem_shared>>
    %dma_wait3A_73 = arith.constant 0 : i32
    %dma_wait3A_74 = tpu.memref_slice %arg11[%add3A_33, %dma_wait3A_73] : memref<10240x64xf32, #tpu.memory_space<vmem_shared>> -> memref<128x64xf32, #tpu.memory_space<vmem_shared>>
    tpu.wait_dma2 semaphore(%arg14 : memref<!tpu.dma_semaphore, #tpu.memory_space<semaphore_mem>>) src(%arg10 : memref<128x64xf32, #tpu.memory_space<vmem>>) dst(%dma_wait3A_74 : memref<128x64xf32, #tpu.memory_space<vmem_shared>>)
    %dma_wait3A_75 = arith.constant 0 : i32
    %dma_wait3A_76 = tpu.memref_slice %arg11[%add3A_39, %dma_wait3A_75] : memref<10240x64xf32, #tpu.memory_space<vmem_shared>> -> memref<128x64xf32, #tpu.memory_space<vmem_shared>>
    %dma_wait3A_77 = arith.constant 0 : i32
    %dma_wait3A_78 = tpu.memref_slice %arg11[%add3A_39, %dma_wait3A_77] : memref<10240x64xf32, #tpu.memory_space<vmem_shared>> -> memref<128x64xf32, #tpu.memory_space<vmem_shared>>
    tpu.wait_dma2 semaphore(%arg14 : memref<!tpu.dma_semaphore, #tpu.memory_space<semaphore_mem>>) src(%arg10 : memref<128x64xf32, #tpu.memory_space<vmem>>) dst(%dma_wait3A_78 : memref<128x64xf32, #tpu.memory_space<vmem_shared>>)
    %dma_start3A_79 = arith.constant 0 : i32
    %dma_start3A_80 = arith.constant 0 : i32
    %dma_start3A_81 = arith.constant 0 : i32
    %dma_start3A_82 = arith.constant 0 : i32
    %dma_start3A_83 = tpu.memref_slice %arg8[%dma_start3A_80, %dma_start3A_81, %dma_start3A_82] : memref<2x128x64xbf16, #tpu.memory_space<vmem>> -> memref<1x128x64xbf16, #tpu.memory_space<vmem>>
    %dma_start3A_84 = tpu.memref_squeeze %dma_start3A_83 : memref<1x128x64xbf16, #tpu.memory_space<vmem>> -> memref<128x64xbf16, #tpu.memory_space<vmem>>
    %dma_start3A_85 = arith.constant 0 : i32
    %dma_start3A_86 = tpu.memref_slice %arg6[%dma_start3A_79, %dma_start3A_85] : memref<160x128xi32, #tpu.memory_space<vmem>> -> memref<1x128xi32, #tpu.memory_space<vmem>>
    %dma_start3A_87 = tpu.memref_squeeze %dma_start3A_86 : memref<1x128xi32, #tpu.memory_space<vmem>> -> memref<128xi32, #tpu.memory_space<vmem>>
    %dma_start3A_88 = arith.constant 0 : i32
    %dma_start3A_89 = arith.constant 0 : i32
    %dma_start3A_90 = tpu.memref_slice %arg2[%dma_start3A_88, %dma_start3A_89] : memref<20480x64xbf16, #tpu.memory_space<hbm>> -> memref<20480x64xbf16, #tpu.memory_space<hbm>>
    tpu.enqueue_indirect_dma source(%dma_start3A_90 : memref<20480x64xbf16, #tpu.memory_space<hbm>>) target(%dma_start3A_84 : memref<128x64xbf16, #tpu.memory_space<vmem>>) offsets(%dma_start3A_87 : memref<128xi32, #tpu.memory_space<vmem>>) semaphore(%arg12 : memref<!tpu.dma_semaphore, #tpu.memory_space<semaphore_mem>>)
    %dma_start3A_91 = arith.constant 1 : i32
    %dma_start3A_92 = arith.constant 1 : i32
    %dma_start3A_93 = arith.constant 0 : i32
    %dma_start3A_94 = arith.constant 0 : i32
    %dma_start3A_95 = tpu.memref_slice %arg8[%dma_start3A_92, %dma_start3A_93, %dma_start3A_94] : memref<2x128x64xbf16, #tpu.memory_space<vmem>> -> memref<1x128x64xbf16, #tpu.memory_space<vmem>>
    %dma_start3A_96 = tpu.memref_squeeze %dma_start3A_95 : memref<1x128x64xbf16, #tpu.memory_space<vmem>> -> memref<128x64xbf16, #tpu.memory_space<vmem>>
    %dma_start3A_97 = arith.constant 0 : i32
    %dma_start3A_98 = tpu.memref_slice %arg6[%dma_start3A_91, %dma_start3A_97] : memref<160x128xi32, #tpu.memory_space<vmem>> -> memref<1x128xi32, #tpu.memory_space<vmem>>
    %dma_start3A_99 = tpu.memref_squeeze %dma_start3A_98 : memref<1x128xi32, #tpu.memory_space<vmem>> -> memref<128xi32, #tpu.memory_space<vmem>>
    %dma_start3A_100 = arith.constant 0 : i32
    %dma_start3A_101 = arith.constant 0 : i32
    %dma_start3A_102 = tpu.memref_slice %arg2[%dma_start3A_100, %dma_start3A_101] : memref<20480x64xbf16, #tpu.memory_space<hbm>> -> memref<20480x64xbf16, #tpu.memory_space<hbm>>
    tpu.enqueue_indirect_dma source(%dma_start3A_102 : memref<20480x64xbf16, #tpu.memory_space<hbm>>) target(%dma_start3A_96 : memref<128x64xbf16, #tpu.memory_space<vmem>>) offsets(%dma_start3A_99 : memref<128xi32, #tpu.memory_space<vmem>>) semaphore(%arg13 : memref<!tpu.dma_semaphore, #tpu.memory_space<semaphore_mem>>)
    %barrier3A = arith.constant 0 : index
    tpu.barrier barrier_id(%barrier3A)
    %dma_wait3A_103 = arith.constant 0 : i32
    %dma_wait3A_104 = arith.constant 0 : i32
    %dma_wait3A_105 = arith.constant 0 : i32
    %dma_wait3A_106 = arith.constant 0 : i32
    %dma_wait3A_107 = tpu.memref_slice %arg8[%dma_wait3A_104, %dma_wait3A_105, %dma_wait3A_106] : memref<2x128x64xbf16, #tpu.memory_space<vmem>> -> memref<1x128x64xbf16, #tpu.memory_space<vmem>>
    %dma_wait3A_108 = tpu.memref_squeeze %dma_wait3A_107 : memref<1x128x64xbf16, #tpu.memory_space<vmem>> -> memref<128x64xbf16, #tpu.memory_space<vmem>>
    %dma_wait3A_109 = arith.constant 0 : i32
    %dma_wait3A_110 = tpu.memref_slice %arg6[%dma_wait3A_103, %dma_wait3A_109] : memref<160x128xi32, #tpu.memory_space<vmem>> -> memref<1x128xi32, #tpu.memory_space<vmem>>
    %dma_wait3A_111 = tpu.memref_squeeze %dma_wait3A_110 : memref<1x128xi32, #tpu.memory_space<vmem>> -> memref<128xi32, #tpu.memory_space<vmem>>
    %dma_wait3A_112 = arith.constant 0 : i32
    %dma_wait3A_113 = arith.constant 0 : i32
    %dma_wait3A_114 = tpu.memref_slice %arg2[%dma_wait3A_112, %dma_wait3A_113] : memref<20480x64xbf16, #tpu.memory_space<hbm>> -> memref<20480x64xbf16, #tpu.memory_space<hbm>>
    tpu.wait_indirect_dma semaphore(%arg12 : memref<!tpu.dma_semaphore, #tpu.memory_space<semaphore_mem>>) src(%dma_wait3A_114 : memref<20480x64xbf16, #tpu.memory_space<hbm>>) dst(%dma_wait3A_108 : memref<128x64xbf16, #tpu.memory_space<vmem>>)
    %scan3A_115 = arith.constant 0 : i32
    %scan3A_116 = arith.constant 0 : i32
    %scan3A_117 = arith.constant 128 : i32
    %scan3A_118 = arith.addi %scan3A_116, %scan3A_117 : i32
    %scan3A_119 = arith.constant 1 : i32
    scf.for %scan3A_302 = %scan3A_116 to %scan3A_118 step %scan3A_119  : i32 {
      %get3A = arith.constant 0 : i32
      %get3A_303 = arith.index_cast %get3A : i32 to index
      %get3A_304 = arith.index_cast %scan3A_302 : i32 to index
      %get3A_305 = arith.constant 0 : index
      %get3A_306 = tpu.vector_load %arg8[%get3A_303, %get3A_304, %get3A_305] {strides = array<i32>} : memref<2x128x64xbf16, #tpu.memory_space<vmem>>, vector<32xbf16>,
      %unpack3A = tpu.unpack_subelements %get3A_306, 0 {pack_format = #tpu.pack_format<interleaved>} : vector<32xbf16> -> vector<16xf32>
      %unpack3A_307 = tpu.unpack_subelements %get3A_306, 1 {pack_format = #tpu.pack_format<interleaved>} : vector<32xbf16> -> vector<16xf32>
      %swap3A = arith.constant 0 : i32
      %swap3A_308 = arith.index_cast %swap3A : i32 to index
      %swap3A_309 = arith.index_cast %scan3A_302 : i32 to index
      %swap3A_310 = arith.constant 0 : index
      %swap3A_311 = tpu.vector_load %arg9[%swap3A_308, %swap3A_309, %swap3A_310] {strides = array<i32>} : memref<2x128x64xf32, #tpu.memory_space<vmem>>, vector<16xf32>,
      tpu.vector_store %arg9[%swap3A_308, %swap3A_309, %swap3A_310], %unpack3A {strides = array<i32>} : memref<2x128x64xf32, #tpu.memory_space<vmem>>, vector<16xf32>,
      %swap3A_312 = arith.constant 0 : i32
      %swap3A_313 = arith.index_cast %swap3A_312 : i32 to index
      %swap3A_314 = arith.index_cast %scan3A_302 : i32 to index
      %swap3A_315 = arith.constant 16 : index
      %swap3A_316 = tpu.vector_load %arg9[%swap3A_313, %swap3A_314, %swap3A_315] {strides = array<i32>} : memref<2x128x64xf32, #tpu.memory_space<vmem>>, vector<16xf32>,
      tpu.vector_store %arg9[%swap3A_313, %swap3A_314, %swap3A_315], %unpack3A_307 {strides = array<i32>} : memref<2x128x64xf32, #tpu.memory_space<vmem>>, vector<16xf32>,
      %get3A_317 = arith.constant 0 : i32
      %get3A_318 = arith.index_cast %get3A_317 : i32 to index
      %get3A_319 = arith.index_cast %scan3A_302 : i32 to index
      %get3A_320 = arith.constant 32 : index
      %get3A_321 = tpu.vector_load %arg8[%get3A_318, %get3A_319, %get3A_320] {strides = array<i32>} : memref<2x128x64xbf16, #tpu.memory_space<vmem>>, vector<32xbf16>,
      %unpack3A_322 = tpu.unpack_subelements %get3A_321, 0 {pack_format = #tpu.pack_format<interleaved>} : vector<32xbf16> -> vector<16xf32>
      %unpack3A_323 = tpu.unpack_subelements %get3A_321, 1 {pack_format = #tpu.pack_format<interleaved>} : vector<32xbf16> -> vector<16xf32>
      %swap3A_324 = arith.constant 0 : i32
      %swap3A_325 = arith.index_cast %swap3A_324 : i32 to index
      %swap3A_326 = arith.index_cast %scan3A_302 : i32 to index
      %swap3A_327 = arith.constant 32 : index
      %swap3A_328 = tpu.vector_load %arg9[%swap3A_325, %swap3A_326, %swap3A_327] {strides = array<i32>} : memref<2x128x64xf32, #tpu.memory_space<vmem>>, vector<16xf32>,
      tpu.vector_store %arg9[%swap3A_325, %swap3A_326, %swap3A_327], %unpack3A_322 {strides = array<i32>} : memref<2x128x64xf32, #tpu.memory_space<vmem>>, vector<16xf32>,
      %swap3A_329 = arith.constant 0 : i32
      %swap3A_330 = arith.index_cast %swap3A_329 : i32 to index
      %swap3A_331 = arith.index_cast %scan3A_302 : i32 to index
      %swap3A_332 = arith.constant 48 : index
      %swap3A_333 = tpu.vector_load %arg9[%swap3A_330, %swap3A_331, %swap3A_332] {strides = array<i32>} : memref<2x128x64xf32, #tpu.memory_space<vmem>>, vector<16xf32>,
      tpu.vector_store %arg9[%swap3A_330, %swap3A_331, %swap3A_332], %unpack3A_323 {strides = array<i32>} : memref<2x128x64xf32, #tpu.memory_space<vmem>>, vector<16xf32>,
    }
    %scan3A_120 = arith.constant 128 : i32
    %dma_start3A_121 = arith.constant 0 : i32
    %dma_start3A_122 = arith.constant 0 : i32
    %dma_start3A_123 = arith.constant 0 : i32
    %dma_start3A_124 = arith.constant 0 : i32
    %dma_start3A_125 = tpu.memref_slice %arg9[%dma_start3A_121, %dma_start3A_123, %dma_start3A_124] : memref<2x128x64xf32, #tpu.memory_space<vmem>> -> memref<1x128x64xf32, #tpu.memory_space<vmem>>
    %dma_start3A_126 = tpu.memref_squeeze %dma_start3A_125 : memref<1x128x64xf32, #tpu.memory_space<vmem>> -> memref<128x64xf32, #tpu.memory_space<vmem>>
    %dma_start3A_127 = arith.constant 0 : i32
    %dma_start3A_128 = tpu.memref_slice %arg7[%dma_start3A_122, %dma_start3A_127] : memref<160x128xi32, #tpu.memory_space<vmem>> -> memref<1x128xi32, #tpu.memory_space<vmem>>
    %dma_start3A_129 = tpu.memref_squeeze %dma_start3A_128 : memref<1x128xi32, #tpu.memory_space<vmem>> -> memref<128xi32, #tpu.memory_space<vmem>>
    %dma_start3A_130 = arith.constant 0 : i32
    %dma_start3A_131 = arith.constant 0 : i32
    %dma_start3A_132 = tpu.memref_slice %arg11[%dma_start3A_130, %dma_start3A_131] : memref<10240x64xf32, #tpu.memory_space<vmem_shared>> -> memref<10240x64xf32, #tpu.memory_space<vmem_shared>>
    tpu.enqueue_indirect_dma source(%dma_start3A_126 : memref<128x64xf32, #tpu.memory_space<vmem>>) target(%dma_start3A_132 : memref<10240x64xf32, #tpu.memory_space<vmem_shared>>) offsets(%dma_start3A_129 : memref<128xi32, #tpu.memory_space<vmem>>) semaphore(%arg14 : memref<!tpu.dma_semaphore, #tpu.memory_space<semaphore_mem>>) {add = true}
    %dma_start3A_133 = arith.constant 2 : i32
    %dma_start3A_134 = arith.constant 0 : i32
    %dma_start3A_135 = arith.constant 0 : i32
    %dma_start3A_136 = arith.constant 0 : i32
    %dma_start3A_137 = tpu.memref_slice %arg8[%dma_start3A_134, %dma_start3A_135, %dma_start3A_136] : memref<2x128x64xbf16, #tpu.memory_space<vmem>> -> memref<1x128x64xbf16, #tpu.memory_space<vmem>>
    %dma_start3A_138 = tpu.memref_squeeze %dma_start3A_137 : memref<1x128x64xbf16, #tpu.memory_space<vmem>> -> memref<128x64xbf16, #tpu.memory_space<vmem>>
    %dma_start3A_139 = arith.constant 0 : i32
    %dma_start3A_140 = tpu.memref_slice %arg6[%dma_start3A_133, %dma_start3A_139] : memref<160x128xi32, #tpu.memory_space<vmem>> -> memref<1x128xi32, #tpu.memory_space<vmem>>
    %dma_start3A_141 = tpu.memref_squeeze %dma_start3A_140 : memref<1x128xi32, #tpu.memory_space<vmem>> -> memref<128xi32, #tpu.memory_space<vmem>>
    %dma_start3A_142 = arith.constant 0 : i32
    %dma_start3A_143 = arith.constant 0 : i32
    %dma_start3A_144 = tpu.memref_slice %arg2[%dma_start3A_142, %dma_start3A_143] : memref<20480x64xbf16, #tpu.memory_space<hbm>> -> memref<20480x64xbf16, #tpu.memory_space<hbm>>
    tpu.enqueue_indirect_dma source(%dma_start3A_144 : memref<20480x64xbf16, #tpu.memory_space<hbm>>) target(%dma_start3A_138 : memref<128x64xbf16, #tpu.memory_space<vmem>>) offsets(%dma_start3A_141 : memref<128xi32, #tpu.memory_space<vmem>>) semaphore(%arg12 : memref<!tpu.dma_semaphore, #tpu.memory_space<semaphore_mem>>)
    %dma_wait3A_145 = arith.constant 1 : i32
    %dma_wait3A_146 = arith.constant 1 : i32
    %dma_wait3A_147 = arith.constant 0 : i32
    %dma_wait3A_148 = arith.constant 0 : i32
    %dma_wait3A_149 = tpu.memref_slice %arg8[%dma_wait3A_146, %dma_wait3A_147, %dma_wait3A_148] : memref<2x128x64xbf16, #tpu.memory_space<vmem>> -> memref<1x128x64xbf16, #tpu.memory_space<vmem>>
    %dma_wait3A_150 = tpu.memref_squeeze %dma_wait3A_149 : memref<1x128x64xbf16, #tpu.memory_space<vmem>> -> memref<128x64xbf16, #tpu.memory_space<vmem>>
    %dma_wait3A_151 = arith.constant 0 : i32
    %dma_wait3A_152 = tpu.memref_slice %arg6[%dma_wait3A_145, %dma_wait3A_151] : memref<160x128xi32, #tpu.memory_space<vmem>> -> memref<1x128xi32, #tpu.memory_space<vmem>>
    %dma_wait3A_153 = tpu.memref_squeeze %dma_wait3A_152 : memref<1x128xi32, #tpu.memory_space<vmem>> -> memref<128xi32, #tpu.memory_space<vmem>>
    %dma_wait3A_154 = arith.constant 0 : i32
    %dma_wait3A_155 = arith.constant 0 : i32
    %dma_wait3A_156 = tpu.memref_slice %arg2[%dma_wait3A_154, %dma_wait3A_155] : memref<20480x64xbf16, #tpu.memory_space<hbm>> -> memref<20480x64xbf16, #tpu.memory_space<hbm>>
    tpu.wait_indirect_dma semaphore(%arg13 : memref<!tpu.dma_semaphore, #tpu.memory_space<semaphore_mem>>) src(%dma_wait3A_156 : memref<20480x64xbf16, #tpu.memory_space<hbm>>) dst(%dma_wait3A_150 : memref<128x64xbf16, #tpu.memory_space<vmem>>)
    %scan3A_157 = arith.constant 0 : i32
    %scan3A_158 = arith.constant 0 : i32
    %scan3A_159 = arith.constant 128 : i32
    %scan3A_160 = arith.addi %scan3A_158, %scan3A_159 : i32
    %scan3A_161 = arith.constant 1 : i32
    scf.for %scan3A_302 = %scan3A_158 to %scan3A_160 step %scan3A_161  : i32 {
      %get3A = arith.constant 1 : i32
      %get3A_303 = arith.index_cast %get3A : i32 to index
      %get3A_304 = arith.index_cast %scan3A_302 : i32 to index
      %get3A_305 = arith.constant 0 : index
      %get3A_306 = tpu.vector_load %arg8[%get3A_303, %get3A_304, %get3A_305] {strides = array<i32>} : memref<2x128x64xbf16, #tpu.memory_space<vmem>>, vector<32xbf16>,
      %unpack3A = tpu.unpack_subelements %get3A_306, 0 {pack_format = #tpu.pack_format<interleaved>} : vector<32xbf16> -> vector<16xf32>
      %unpack3A_307 = tpu.unpack_subelements %get3A_306, 1 {pack_format = #tpu.pack_format<interleaved>} : vector<32xbf16> -> vector<16xf32>
      %swap3A = arith.constant 1 : i32
      %swap3A_308 = arith.index_cast %swap3A : i32 to index
      %swap3A_309 = arith.index_cast %scan3A_302 : i32 to index
      %swap3A_310 = arith.constant 0 : index
      %swap3A_311 = tpu.vector_load %arg9[%swap3A_308, %swap3A_309, %swap3A_310] {strides = array<i32>} : memref<2x128x64xf32, #tpu.memory_space<vmem>>, vector<16xf32>,
      tpu.vector_store %arg9[%swap3A_308, %swap3A_309, %swap3A_310], %unpack3A {strides = array<i32>} : memref<2x128x64xf32, #tpu.memory_space<vmem>>, vector<16xf32>,
      %swap3A_312 = arith.constant 1 : i32
      %swap3A_313 = arith.index_cast %swap3A_312 : i32 to index
      %swap3A_314 = arith.index_cast %scan3A_302 : i32 to index
      %swap3A_315 = arith.constant 16 : index
      %swap3A_316 = tpu.vector_load %arg9[%swap3A_313, %swap3A_314, %swap3A_315] {strides = array<i32>} : memref<2x128x64xf32, #tpu.memory_space<vmem>>, vector<16xf32>,
      tpu.vector_store %arg9[%swap3A_313, %swap3A_314, %swap3A_315], %unpack3A_307 {strides = array<i32>} : memref<2x128x64xf32, #tpu.memory_space<vmem>>, vector<16xf32>,
      %get3A_317 = arith.constant 1 : i32
      %get3A_318 = arith.index_cast %get3A_317 : i32 to index
      %get3A_319 = arith.index_cast %scan3A_302 : i32 to index
      %get3A_320 = arith.constant 32 : index
      %get3A_321 = tpu.vector_load %arg8[%get3A_318, %get3A_319, %get3A_320] {strides = array<i32>} : memref<2x128x64xbf16, #tpu.memory_space<vmem>>, vector<32xbf16>,
      %unpack3A_322 = tpu.unpack_subelements %get3A_321, 0 {pack_format = #tpu.pack_format<interleaved>} : vector<32xbf16> -> vector<16xf32>
      %unpack3A_323 = tpu.unpack_subelements %get3A_321, 1 {pack_format = #tpu.pack_format<interleaved>} : vector<32xbf16> -> vector<16xf32>
      %swap3A_324 = arith.constant 1 : i32
      %swap3A_325 = arith.index_cast %swap3A_324 : i32 to index
      %swap3A_326 = arith.index_cast %scan3A_302 : i32 to index
      %swap3A_327 = arith.constant 32 : index
      %swap3A_328 = tpu.vector_load %arg9[%swap3A_325, %swap3A_326, %swap3A_327] {strides = array<i32>} : memref<2x128x64xf32, #tpu.memory_space<vmem>>, vector<16xf32>,
      tpu.vector_store %arg9[%swap3A_325, %swap3A_326, %swap3A_327], %unpack3A_322 {strides = array<i32>} : memref<2x128x64xf32, #tpu.memory_space<vmem>>, vector<16xf32>,
      %swap3A_329 = arith.constant 1 : i32
      %swap3A_330 = arith.index_cast %swap3A_329 : i32 to index
      %swap3A_331 = arith.index_cast %scan3A_302 : i32 to index
      %swap3A_332 = arith.constant 48 : index
      %swap3A_333 = tpu.vector_load %arg9[%swap3A_330, %swap3A_331, %swap3A_332] {strides = array<i32>} : memref<2x128x64xf32, #tpu.memory_space<vmem>>, vector<16xf32>,
      tpu.vector_store %arg9[%swap3A_330, %swap3A_331, %swap3A_332], %unpack3A_323 {strides = array<i32>} : memref<2x128x64xf32, #tpu.memory_space<vmem>>, vector<16xf32>,
    }
    %scan3A_162 = arith.constant 128 : i32
    %dma_start3A_163 = arith.constant 1 : i32
    %dma_start3A_164 = arith.constant 1 : i32
    %dma_start3A_165 = arith.constant 0 : i32
    %dma_start3A_166 = arith.constant 0 : i32
    %dma_start3A_167 = tpu.memref_slice %arg9[%dma_start3A_163, %dma_start3A_165, %dma_start3A_166] : memref<2x128x64xf32, #tpu.memory_space<vmem>> -> memref<1x128x64xf32, #tpu.memory_space<vmem>>
    %dma_start3A_168 = tpu.memref_squeeze %dma_start3A_167 : memref<1x128x64xf32, #tpu.memory_space<vmem>> -> memref<128x64xf32, #tpu.memory_space<vmem>>
    %dma_start3A_169 = arith.constant 0 : i32
    %dma_start3A_170 = tpu.memref_slice %arg7[%dma_start3A_164, %dma_start3A_169] : memref<160x128xi32, #tpu.memory_space<vmem>> -> memref<1x128xi32, #tpu.memory_space<vmem>>
    %dma_start3A_171 = tpu.memref_squeeze %dma_start3A_170 : memref<1x128xi32, #tpu.memory_space<vmem>> -> memref<128xi32, #tpu.memory_space<vmem>>
    %dma_start3A_172 = arith.constant 0 : i32
    %dma_start3A_173 = arith.constant 0 : i32
    %dma_start3A_174 = tpu.memref_slice %arg11[%dma_start3A_172, %dma_start3A_173] : memref<10240x64xf32, #tpu.memory_space<vmem_shared>> -> memref<10240x64xf32, #tpu.memory_space<vmem_shared>>
    tpu.enqueue_indirect_dma source(%dma_start3A_168 : memref<128x64xf32, #tpu.memory_space<vmem>>) target(%dma_start3A_174 : memref<10240x64xf32, #tpu.memory_space<vmem_shared>>) offsets(%dma_start3A_171 : memref<128xi32, #tpu.memory_space<vmem>>) semaphore(%arg15 : memref<!tpu.dma_semaphore, #tpu.memory_space<semaphore_mem>>) {add = true}
    %dma_start3A_175 = arith.constant 3 : i32
    %dma_start3A_176 = arith.constant 1 : i32
    %dma_start3A_177 = arith.constant 0 : i32
    %dma_start3A_178 = arith.constant 0 : i32
    %dma_start3A_179 = tpu.memref_slice %arg8[%dma_start3A_176, %dma_start3A_177, %dma_start3A_178] : memref<2x128x64xbf16, #tpu.memory_space<vmem>> -> memref<1x128x64xbf16, #tpu.memory_space<vmem>>
    %dma_start3A_180 = tpu.memref_squeeze %dma_start3A_179 : memref<1x128x64xbf16, #tpu.memory_space<vmem>> -> memref<128x64xbf16, #tpu.memory_space<vmem>>
    %dma_start3A_181 = arith.constant 0 : i32
    %dma_start3A_182 = tpu.memref_slice %arg6[%dma_start3A_175, %dma_start3A_181] : memref<160x128xi32, #tpu.memory_space<vmem>> -> memref<1x128xi32, #tpu.memory_space<vmem>>
    %dma_start3A_183 = tpu.memref_squeeze %dma_start3A_182 : memref<1x128xi32, #tpu.memory_space<vmem>> -> memref<128xi32, #tpu.memory_space<vmem>>
    %dma_start3A_184 = arith.constant 0 : i32
    %dma_start3A_185 = arith.constant 0 : i32
    %dma_start3A_186 = tpu.memref_slice %arg2[%dma_start3A_184, %dma_start3A_185] : memref<20480x64xbf16, #tpu.memory_space<hbm>> -> memref<20480x64xbf16, #tpu.memory_space<hbm>>
    tpu.enqueue_indirect_dma source(%dma_start3A_186 : memref<20480x64xbf16, #tpu.memory_space<hbm>>) target(%dma_start3A_180 : memref<128x64xbf16, #tpu.memory_space<vmem>>) offsets(%dma_start3A_183 : memref<128xi32, #tpu.memory_space<vmem>>) semaphore(%arg13 : memref<!tpu.dma_semaphore, #tpu.memory_space<semaphore_mem>>)
    %scan3A_187 = arith.constant 0 : i32
    %scan3A_188 = arith.constant 1 : i32
    %scan3A_189 = arith.constant 78 : i32
    %scan3A_190 = arith.addi %scan3A_188, %scan3A_189 : i32
    %scan3A_191 = arith.constant 1 : i32
    scf.for %scan3A_302 = %scan3A_188 to %scan3A_190 step %scan3A_191  : i32 {
      %mul3A_303 = arith.constant 2 : i32
      %mul3A_304 = arith.muli %mul3A_303, %scan3A_302 : i32
      %sub3A = arith.constant 2 : i32
      %sub3A_305 = arith.subi %mul3A_304, %sub3A : i32
      %dma_wait3A_306 = arith.constant 0 : i32
      %dma_wait3A_307 = arith.constant 0 : i32
      %dma_wait3A_308 = arith.constant 0 : i32
      %dma_wait3A_309 = tpu.memref_slice %arg9[%dma_wait3A_306, %dma_wait3A_307, %dma_wait3A_308] : memref<2x128x64xf32, #tpu.memory_space<vmem>> -> memref<1x128x64xf32, #tpu.memory_space<vmem>>
      %dma_wait3A_310 = tpu.memref_squeeze %dma_wait3A_309 : memref<1x128x64xf32, #tpu.memory_space<vmem>> -> memref<128x64xf32, #tpu.memory_space<vmem>>
      %dma_wait3A_311 = arith.constant 0 : i32
      %dma_wait3A_312 = tpu.memref_slice %arg7[%sub3A_305, %dma_wait3A_311] : memref<160x128xi32, #tpu.memory_space<vmem>> -> memref<1x128xi32, #tpu.memory_space<vmem>>
      %dma_wait3A_313 = tpu.memref_squeeze %dma_wait3A_312 : memref<1x128xi32, #tpu.memory_space<vmem>> -> memref<128xi32, #tpu.memory_space<vmem>>
      %dma_wait3A_314 = arith.constant 0 : i32
      %dma_wait3A_315 = arith.constant 0 : i32
      %dma_wait3A_316 = tpu.memref_slice %arg11[%dma_wait3A_314, %dma_wait3A_315] : memref<10240x64xf32, #tpu.memory_space<vmem_shared>> -> memref<10240x64xf32, #tpu.memory_space<vmem_shared>>
      tpu.wait_indirect_dma semaphore(%arg14 : memref<!tpu.dma_semaphore, #tpu.memory_space<semaphore_mem>>) src(%dma_wait3A_310 : memref<128x64xf32, #tpu.memory_space<vmem>>) dst(%dma_wait3A_316 : memref<10240x64xf32, #tpu.memory_space<vmem_shared>>)
      %dma_wait3A_317 = arith.constant 0 : i32
      %dma_wait3A_318 = arith.constant 0 : i32
      %dma_wait3A_319 = arith.constant 0 : i32
      %dma_wait3A_320 = tpu.memref_slice %arg8[%dma_wait3A_317, %dma_wait3A_318, %dma_wait3A_319] : memref<2x128x64xbf16, #tpu.memory_space<vmem>> -> memref<1x128x64xbf16, #tpu.memory_space<vmem>>
      %dma_wait3A_321 = tpu.memref_squeeze %dma_wait3A_320 : memref<1x128x64xbf16, #tpu.memory_space<vmem>> -> memref<128x64xbf16, #tpu.memory_space<vmem>>
      %dma_wait3A_322 = arith.constant 0 : i32
      %dma_wait3A_323 = tpu.memref_slice %arg6[%mul3A_304, %dma_wait3A_322] : memref<160x128xi32, #tpu.memory_space<vmem>> -> memref<1x128xi32, #tpu.memory_space<vmem>>
      %dma_wait3A_324 = tpu.memref_squeeze %dma_wait3A_323 : memref<1x128xi32, #tpu.memory_space<vmem>> -> memref<128xi32, #tpu.memory_space<vmem>>
      %dma_wait3A_325 = arith.constant 0 : i32
      %dma_wait3A_326 = arith.constant 0 : i32
      %dma_wait3A_327 = tpu.memref_slice %arg2[%dma_wait3A_325, %dma_wait3A_326] : memref<20480x64xbf16, #tpu.memory_space<hbm>> -> memref<20480x64xbf16, #tpu.memory_space<hbm>>
      tpu.wait_indirect_dma semaphore(%arg12 : memref<!tpu.dma_semaphore, #tpu.memory_space<semaphore_mem>>) src(%dma_wait3A_327 : memref<20480x64xbf16, #tpu.memory_space<hbm>>) dst(%dma_wait3A_321 : memref<128x64xbf16, #tpu.memory_space<vmem>>)
      %scan3A_328 = arith.constant 0 : i32
      %scan3A_329 = arith.constant 0 : i32
      %scan3A_330 = arith.constant 128 : i32
      %scan3A_331 = arith.addi %scan3A_329, %scan3A_330 : i32
      %scan3A_332 = arith.constant 1 : i32
      scf.for %scan3A_416 = %scan3A_329 to %scan3A_331 step %scan3A_332  : i32 {
        %get3A = arith.constant 0 : i32
        %get3A_417 = arith.index_cast %get3A : i32 to index
        %get3A_418 = arith.index_cast %scan3A_416 : i32 to index
        %get3A_419 = arith.constant 0 : index
        %get3A_420 = tpu.vector_load %arg8[%get3A_417, %get3A_418, %get3A_419] {strides = array<i32>} : memref<2x128x64xbf16, #tpu.memory_space<vmem>>, vector<32xbf16>,
        %unpack3A = tpu.unpack_subelements %get3A_420, 0 {pack_format = #tpu.pack_format<interleaved>} : vector<32xbf16> -> vector<16xf32>
        %unpack3A_421 = tpu.unpack_subelements %get3A_420, 1 {pack_format = #tpu.pack_format<interleaved>} : vector<32xbf16> -> vector<16xf32>
        %swap3A = arith.constant 0 : i32
        %swap3A_422 = arith.index_cast %swap3A : i32 to index
        %swap3A_423 = arith.index_cast %scan3A_416 : i32 to index
        %swap3A_424 = arith.constant 0 : index
        %swap3A_425 = tpu.vector_load %arg9[%swap3A_422, %swap3A_423, %swap3A_424] {strides = array<i32>} : memref<2x128x64xf32, #tpu.memory_space<vmem>>, vector<16xf32>,
        tpu.vector_store %arg9[%swap3A_422, %swap3A_423, %swap3A_424], %unpack3A {strides = array<i32>} : memref<2x128x64xf32, #tpu.memory_space<vmem>>, vector<16xf32>,
        %swap3A_426 = arith.constant 0 : i32
        %swap3A_427 = arith.index_cast %swap3A_426 : i32 to index
        %swap3A_428 = arith.index_cast %scan3A_416 : i32 to index
        %swap3A_429 = arith.constant 16 : index
        %swap3A_430 = tpu.vector_load %arg9[%swap3A_427, %swap3A_428, %swap3A_429] {strides = array<i32>} : memref<2x128x64xf32, #tpu.memory_space<vmem>>, vector<16xf32>,
        tpu.vector_store %arg9[%swap3A_427, %swap3A_428, %swap3A_429], %unpack3A_421 {strides = array<i32>} : memref<2x128x64xf32, #tpu.memory_space<vmem>>, vector<16xf32>,
        %get3A_431 = arith.constant 0 : i32
        %get3A_432 = arith.index_cast %get3A_431 : i32 to index
        %get3A_433 = arith.index_cast %scan3A_416 : i32 to index
        %get3A_434 = arith.constant 32 : index
        %get3A_435 = tpu.vector_load %arg8[%get3A_432, %get3A_433, %get3A_434] {strides = array<i32>} : memref<2x128x64xbf16, #tpu.memory_space<vmem>>, vector<32xbf16>,
        %unpack3A_436 = tpu.unpack_subelements %get3A_435, 0 {pack_format = #tpu.pack_format<interleaved>} : vector<32xbf16> -> vector<16xf32>
        %unpack3A_437 = tpu.unpack_subelements %get3A_435, 1 {pack_format = #tpu.pack_format<interleaved>} : vector<32xbf16> -> vector<16xf32>
        %swap3A_438 = arith.constant 0 : i32
        %swap3A_439 = arith.index_cast %swap3A_438 : i32 to index
        %swap3A_440 = arith.index_cast %scan3A_416 : i32 to index
        %swap3A_441 = arith.constant 32 : index
        %swap3A_442 = tpu.vector_load %arg9[%swap3A_439, %swap3A_440, %swap3A_441] {strides = array<i32>} : memref<2x128x64xf32, #tpu.memory_space<vmem>>, vector<16xf32>,
        tpu.vector_store %arg9[%swap3A_439, %swap3A_440, %swap3A_441], %unpack3A_436 {strides = array<i32>} : memref<2x128x64xf32, #tpu.memory_space<vmem>>, vector<16xf32>,
        %swap3A_443 = arith.constant 0 : i32
        %swap3A_444 = arith.index_cast %swap3A_443 : i32 to index
        %swap3A_445 = arith.index_cast %scan3A_416 : i32 to index
        %swap3A_446 = arith.constant 48 : index
        %swap3A_447 = tpu.vector_load %arg9[%swap3A_444, %swap3A_445, %swap3A_446] {strides = array<i32>} : memref<2x128x64xf32, #tpu.memory_space<vmem>>, vector<16xf32>,
        tpu.vector_store %arg9[%swap3A_444, %swap3A_445, %swap3A_446], %unpack3A_437 {strides = array<i32>} : memref<2x128x64xf32, #tpu.memory_space<vmem>>, vector<16xf32>,
      }
      %scan3A_333 = arith.constant 128 : i32
      %dma_start3A_334 = arith.constant 0 : i32
      %dma_start3A_335 = arith.constant 0 : i32
      %dma_start3A_336 = arith.constant 0 : i32
      %dma_start3A_337 = tpu.memref_slice %arg9[%dma_start3A_334, %dma_start3A_335, %dma_start3A_336] : memref<2x128x64xf32, #tpu.memory_space<vmem>> -> memref<1x128x64xf32, #tpu.memory_space<vmem>>
      %dma_start3A_338 = tpu.memref_squeeze %dma_start3A_337 : memref<1x128x64xf32, #tpu.memory_space<vmem>> -> memref<128x64xf32, #tpu.memory_space<vmem>>
      %dma_start3A_339 = arith.constant 0 : i32
      %dma_start3A_340 = tpu.memref_slice %arg7[%mul3A_304, %dma_start3A_339] : memref<160x128xi32, #tpu.memory_space<vmem>> -> memref<1x128xi32, #tpu.memory_space<vmem>>
      %dma_start3A_341 = tpu.memref_squeeze %dma_start3A_340 : memref<1x128xi32, #tpu.memory_space<vmem>> -> memref<128xi32, #tpu.memory_space<vmem>>
      %dma_start3A_342 = arith.constant 0 : i32
      %dma_start3A_343 = arith.constant 0 : i32
      %dma_start3A_344 = tpu.memref_slice %arg11[%dma_start3A_342, %dma_start3A_343] : memref<10240x64xf32, #tpu.memory_space<vmem_shared>> -> memref<10240x64xf32, #tpu.memory_space<vmem_shared>>
      tpu.enqueue_indirect_dma source(%dma_start3A_338 : memref<128x64xf32, #tpu.memory_space<vmem>>) target(%dma_start3A_344 : memref<10240x64xf32, #tpu.memory_space<vmem_shared>>) offsets(%dma_start3A_341 : memref<128xi32, #tpu.memory_space<vmem>>) semaphore(%arg14 : memref<!tpu.dma_semaphore, #tpu.memory_space<semaphore_mem>>) {add = true}
      %add3A_345 = arith.constant 2 : i32
      %add3A_346 = arith.addi %mul3A_304, %add3A_345 : i32
      %dma_start3A_347 = arith.constant 0 : i32
      %dma_start3A_348 = arith.constant 0 : i32
      %dma_start3A_349 = arith.constant 0 : i32
      %dma_start3A_350 = tpu.memref_slice %arg8[%dma_start3A_347, %dma_start3A_348, %dma_start3A_349] : memref<2x128x64xbf16, #tpu.memory_space<vmem>> -> memref<1x128x64xbf16, #tpu.memory_space<vmem>>
      %dma_start3A_351 = tpu.memref_squeeze %dma_start3A_350 : memref<1x128x64xbf16, #tpu.memory_space<vmem>> -> memref<128x64xbf16, #tpu.memory_space<vmem>>
      %dma_start3A_352 = arith.constant 0 : i32
      %dma_start3A_353 = tpu.memref_slice %arg6[%add3A_346, %dma_start3A_352] : memref<160x128xi32, #tpu.memory_space<vmem>> -> memref<1x128xi32, #tpu.memory_space<vmem>>
      %dma_start3A_354 = tpu.memref_squeeze %dma_start3A_353 : memref<1x128xi32, #tpu.memory_space<vmem>> -> memref<128xi32, #tpu.memory_space<vmem>>
      %dma_start3A_355 = arith.constant 0 : i32
      %dma_start3A_356 = arith.constant 0 : i32
      %dma_start3A_357 = tpu.memref_slice %arg2[%dma_start3A_355, %dma_start3A_356] : memref<20480x64xbf16, #tpu.memory_space<hbm>> -> memref<20480x64xbf16, #tpu.memory_space<hbm>>
      tpu.enqueue_indirect_dma source(%dma_start3A_357 : memref<20480x64xbf16, #tpu.memory_space<hbm>>) target(%dma_start3A_351 : memref<128x64xbf16, #tpu.memory_space<vmem>>) offsets(%dma_start3A_354 : memref<128xi32, #tpu.memory_space<vmem>>) semaphore(%arg12 : memref<!tpu.dma_semaphore, #tpu.memory_space<semaphore_mem>>)
      %sub3A_358 = arith.constant 1 : i32
      %sub3A_359 = arith.subi %mul3A_304, %sub3A_358 : i32
      %dma_wait3A_360 = arith.constant 1 : i32
      %dma_wait3A_361 = arith.constant 0 : i32
      %dma_wait3A_362 = arith.constant 0 : i32
      %dma_wait3A_363 = tpu.memref_slice %arg9[%dma_wait3A_360, %dma_wait3A_361, %dma_wait3A_362] : memref<2x128x64xf32, #tpu.memory_space<vmem>> -> memref<1x128x64xf32, #tpu.memory_space<vmem>>
      %dma_wait3A_364 = tpu.memref_squeeze %dma_wait3A_363 : memref<1x128x64xf32, #tpu.memory_space<vmem>> -> memref<128x64xf32, #tpu.memory_space<vmem>>
      %dma_wait3A_365 = arith.constant 0 : i32
      %dma_wait3A_366 = tpu.memref_slice %arg7[%sub3A_359, %dma_wait3A_365] : memref<160x128xi32, #tpu.memory_space<vmem>> -> memref<1x128xi32, #tpu.memory_space<vmem>>
      %dma_wait3A_367 = tpu.memref_squeeze %dma_wait3A_366 : memref<1x128xi32, #tpu.memory_space<vmem>> -> memref<128xi32, #tpu.memory_space<vmem>>
      %dma_wait3A_368 = arith.constant 0 : i32
      %dma_wait3A_369 = arith.constant 0 : i32
      %dma_wait3A_370 = tpu.memref_slice %arg11[%dma_wait3A_368, %dma_wait3A_369] : memref<10240x64xf32, #tpu.memory_space<vmem_shared>> -> memref<10240x64xf32, #tpu.memory_space<vmem_shared>>
      tpu.wait_indirect_dma semaphore(%arg15 : memref<!tpu.dma_semaphore, #tpu.memory_space<semaphore_mem>>) src(%dma_wait3A_364 : memref<128x64xf32, #tpu.memory_space<vmem>>) dst(%dma_wait3A_370 : memref<10240x64xf32, #tpu.memory_space<vmem_shared>>)
      %add3A_371 = arith.constant 1 : i32
      %add3A_372 = arith.addi %mul3A_304, %add3A_371 : i32
      %dma_wait3A_373 = arith.constant 1 : i32
      %dma_wait3A_374 = arith.constant 0 : i32
      %dma_wait3A_375 = arith.constant 0 : i32
      %dma_wait3A_376 = tpu.memref_slice %arg8[%dma_wait3A_373, %dma_wait3A_374, %dma_wait3A_375] : memref<2x128x64xbf16, #tpu.memory_space<vmem>> -> memref<1x128x64xbf16, #tpu.memory_space<vmem>>
      %dma_wait3A_377 = tpu.memref_squeeze %dma_wait3A_376 : memref<1x128x64xbf16, #tpu.memory_space<vmem>> -> memref<128x64xbf16, #tpu.memory_space<vmem>>
      %dma_wait3A_378 = arith.constant 0 : i32
      %dma_wait3A_379 = tpu.memref_slice %arg6[%add3A_372, %dma_wait3A_378] : memref<160x128xi32, #tpu.memory_space<vmem>> -> memref<1x128xi32, #tpu.memory_space<vmem>>
      %dma_wait3A_380 = tpu.memref_squeeze %dma_wait3A_379 : memref<1x128xi32, #tpu.memory_space<vmem>> -> memref<128xi32, #tpu.memory_space<vmem>>
      %dma_wait3A_381 = arith.constant 0 : i32
      %dma_wait3A_382 = arith.constant 0 : i32
      %dma_wait3A_383 = tpu.memref_slice %arg2[%dma_wait3A_381, %dma_wait3A_382] : memref<20480x64xbf16, #tpu.memory_space<hbm>> -> memref<20480x64xbf16, #tpu.memory_space<hbm>>
      tpu.wait_indirect_dma semaphore(%arg13 : memref<!tpu.dma_semaphore, #tpu.memory_space<semaphore_mem>>) src(%dma_wait3A_383 : memref<20480x64xbf16, #tpu.memory_space<hbm>>) dst(%dma_wait3A_377 : memref<128x64xbf16, #tpu.memory_space<vmem>>)
      %scan3A_384 = arith.constant 0 : i32
      %scan3A_385 = arith.constant 0 : i32
      %scan3A_386 = arith.constant 128 : i32
      %scan3A_387 = arith.addi %scan3A_385, %scan3A_386 : i32
      %scan3A_388 = arith.constant 1 : i32
      scf.for %scan3A_416 = %scan3A_385 to %scan3A_387 step %scan3A_388  : i32 {
        %get3A = arith.constant 1 : i32
        %get3A_417 = arith.index_cast %get3A : i32 to index
        %get3A_418 = arith.index_cast %scan3A_416 : i32 to index
        %get3A_419 = arith.constant 0 : index
        %get3A_420 = tpu.vector_load %arg8[%get3A_417, %get3A_418, %get3A_419] {strides = array<i32>} : memref<2x128x64xbf16, #tpu.memory_space<vmem>>, vector<32xbf16>,
        %unpack3A = tpu.unpack_subelements %get3A_420, 0 {pack_format = #tpu.pack_format<interleaved>} : vector<32xbf16> -> vector<16xf32>
        %unpack3A_421 = tpu.unpack_subelements %get3A_420, 1 {pack_format = #tpu.pack_format<interleaved>} : vector<32xbf16> -> vector<16xf32>
        %swap3A = arith.constant 1 : i32
        %swap3A_422 = arith.index_cast %swap3A : i32 to index
        %swap3A_423 = arith.index_cast %scan3A_416 : i32 to index
        %swap3A_424 = arith.constant 0 : index
        %swap3A_425 = tpu.vector_load %arg9[%swap3A_422, %swap3A_423, %swap3A_424] {strides = array<i32>} : memref<2x128x64xf32, #tpu.memory_space<vmem>>, vector<16xf32>,
        tpu.vector_store %arg9[%swap3A_422, %swap3A_423, %swap3A_424], %unpack3A {strides = array<i32>} : memref<2x128x64xf32, #tpu.memory_space<vmem>>, vector<16xf32>,
        %swap3A_426 = arith.constant 1 : i32
        %swap3A_427 = arith.index_cast %swap3A_426 : i32 to index
        %swap3A_428 = arith.index_cast %scan3A_416 : i32 to index
        %swap3A_429 = arith.constant 16 : index
        %swap3A_430 = tpu.vector_load %arg9[%swap3A_427, %swap3A_428, %swap3A_429] {strides = array<i32>} : memref<2x128x64xf32, #tpu.memory_space<vmem>>, vector<16xf32>,
        tpu.vector_store %arg9[%swap3A_427, %swap3A_428, %swap3A_429], %unpack3A_421 {strides = array<i32>} : memref<2x128x64xf32, #tpu.memory_space<vmem>>, vector<16xf32>,
        %get3A_431 = arith.constant 1 : i32
        %get3A_432 = arith.index_cast %get3A_431 : i32 to index
        %get3A_433 = arith.index_cast %scan3A_416 : i32 to index
        %get3A_434 = arith.constant 32 : index
        %get3A_435 = tpu.vector_load %arg8[%get3A_432, %get3A_433, %get3A_434] {strides = array<i32>} : memref<2x128x64xbf16, #tpu.memory_space<vmem>>, vector<32xbf16>,
        %unpack3A_436 = tpu.unpack_subelements %get3A_435, 0 {pack_format = #tpu.pack_format<interleaved>} : vector<32xbf16> -> vector<16xf32>
        %unpack3A_437 = tpu.unpack_subelements %get3A_435, 1 {pack_format = #tpu.pack_format<interleaved>} : vector<32xbf16> -> vector<16xf32>
        %swap3A_438 = arith.constant 1 : i32
        %swap3A_439 = arith.index_cast %swap3A_438 : i32 to index
        %swap3A_440 = arith.index_cast %scan3A_416 : i32 to index
        %swap3A_441 = arith.constant 32 : index
        %swap3A_442 = tpu.vector_load %arg9[%swap3A_439, %swap3A_440, %swap3A_441] {strides = array<i32>} : memref<2x128x64xf32, #tpu.memory_space<vmem>>, vector<16xf32>,
        tpu.vector_store %arg9[%swap3A_439, %swap3A_440, %swap3A_441], %unpack3A_436 {strides = array<i32>} : memref<2x128x64xf32, #tpu.memory_space<vmem>>, vector<16xf32>,
        %swap3A_443 = arith.constant 1 : i32
        %swap3A_444 = arith.index_cast %swap3A_443 : i32 to index
        %swap3A_445 = arith.index_cast %scan3A_416 : i32 to index
        %swap3A_446 = arith.constant 48 : index
        %swap3A_447 = tpu.vector_load %arg9[%swap3A_444, %swap3A_445, %swap3A_446] {strides = array<i32>} : memref<2x128x64xf32, #tpu.memory_space<vmem>>, vector<16xf32>,
        tpu.vector_store %arg9[%swap3A_444, %swap3A_445, %swap3A_446], %unpack3A_437 {strides = array<i32>} : memref<2x128x64xf32, #tpu.memory_space<vmem>>, vector<16xf32>,
      }
      %scan3A_389 = arith.constant 128 : i32
      %add3A_390 = arith.constant 1 : i32
      %add3A_391 = arith.addi %mul3A_304, %add3A_390 : i32
      %dma_start3A_392 = arith.constant 1 : i32
      %dma_start3A_393 = arith.constant 0 : i32
      %dma_start3A_394 = arith.constant 0 : i32
      %dma_start3A_395 = tpu.memref_slice %arg9[%dma_start3A_392, %dma_start3A_393, %dma_start3A_394] : memref<2x128x64xf32, #tpu.memory_space<vmem>> -> memref<1x128x64xf32, #tpu.memory_space<vmem>>
      %dma_start3A_396 = tpu.memref_squeeze %dma_start3A_395 : memref<1x128x64xf32, #tpu.memory_space<vmem>> -> memref<128x64xf32, #tpu.memory_space<vmem>>
      %dma_start3A_397 = arith.constant 0 : i32
      %dma_start3A_398 = tpu.memref_slice %arg7[%add3A_391, %dma_start3A_397] : memref<160x128xi32, #tpu.memory_space<vmem>> -> memref<1x128xi32, #tpu.memory_space<vmem>>
      %dma_start3A_399 = tpu.memref_squeeze %dma_start3A_398 : memref<1x128xi32, #tpu.memory_space<vmem>> -> memref<128xi32, #tpu.memory_space<vmem>>
      %dma_start3A_400 = arith.constant 0 : i32
      %dma_start3A_401 = arith.constant 0 : i32
      %dma_start3A_402 = tpu.memref_slice %arg11[%dma_start3A_400, %dma_start3A_401] : memref<10240x64xf32, #tpu.memory_space<vmem_shared>> -> memref<10240x64xf32, #tpu.memory_space<vmem_shared>>
      tpu.enqueue_indirect_dma source(%dma_start3A_396 : memref<128x64xf32, #tpu.memory_space<vmem>>) target(%dma_start3A_402 : memref<10240x64xf32, #tpu.memory_space<vmem_shared>>) offsets(%dma_start3A_399 : memref<128xi32, #tpu.memory_space<vmem>>) semaphore(%arg15 : memref<!tpu.dma_semaphore, #tpu.memory_space<semaphore_mem>>) {add = true}
      %add3A_403 = arith.constant 3 : i32
      %add3A_404 = arith.addi %mul3A_304, %add3A_403 : i32
      %dma_start3A_405 = arith.constant 1 : i32
      %dma_start3A_406 = arith.constant 0 : i32
      %dma_start3A_407 = arith.constant 0 : i32
      %dma_start3A_408 = tpu.memref_slice %arg8[%dma_start3A_405, %dma_start3A_406, %dma_start3A_407] : memref<2x128x64xbf16, #tpu.memory_space<vmem>> -> memref<1x128x64xbf16, #tpu.memory_space<vmem>>
      %dma_start3A_409 = tpu.memref_squeeze %dma_start3A_408 : memref<1x128x64xbf16, #tpu.memory_space<vmem>> -> memref<128x64xbf16, #tpu.memory_space<vmem>>
      %dma_start3A_410 = arith.constant 0 : i32
      %dma_start3A_411 = tpu.memref_slice %arg6[%add3A_404, %dma_start3A_410] : memref<160x128xi32, #tpu.memory_space<vmem>> -> memref<1x128xi32, #tpu.memory_space<vmem>>
      %dma_start3A_412 = tpu.memref_squeeze %dma_start3A_411 : memref<1x128xi32, #tpu.memory_space<vmem>> -> memref<128xi32, #tpu.memory_space<vmem>>
      %dma_start3A_413 = arith.constant 0 : i32
      %dma_start3A_414 = arith.constant 0 : i32
      %dma_start3A_415 = tpu.memref_slice %arg2[%dma_start3A_413, %dma_start3A_414] : memref<20480x64xbf16, #tpu.memory_space<hbm>> -> memref<20480x64xbf16, #tpu.memory_space<hbm>>
      tpu.enqueue_indirect_dma source(%dma_start3A_415 : memref<20480x64xbf16, #tpu.memory_space<hbm>>) target(%dma_start3A_409 : memref<128x64xbf16, #tpu.memory_space<vmem>>) offsets(%dma_start3A_412 : memref<128xi32, #tpu.memory_space<vmem>>) semaphore(%arg13 : memref<!tpu.dma_semaphore, #tpu.memory_space<semaphore_mem>>)
    }
    %scan3A_192 = arith.constant 78 : i32
    %dma_wait3A_193 = arith.constant 0 : i32
    %dma_wait3A_194 = arith.constant 156 : i32
    %dma_wait3A_195 = arith.constant 0 : i32
    %dma_wait3A_196 = arith.constant 0 : i32
    %dma_wait3A_197 = tpu.memref_slice %arg9[%dma_wait3A_193, %dma_wait3A_195, %dma_wait3A_196] : memref<2x128x64xf32, #tpu.memory_space<vmem>> -> memref<1x128x64xf32, #tpu.memory_space<vmem>>
    %dma_wait3A_198 = tpu.memref_squeeze %dma_wait3A_197 : memref<1x128x64xf32, #tpu.memory_space<vmem>> -> memref<128x64xf32, #tpu.memory_space<vmem>>
    %dma_wait3A_199 = arith.constant 0 : i32
    %dma_wait3A_200 = tpu.memref_slice %arg7[%dma_wait3A_194, %dma_wait3A_199] : memref<160x128xi32, #tpu.memory_space<vmem>> -> memref<1x128xi32, #tpu.memory_space<vmem>>
    %dma_wait3A_201 = tpu.memref_squeeze %dma_wait3A_200 : memref<1x128xi32, #tpu.memory_space<vmem>> -> memref<128xi32, #tpu.memory_space<vmem>>
    %dma_wait3A_202 = arith.constant 0 : i32
    %dma_wait3A_203 = arith.constant 0 : i32
    %dma_wait3A_204 = tpu.memref_slice %arg11[%dma_wait3A_202, %dma_wait3A_203] : memref<10240x64xf32, #tpu.memory_space<vmem_shared>> -> memref<10240x64xf32, #tpu.memory_space<vmem_shared>>
    tpu.wait_indirect_dma semaphore(%arg14 : memref<!tpu.dma_semaphore, #tpu.memory_space<semaphore_mem>>) src(%dma_wait3A_198 : memref<128x64xf32, #tpu.memory_space<vmem>>) dst(%dma_wait3A_204 : memref<10240x64xf32, #tpu.memory_space<vmem_shared>>)
    %dma_wait3A_205 = arith.constant 158 : i32
    %dma_wait3A_206 = arith.constant 0 : i32
    %dma_wait3A_207 = arith.constant 0 : i32
    %dma_wait3A_208 = arith.constant 0 : i32
    %dma_wait3A_209 = tpu.memref_slice %arg8[%dma_wait3A_206, %dma_wait3A_207, %dma_wait3A_208] : memref<2x128x64xbf16, #tpu.memory_space<vmem>> -> memref<1x128x64xbf16, #tpu.memory_space<vmem>>
    %dma_wait3A_210 = tpu.memref_squeeze %dma_wait3A_209 : memref<1x128x64xbf16, #tpu.memory_space<vmem>> -> memref<128x64xbf16, #tpu.memory_space<vmem>>
    %dma_wait3A_211 = arith.constant 0 : i32
    %dma_wait3A_212 = tpu.memref_slice %arg6[%dma_wait3A_205, %dma_wait3A_211] : memref<160x128xi32, #tpu.memory_space<vmem>> -> memref<1x128xi32, #tpu.memory_space<vmem>>
    %dma_wait3A_213 = tpu.memref_squeeze %dma_wait3A_212 : memref<1x128xi32, #tpu.memory_space<vmem>> -> memref<128xi32, #tpu.memory_space<vmem>>
    %dma_wait3A_214 = arith.constant 0 : i32
    %dma_wait3A_215 = arith.constant 0 : i32
    %dma_wait3A_216 = tpu.memref_slice %arg2[%dma_wait3A_214, %dma_wait3A_215] : memref<20480x64xbf16, #tpu.memory_space<hbm>> -> memref<20480x64xbf16, #tpu.memory_space<hbm>>
    tpu.wait_indirect_dma semaphore(%arg12 : memref<!tpu.dma_semaphore, #tpu.memory_space<semaphore_mem>>) src(%dma_wait3A_216 : memref<20480x64xbf16, #tpu.memory_space<hbm>>) dst(%dma_wait3A_210 : memref<128x64xbf16, #tpu.memory_space<vmem>>)
    %scan3A_217 = arith.constant 0 : i32
    %scan3A_218 = arith.constant 0 : i32
    %scan3A_219 = arith.constant 128 : i32
    %scan3A_220 = arith.addi %scan3A_218, %scan3A_219 : i32
    %scan3A_221 = arith.constant 1 : i32
    scf.for %scan3A_302 = %scan3A_218 to %scan3A_220 step %scan3A_221  : i32 {
      %get3A = arith.constant 0 : i32
      %get3A_303 = arith.index_cast %get3A : i32 to index
      %get3A_304 = arith.index_cast %scan3A_302 : i32 to index
      %get3A_305 = arith.constant 0 : index
      %get3A_306 = tpu.vector_load %arg8[%get3A_303, %get3A_304, %get3A_305] {strides = array<i32>} : memref<2x128x64xbf16, #tpu.memory_space<vmem>>, vector<32xbf16>,
      %unpack3A = tpu.unpack_subelements %get3A_306, 0 {pack_format = #tpu.pack_format<interleaved>} : vector<32xbf16> -> vector<16xf32>
      %unpack3A_307 = tpu.unpack_subelements %get3A_306, 1 {pack_format = #tpu.pack_format<interleaved>} : vector<32xbf16> -> vector<16xf32>
      %swap3A = arith.constant 0 : i32
      %swap3A_308 = arith.index_cast %swap3A : i32 to index
      %swap3A_309 = arith.index_cast %scan3A_302 : i32 to index
      %swap3A_310 = arith.constant 0 : index
      %swap3A_311 = tpu.vector_load %arg9[%swap3A_308, %swap3A_309, %swap3A_310] {strides = array<i32>} : memref<2x128x64xf32, #tpu.memory_space<vmem>>, vector<16xf32>,
      tpu.vector_store %arg9[%swap3A_308, %swap3A_309, %swap3A_310], %unpack3A {strides = array<i32>} : memref<2x128x64xf32, #tpu.memory_space<vmem>>, vector<16xf32>,
      %swap3A_312 = arith.constant 0 : i32
      %swap3A_313 = arith.index_cast %swap3A_312 : i32 to index
      %swap3A_314 = arith.index_cast %scan3A_302 : i32 to index
      %swap3A_315 = arith.constant 16 : index
      %swap3A_316 = tpu.vector_load %arg9[%swap3A_313, %swap3A_314, %swap3A_315] {strides = array<i32>} : memref<2x128x64xf32, #tpu.memory_space<vmem>>, vector<16xf32>,
      tpu.vector_store %arg9[%swap3A_313, %swap3A_314, %swap3A_315], %unpack3A_307 {strides = array<i32>} : memref<2x128x64xf32, #tpu.memory_space<vmem>>, vector<16xf32>,
      %get3A_317 = arith.constant 0 : i32
      %get3A_318 = arith.index_cast %get3A_317 : i32 to index
      %get3A_319 = arith.index_cast %scan3A_302 : i32 to index
      %get3A_320 = arith.constant 32 : index
      %get3A_321 = tpu.vector_load %arg8[%get3A_318, %get3A_319, %get3A_320] {strides = array<i32>} : memref<2x128x64xbf16, #tpu.memory_space<vmem>>, vector<32xbf16>,
      %unpack3A_322 = tpu.unpack_subelements %get3A_321, 0 {pack_format = #tpu.pack_format<interleaved>} : vector<32xbf16> -> vector<16xf32>
      %unpack3A_323 = tpu.unpack_subelements %get3A_321, 1 {pack_format = #tpu.pack_format<interleaved>} : vector<32xbf16> -> vector<16xf32>
      %swap3A_324 = arith.constant 0 : i32
      %swap3A_325 = arith.index_cast %swap3A_324 : i32 to index
      %swap3A_326 = arith.index_cast %scan3A_302 : i32 to index
      %swap3A_327 = arith.constant 32 : index
      %swap3A_328 = tpu.vector_load %arg9[%swap3A_325, %swap3A_326, %swap3A_327] {strides = array<i32>} : memref<2x128x64xf32, #tpu.memory_space<vmem>>, vector<16xf32>,
      tpu.vector_store %arg9[%swap3A_325, %swap3A_326, %swap3A_327], %unpack3A_322 {strides = array<i32>} : memref<2x128x64xf32, #tpu.memory_space<vmem>>, vector<16xf32>,
      %swap3A_329 = arith.constant 0 : i32
      %swap3A_330 = arith.index_cast %swap3A_329 : i32 to index
      %swap3A_331 = arith.index_cast %scan3A_302 : i32 to index
      %swap3A_332 = arith.constant 48 : index
      %swap3A_333 = tpu.vector_load %arg9[%swap3A_330, %swap3A_331, %swap3A_332] {strides = array<i32>} : memref<2x128x64xf32, #tpu.memory_space<vmem>>, vector<16xf32>,
      tpu.vector_store %arg9[%swap3A_330, %swap3A_331, %swap3A_332], %unpack3A_323 {strides = array<i32>} : memref<2x128x64xf32, #tpu.memory_space<vmem>>, vector<16xf32>,
    }
    %scan3A_222 = arith.constant 128 : i32
    %dma_start3A_223 = arith.constant 0 : i32
    %dma_start3A_224 = arith.constant 158 : i32
    %dma_start3A_225 = arith.constant 0 : i32
    %dma_start3A_226 = arith.constant 0 : i32
    %dma_start3A_227 = tpu.memref_slice %arg9[%dma_start3A_223, %dma_start3A_225, %dma_start3A_226] : memref<2x128x64xf32, #tpu.memory_space<vmem>> -> memref<1x128x64xf32, #tpu.memory_space<vmem>>
    %dma_start3A_228 = tpu.memref_squeeze %dma_start3A_227 : memref<1x128x64xf32, #tpu.memory_space<vmem>> -> memref<128x64xf32, #tpu.memory_space<vmem>>
    %dma_start3A_229 = arith.constant 0 : i32
    %dma_start3A_230 = tpu.memref_slice %arg7[%dma_start3A_224, %dma_start3A_229] : memref<160x128xi32, #tpu.memory_space<vmem>> -> memref<1x128xi32, #tpu.memory_space<vmem>>
    %dma_start3A_231 = tpu.memref_squeeze %dma_start3A_230 : memref<1x128xi32, #tpu.memory_space<vmem>> -> memref<128xi32, #tpu.memory_space<vmem>>
    %dma_start3A_232 = arith.constant 0 : i32
    %dma_start3A_233 = arith.constant 0 : i32
    %dma_start3A_234 = tpu.memref_slice %arg11[%dma_start3A_232, %dma_start3A_233] : memref<10240x64xf32, #tpu.memory_space<vmem_shared>> -> memref<10240x64xf32, #tpu.memory_space<vmem_shared>>
    tpu.enqueue_indirect_dma source(%dma_start3A_228 : memref<128x64xf32, #tpu.memory_space<vmem>>) target(%dma_start3A_234 : memref<10240x64xf32, #tpu.memory_space<vmem_shared>>) offsets(%dma_start3A_231 : memref<128xi32, #tpu.memory_space<vmem>>) semaphore(%arg14 : memref<!tpu.dma_semaphore, #tpu.memory_space<semaphore_mem>>) {add = true}
    %dma_wait3A_235 = arith.constant 1 : i32
    %dma_wait3A_236 = arith.constant 157 : i32
    %dma_wait3A_237 = arith.constant 0 : i32
    %dma_wait3A_238 = arith.constant 0 : i32
    %dma_wait3A_239 = tpu.memref_slice %arg9[%dma_wait3A_235, %dma_wait3A_237, %dma_wait3A_238] : memref<2x128x64xf32, #tpu.memory_space<vmem>> -> memref<1x128x64xf32, #tpu.memory_space<vmem>>
    %dma_wait3A_240 = tpu.memref_squeeze %dma_wait3A_239 : memref<1x128x64xf32, #tpu.memory_space<vmem>> -> memref<128x64xf32, #tpu.memory_space<vmem>>
    %dma_wait3A_241 = arith.constant 0 : i32
    %dma_wait3A_242 = tpu.memref_slice %arg7[%dma_wait3A_236, %dma_wait3A_241] : memref<160x128xi32, #tpu.memory_space<vmem>> -> memref<1x128xi32, #tpu.memory_space<vmem>>
    %dma_wait3A_243 = tpu.memref_squeeze %dma_wait3A_242 : memref<1x128xi32, #tpu.memory_space<vmem>> -> memref<128xi32, #tpu.memory_space<vmem>>
    %dma_wait3A_244 = arith.constant 0 : i32
    %dma_wait3A_245 = arith.constant 0 : i32
    %dma_wait3A_246 = tpu.memref_slice %arg11[%dma_wait3A_244, %dma_wait3A_245] : memref<10240x64xf32, #tpu.memory_space<vmem_shared>> -> memref<10240x64xf32, #tpu.memory_space<vmem_shared>>
    tpu.wait_indirect_dma semaphore(%arg15 : memref<!tpu.dma_semaphore, #tpu.memory_space<semaphore_mem>>) src(%dma_wait3A_240 : memref<128x64xf32, #tpu.memory_space<vmem>>) dst(%dma_wait3A_246 : memref<10240x64xf32, #tpu.memory_space<vmem_shared>>)
    %dma_wait3A_247 = arith.constant 159 : i32
    %dma_wait3A_248 = arith.constant 1 : i32
    %dma_wait3A_249 = arith.constant 0 : i32
    %dma_wait3A_250 = arith.constant 0 : i32
    %dma_wait3A_251 = tpu.memref_slice %arg8[%dma_wait3A_248, %dma_wait3A_249, %dma_wait3A_250] : memref<2x128x64xbf16, #tpu.memory_space<vmem>> -> memref<1x128x64xbf16, #tpu.memory_space<vmem>>
    %dma_wait3A_252 = tpu.memref_squeeze %dma_wait3A_251 : memref<1x128x64xbf16, #tpu.memory_space<vmem>> -> memref<128x64xbf16, #tpu.memory_space<vmem>>
    %dma_wait3A_253 = arith.constant 0 : i32
    %dma_wait3A_254 = tpu.memref_slice %arg6[%dma_wait3A_247, %dma_wait3A_253] : memref<160x128xi32, #tpu.memory_space<vmem>> -> memref<1x128xi32, #tpu.memory_space<vmem>>
    %dma_wait3A_255 = tpu.memref_squeeze %dma_wait3A_254 : memref<1x128xi32, #tpu.memory_space<vmem>> -> memref<128xi32, #tpu.memory_space<vmem>>
    %dma_wait3A_256 = arith.constant 0 : i32
    %dma_wait3A_257 = arith.constant 0 : i32
    %dma_wait3A_258 = tpu.memref_slice %arg2[%dma_wait3A_256, %dma_wait3A_257] : memref<20480x64xbf16, #tpu.memory_space<hbm>> -> memref<20480x64xbf16, #tpu.memory_space<hbm>>
    tpu.wait_indirect_dma semaphore(%arg13 : memref<!tpu.dma_semaphore, #tpu.memory_space<semaphore_mem>>) src(%dma_wait3A_258 : memref<20480x64xbf16, #tpu.memory_space<hbm>>) dst(%dma_wait3A_252 : memref<128x64xbf16, #tpu.memory_space<vmem>>)
    %scan3A_259 = arith.constant 0 : i32
    %scan3A_260 = arith.constant 0 : i32
    %scan3A_261 = arith.constant 128 : i32
    %scan3A_262 = arith.addi %scan3A_260, %scan3A_261 : i32
    %scan3A_263 = arith.constant 1 : i32
    scf.for %scan3A_302 = %scan3A_260 to %scan3A_262 step %scan3A_263  : i32 {
      %get3A = arith.constant 1 : i32
      %get3A_303 = arith.index_cast %get3A : i32 to index
      %get3A_304 = arith.index_cast %scan3A_302 : i32 to index
      %get3A_305 = arith.constant 0 : index
      %get3A_306 = tpu.vector_load %arg8[%get3A_303, %get3A_304, %get3A_305] {strides = array<i32>} : memref<2x128x64xbf16, #tpu.memory_space<vmem>>, vector<32xbf16>,
      %unpack3A = tpu.unpack_subelements %get3A_306, 0 {pack_format = #tpu.pack_format<interleaved>} : vector<32xbf16> -> vector<16xf32>
      %unpack3A_307 = tpu.unpack_subelements %get3A_306, 1 {pack_format = #tpu.pack_format<interleaved>} : vector<32xbf16> -> vector<16xf32>
      %swap3A = arith.constant 1 : i32
      %swap3A_308 = arith.index_cast %swap3A : i32 to index
      %swap3A_309 = arith.index_cast %scan3A_302 : i32 to index
      %swap3A_310 = arith.constant 0 : index
      %swap3A_311 = tpu.vector_load %arg9[%swap3A_308, %swap3A_309, %swap3A_310] {strides = array<i32>} : memref<2x128x64xf32, #tpu.memory_space<vmem>>, vector<16xf32>,
      tpu.vector_store %arg9[%swap3A_308, %swap3A_309, %swap3A_310], %unpack3A {strides = array<i32>} : memref<2x128x64xf32, #tpu.memory_space<vmem>>, vector<16xf32>,
      %swap3A_312 = arith.constant 1 : i32
      %swap3A_313 = arith.index_cast %swap3A_312 : i32 to index
      %swap3A_314 = arith.index_cast %scan3A_302 : i32 to index
      %swap3A_315 = arith.constant 16 : index
      %swap3A_316 = tpu.vector_load %arg9[%swap3A_313, %swap3A_314, %swap3A_315] {strides = array<i32>} : memref<2x128x64xf32, #tpu.memory_space<vmem>>, vector<16xf32>,
      tpu.vector_store %arg9[%swap3A_313, %swap3A_314, %swap3A_315], %unpack3A_307 {strides = array<i32>} : memref<2x128x64xf32, #tpu.memory_space<vmem>>, vector<16xf32>,
      %get3A_317 = arith.constant 1 : i32
      %get3A_318 = arith.index_cast %get3A_317 : i32 to index
      %get3A_319 = arith.index_cast %scan3A_302 : i32 to index
      %get3A_320 = arith.constant 32 : index
      %get3A_321 = tpu.vector_load %arg8[%get3A_318, %get3A_319, %get3A_320] {strides = array<i32>} : memref<2x128x64xbf16, #tpu.memory_space<vmem>>, vector<32xbf16>,
      %unpack3A_322 = tpu.unpack_subelements %get3A_321, 0 {pack_format = #tpu.pack_format<interleaved>} : vector<32xbf16> -> vector<16xf32>
      %unpack3A_323 = tpu.unpack_subelements %get3A_321, 1 {pack_format = #tpu.pack_format<interleaved>} : vector<32xbf16> -> vector<16xf32>
      %swap3A_324 = arith.constant 1 : i32
      %swap3A_325 = arith.index_cast %swap3A_324 : i32 to index
      %swap3A_326 = arith.index_cast %scan3A_302 : i32 to index
      %swap3A_327 = arith.constant 32 : index
      %swap3A_328 = tpu.vector_load %arg9[%swap3A_325, %swap3A_326, %swap3A_327] {strides = array<i32>} : memref<2x128x64xf32, #tpu.memory_space<vmem>>, vector<16xf32>,
      tpu.vector_store %arg9[%swap3A_325, %swap3A_326, %swap3A_327], %unpack3A_322 {strides = array<i32>} : memref<2x128x64xf32, #tpu.memory_space<vmem>>, vector<16xf32>,
      %swap3A_329 = arith.constant 1 : i32
      %swap3A_330 = arith.index_cast %swap3A_329 : i32 to index
      %swap3A_331 = arith.index_cast %scan3A_302 : i32 to index
      %swap3A_332 = arith.constant 48 : index
      %swap3A_333 = tpu.vector_load %arg9[%swap3A_330, %swap3A_331, %swap3A_332] {strides = array<i32>} : memref<2x128x64xf32, #tpu.memory_space<vmem>>, vector<16xf32>,
      tpu.vector_store %arg9[%swap3A_330, %swap3A_331, %swap3A_332], %unpack3A_323 {strides = array<i32>} : memref<2x128x64xf32, #tpu.memory_space<vmem>>, vector<16xf32>,
    }
    %scan3A_264 = arith.constant 128 : i32
    %dma_start3A_265 = arith.constant 1 : i32
    %dma_start3A_266 = arith.constant 159 : i32
    %dma_start3A_267 = arith.constant 0 : i32
    %dma_start3A_268 = arith.constant 0 : i32
    %dma_start3A_269 = tpu.memref_slice %arg9[%dma_start3A_265, %dma_start3A_267, %dma_start3A_268] : memref<2x128x64xf32, #tpu.memory_space<vmem>> -> memref<1x128x64xf32, #tpu.memory_space<vmem>>
    %dma_start3A_270 = tpu.memref_squeeze %dma_start3A_269 : memref<1x128x64xf32, #tpu.memory_space<vmem>> -> memref<128x64xf32, #tpu.memory_space<vmem>>
    %dma_start3A_271 = arith.constant 0 : i32
    %dma_start3A_272 = tpu.memref_slice %arg7[%dma_start3A_266, %dma_start3A_271] : memref<160x128xi32, #tpu.memory_space<vmem>> -> memref<1x128xi32, #tpu.memory_space<vmem>>
    %dma_start3A_273 = tpu.memref_squeeze %dma_start3A_272 : memref<1x128xi32, #tpu.memory_space<vmem>> -> memref<128xi32, #tpu.memory_space<vmem>>
    %dma_start3A_274 = arith.constant 0 : i32
    %dma_start3A_275 = arith.constant 0 : i32
    %dma_start3A_276 = tpu.memref_slice %arg11[%dma_start3A_274, %dma_start3A_275] : memref<10240x64xf32, #tpu.memory_space<vmem_shared>> -> memref<10240x64xf32, #tpu.memory_space<vmem_shared>>
    tpu.enqueue_indirect_dma source(%dma_start3A_270 : memref<128x64xf32, #tpu.memory_space<vmem>>) target(%dma_start3A_276 : memref<10240x64xf32, #tpu.memory_space<vmem_shared>>) offsets(%dma_start3A_273 : memref<128xi32, #tpu.memory_space<vmem>>) semaphore(%arg15 : memref<!tpu.dma_semaphore, #tpu.memory_space<semaphore_mem>>) {add = true}
    %dma_wait3A_277 = arith.constant 0 : i32
    %dma_wait3A_278 = arith.constant 158 : i32
    %dma_wait3A_279 = arith.constant 0 : i32
    %dma_wait3A_280 = arith.constant 0 : i32
    %dma_wait3A_281 = tpu.memref_slice %arg9[%dma_wait3A_277, %dma_wait3A_279, %dma_wait3A_280] : memref<2x128x64xf32, #tpu.memory_space<vmem>> -> memref<1x128x64xf32, #tpu.memory_space<vmem>>
    %dma_wait3A_282 = tpu.memref_squeeze %dma_wait3A_281 : memref<1x128x64xf32, #tpu.memory_space<vmem>> -> memref<128x64xf32, #tpu.memory_space<vmem>>
    %dma_wait3A_283 = arith.constant 0 : i32
    %dma_wait3A_284 = tpu.memref_slice %arg7[%dma_wait3A_278, %dma_wait3A_283] : memref<160x128xi32, #tpu.memory_space<vmem>> -> memref<1x128xi32, #tpu.memory_space<vmem>>
    %dma_wait3A_285 = tpu.memref_squeeze %dma_wait3A_284 : memref<1x128xi32, #tpu.memory_space<vmem>> -> memref<128xi32, #tpu.memory_space<vmem>>
    %dma_wait3A_286 = arith.constant 0 : i32
    %dma_wait3A_287 = arith.constant 0 : i32
    %dma_wait3A_288 = tpu.memref_slice %arg11[%dma_wait3A_286, %dma_wait3A_287] : memref<10240x64xf32, #tpu.memory_space<vmem_shared>> -> memref<10240x64xf32, #tpu.memory_space<vmem_shared>>
    tpu.wait_indirect_dma semaphore(%arg14 : memref<!tpu.dma_semaphore, #tpu.memory_space<semaphore_mem>>) src(%dma_wait3A_282 : memref<128x64xf32, #tpu.memory_space<vmem>>) dst(%dma_wait3A_288 : memref<10240x64xf32, #tpu.memory_space<vmem_shared>>)
    %dma_wait3A_289 = arith.constant 1 : i32
    %dma_wait3A_290 = arith.constant 159 : i32
    %dma_wait3A_291 = arith.constant 0 : i32
    %dma_wait3A_292 = arith.constant 0 : i32
    %dma_wait3A_293 = tpu.memref_slice %arg9[%dma_wait3A_289, %dma_wait3A_291, %dma_wait3A_292] : memref<2x128x64xf32, #tpu.memory_space<vmem>> -> memref<1x128x64xf32, #tpu.memory_space<vmem>>
    %dma_wait3A_294 = tpu.memref_squeeze %dma_wait3A_293 : memref<1x128x64xf32, #tpu.memory_space<vmem>> -> memref<128x64xf32, #tpu.memory_space<vmem>>
    %dma_wait3A_295 = arith.constant 0 : i32
    %dma_wait3A_296 = tpu.memref_slice %arg7[%dma_wait3A_290, %dma_wait3A_295] : memref<160x128xi32, #tpu.memory_space<vmem>> -> memref<1x128xi32, #tpu.memory_space<vmem>>
    %dma_wait3A_297 = tpu.memref_squeeze %dma_wait3A_296 : memref<1x128xi32, #tpu.memory_space<vmem>> -> memref<128xi32, #tpu.memory_space<vmem>>
    %dma_wait3A_298 = arith.constant 0 : i32
    %dma_wait3A_299 = arith.constant 0 : i32
    %dma_wait3A_300 = tpu.memref_slice %arg11[%dma_wait3A_298, %dma_wait3A_299] : memref<10240x64xf32, #tpu.memory_space<vmem_shared>> -> memref<10240x64xf32, #tpu.memory_space<vmem_shared>>
    tpu.wait_indirect_dma semaphore(%arg15 : memref<!tpu.dma_semaphore, #tpu.memory_space<semaphore_mem>>) src(%dma_wait3A_294 : memref<128x64xf32, #tpu.memory_space<vmem>>) dst(%dma_wait3A_300 : memref<10240x64xf32, #tpu.memory_space<vmem_shared>>)
    %barrier3A_301 = arith.constant 0 : index
    tpu.barrier barrier_id(%barrier3A_301)
    "tpu.region"() ({
      %run_scoped3A = tpu.sem_alloc : memref<!tpu.dma_semaphore, #tpu.memory_space<semaphore_mem>>
      %dma_start3A_302 = arith.constant 0 : i32
      %dma_start3A_303 = tpu.memref_slice %arg5[%arg0, %mul3A_2, %dma_start3A_302] : memref<2x10240x64xf32, #tpu.memory_space<hbm>> -> memref<1x640x64xf32, #tpu.memory_space<hbm>>
      %dma_start3A_304 = tpu.memref_squeeze %dma_start3A_303 : memref<1x640x64xf32, #tpu.memory_space<hbm>> -> memref<640x64xf32, #tpu.memory_space<hbm>>
      %dma_start3A_305 = arith.constant 0 : i32
      %dma_start3A_306 = tpu.memref_slice %arg11[%mul3A_2, %dma_start3A_305] : memref<10240x64xf32, #tpu.memory_space<vmem_shared>> -> memref<640x64xf32, #tpu.memory_space<vmem_shared>>
      tpu.enqueue_dma source(%dma_start3A_306 : memref<640x64xf32, #tpu.memory_space<vmem_shared>>) target(%dma_start3A_304 : memref<640x64xf32, #tpu.memory_space<hbm>>) target_semaphore(%run_scoped3A : memref<!tpu.dma_semaphore, #tpu.memory_space<semaphore_mem>>)
      %dma_wait3A_307 = arith.constant 0 : i32
      %dma_wait3A_308 = tpu.memref_slice %arg5[%arg0, %mul3A_2, %dma_wait3A_307] : memref<2x10240x64xf32, #tpu.memory_space<hbm>> -> memref<1x640x64xf32, #tpu.memory_space<hbm>>
      %dma_wait3A_309 = tpu.memref_squeeze %dma_wait3A_308 : memref<1x640x64xf32, #tpu.memory_space<hbm>> -> memref<640x64xf32, #tpu.memory_space<hbm>>
      %dma_wait3A_310 = arith.constant 0 : i32
      %dma_wait3A_311 = tpu.memref_slice %arg11[%mul3A_2, %dma_wait3A_310] : memref<10240x64xf32, #tpu.memory_space<vmem_shared>> -> memref<640x64xf32, #tpu.memory_space<vmem_shared>>
      tpu.wait_dma2 semaphore(%run_scoped3A : memref<!tpu.dma_semaphore, #tpu.memory_space<semaphore_mem>>) src(%dma_wait3A_311 : memref<640x64xf32, #tpu.memory_space<vmem_shared>>) dst(%dma_wait3A_309 : memref<640x64xf32, #tpu.memory_space<hbm>>)
      tpu.yield
    }) : () -> ()
    return
  }
}

#map = affine_map<(d0, d1) -> (0, 0)>
module attributes {stable_mosaic.version = 14 : i64} {
  func.func @_deg_kernel(%arg0: i32, %arg1: i32, %arg2: memref<2560x128xi32, #tpu.memory_space<hbm>>, %arg3: memref<2x10240xf32, #tpu.memory_space<hbm>>, %arg4: memref<80x128xi32, #tpu.memory_space<vmem>>, %arg5: memref<128xf32, #tpu.memory_space<vmem>>, %arg6: memref<640xf32, #tpu.memory_space<vmem>>, %arg7: memref<10240xf32, #tpu.memory_space<vmem_shared>>) attributes {dimension_semantics = [#tpu.dimension_semantics<core_parallel>, #tpu.dimension_semantics<subcore_parallel>], iteration_bounds = array<i64: 2, 16>, scalar_prefetch = 0 : i64, scratch_operands = 4 : i64, tpu.core_type = #tpu.core_type<sc_vector_subcore>, window_params = [{transform_indices = #map}, {transform_indices = #map}]} {
    %mul3A = arith.constant 16 : i32
    %mul3A_0 = arith.muli %arg0, %mul3A : i32
    %add3A = arith.addi %mul3A_0, %arg1 : i32
    %broadcast_in_dim3A = arith.constant 1.000000e+00 : f32
    %broadcast_in_dim3A_1 = vector.broadcast %broadcast_in_dim3A : f32 to vector<16xf32>
    %swap3A = arith.constant 0 : index
    %swap3A_2 = tpu.vector_load %arg5[%swap3A] {strides = array<i32>} : memref<128xf32, #tpu.memory_space<vmem>>, vector<16xf32>,
    %swap3A_3 = vector.shape_cast %swap3A_2 : vector<16xf32> to vector<16xf32>
    %swap3A_4 = vector.shape_cast %broadcast_in_dim3A_1 : vector<16xf32> to vector<16xf32>
    tpu.vector_store %arg5[%swap3A], %swap3A_4 {strides = array<i32>} : memref<128xf32, #tpu.memory_space<vmem>>, vector<16xf32>,
    %broadcast_in_dim3A_5 = arith.constant 1.000000e+00 : f32
    %broadcast_in_dim3A_6 = vector.broadcast %broadcast_in_dim3A_5 : f32 to vector<16xf32>
    %swap3A_7 = arith.constant 16 : index
    %swap3A_8 = tpu.vector_load %arg5[%swap3A_7] {strides = array<i32>} : memref<128xf32, #tpu.memory_space<vmem>>, vector<16xf32>,
    %swap3A_9 = vector.shape_cast %swap3A_8 : vector<16xf32> to vector<16xf32>
    %swap3A_10 = vector.shape_cast %broadcast_in_dim3A_6 : vector<16xf32> to vector<16xf32>
    tpu.vector_store %arg5[%swap3A_7], %swap3A_10 {strides = array<i32>} : memref<128xf32, #tpu.memory_space<vmem>>, vector<16xf32>,
    %broadcast_in_dim3A_11 = arith.constant 1.000000e+00 : f32
    %broadcast_in_dim3A_12 = vector.broadcast %broadcast_in_dim3A_11 : f32 to vector<16xf32>
    %swap3A_13 = arith.constant 32 : index
    %swap3A_14 = tpu.vector_load %arg5[%swap3A_13] {strides = array<i32>} : memref<128xf32, #tpu.memory_space<vmem>>, vector<16xf32>,
    %swap3A_15 = vector.shape_cast %swap3A_14 : vector<16xf32> to vector<16xf32>
    %swap3A_16 = vector.shape_cast %broadcast_in_dim3A_12 : vector<16xf32> to vector<16xf32>
    tpu.vector_store %arg5[%swap3A_13], %swap3A_16 {strides = array<i32>} : memref<128xf32, #tpu.memory_space<vmem>>, vector<16xf32>,
    %broadcast_in_dim3A_17 = arith.constant 1.000000e+00 : f32
    %broadcast_in_dim3A_18 = vector.broadcast %broadcast_in_dim3A_17 : f32 to vector<16xf32>
    %swap3A_19 = arith.constant 48 : index
    %swap3A_20 = tpu.vector_load %arg5[%swap3A_19] {strides = array<i32>} : memref<128xf32, #tpu.memory_space<vmem>>, vector<16xf32>,
    %swap3A_21 = vector.shape_cast %swap3A_20 : vector<16xf32> to vector<16xf32>
    %swap3A_22 = vector.shape_cast %broadcast_in_dim3A_18 : vector<16xf32> to vector<16xf32>
    tpu.vector_store %arg5[%swap3A_19], %swap3A_22 {strides = array<i32>} : memref<128xf32, #tpu.memory_space<vmem>>, vector<16xf32>,
    %broadcast_in_dim3A_23 = arith.constant 1.000000e+00 : f32
    %broadcast_in_dim3A_24 = vector.broadcast %broadcast_in_dim3A_23 : f32 to vector<16xf32>
    %swap3A_25 = arith.constant 64 : index
    %swap3A_26 = tpu.vector_load %arg5[%swap3A_25] {strides = array<i32>} : memref<128xf32, #tpu.memory_space<vmem>>, vector<16xf32>,
    %swap3A_27 = vector.shape_cast %swap3A_26 : vector<16xf32> to vector<16xf32>
    %swap3A_28 = vector.shape_cast %broadcast_in_dim3A_24 : vector<16xf32> to vector<16xf32>
    tpu.vector_store %arg5[%swap3A_25], %swap3A_28 {strides = array<i32>} : memref<128xf32, #tpu.memory_space<vmem>>, vector<16xf32>,
    %broadcast_in_dim3A_29 = arith.constant 1.000000e+00 : f32
    %broadcast_in_dim3A_30 = vector.broadcast %broadcast_in_dim3A_29 : f32 to vector<16xf32>
    %swap3A_31 = arith.constant 80 : index
    %swap3A_32 = tpu.vector_load %arg5[%swap3A_31] {strides = array<i32>} : memref<128xf32, #tpu.memory_space<vmem>>, vector<16xf32>,
    %swap3A_33 = vector.shape_cast %swap3A_32 : vector<16xf32> to vector<16xf32>
    %swap3A_34 = vector.shape_cast %broadcast_in_dim3A_30 : vector<16xf32> to vector<16xf32>
    tpu.vector_store %arg5[%swap3A_31], %swap3A_34 {strides = array<i32>} : memref<128xf32, #tpu.memory_space<vmem>>, vector<16xf32>,
    %broadcast_in_dim3A_35 = arith.constant 1.000000e+00 : f32
    %broadcast_in_dim3A_36 = vector.broadcast %broadcast_in_dim3A_35 : f32 to vector<16xf32>
    %swap3A_37 = arith.constant 96 : index
    %swap3A_38 = tpu.vector_load %arg5[%swap3A_37] {strides = array<i32>} : memref<128xf32, #tpu.memory_space<vmem>>, vector<16xf32>,
    %swap3A_39 = vector.shape_cast %swap3A_38 : vector<16xf32> to vector<16xf32>
    %swap3A_40 = vector.shape_cast %broadcast_in_dim3A_36 : vector<16xf32> to vector<16xf32>
    tpu.vector_store %arg5[%swap3A_37], %swap3A_40 {strides = array<i32>} : memref<128xf32, #tpu.memory_space<vmem>>, vector<16xf32>,
    %broadcast_in_dim3A_41 = arith.constant 1.000000e+00 : f32
    %broadcast_in_dim3A_42 = vector.broadcast %broadcast_in_dim3A_41 : f32 to vector<16xf32>
    %swap3A_43 = arith.constant 112 : index
    %swap3A_44 = tpu.vector_load %arg5[%swap3A_43] {strides = array<i32>} : memref<128xf32, #tpu.memory_space<vmem>>, vector<16xf32>,
    %swap3A_45 = vector.shape_cast %swap3A_44 : vector<16xf32> to vector<16xf32>
    %swap3A_46 = vector.shape_cast %broadcast_in_dim3A_42 : vector<16xf32> to vector<16xf32>
    tpu.vector_store %arg5[%swap3A_43], %swap3A_46 {strides = array<i32>} : memref<128xf32, #tpu.memory_space<vmem>>, vector<16xf32>,
    %scan3A = arith.constant 0 : i32
    %scan3A_47 = arith.constant 0 : i32
    %scan3A_48 = arith.constant 40 : i32
    %scan3A_49 = arith.addi %scan3A_47, %scan3A_48 : i32
    %scan3A_50 = arith.constant 1 : i32
    scf.for %scan3A_67 = %scan3A_47 to %scan3A_49 step %scan3A_50  : i32 {
      %broadcast_in_dim3A_68 = arith.constant 0.000000e+00 : f32
      %broadcast_in_dim3A_69 = vector.broadcast %broadcast_in_dim3A_68 : f32 to vector<16xf32>
      %mul3A_70 = arith.constant 16 : i32
      %mul3A_71 = arith.muli %scan3A_67, %mul3A_70 : i32
      %swap3A_72 = arith.index_cast %mul3A_71 : i32 to index
      %swap3A_73 = tpu.vector_load %arg6[%swap3A_72] {strides = array<i32>} : memref<640xf32, #tpu.memory_space<vmem>>, vector<16xf32>,
      %swap3A_74 = vector.shape_cast %swap3A_73 : vector<16xf32> to vector<16xf32>
      %swap3A_75 = vector.shape_cast %broadcast_in_dim3A_69 : vector<16xf32> to vector<16xf32>
      tpu.vector_store %arg6[%swap3A_72], %swap3A_75 {strides = array<i32>} : memref<640xf32, #tpu.memory_space<vmem>>, vector<16xf32>,
    }
    %scan3A_51 = arith.constant 40 : i32
    %mul3A_52 = arith.constant 640 : i32
    %mul3A_53 = arith.muli %arg1, %mul3A_52 : i32
    "tpu.region"() ({
      %run_scoped3A = tpu.sem_alloc : memref<!tpu.dma_semaphore, #tpu.memory_space<semaphore_mem>>
      %dma_start3A = tpu.memref_slice %arg7[%mul3A_53] : memref<10240xf32, #tpu.memory_space<vmem_shared>> -> memref<640xf32, #tpu.memory_space<vmem_shared>>
      %dma_start3A_67 = tpu.memref_slice %arg7[%mul3A_53] : memref<10240xf32, #tpu.memory_space<vmem_shared>> -> memref<640xf32, #tpu.memory_space<vmem_shared>>
      tpu.enqueue_dma source(%arg6 : memref<640xf32, #tpu.memory_space<vmem>>) target(%dma_start3A_67 : memref<640xf32, #tpu.memory_space<vmem_shared>>) target_semaphore(%run_scoped3A : memref<!tpu.dma_semaphore, #tpu.memory_space<semaphore_mem>>)
      %dma_wait3A = tpu.memref_slice %arg7[%mul3A_53] : memref<10240xf32, #tpu.memory_space<vmem_shared>> -> memref<640xf32, #tpu.memory_space<vmem_shared>>
      %dma_wait3A_68 = tpu.memref_slice %arg7[%mul3A_53] : memref<10240xf32, #tpu.memory_space<vmem_shared>> -> memref<640xf32, #tpu.memory_space<vmem_shared>>
      tpu.wait_dma2 semaphore(%run_scoped3A : memref<!tpu.dma_semaphore, #tpu.memory_space<semaphore_mem>>) src(%arg6 : memref<640xf32, #tpu.memory_space<vmem>>) dst(%dma_wait3A_68 : memref<640xf32, #tpu.memory_space<vmem_shared>>)
      tpu.yield
    }) : () -> ()
    %mul3A_54 = arith.constant 80 : i32
    %mul3A_55 = arith.muli %add3A, %mul3A_54 : i32
    "tpu.region"() ({
      %run_scoped3A = tpu.sem_alloc : memref<!tpu.dma_semaphore, #tpu.memory_space<semaphore_mem>>
      %dma_start3A = arith.constant 0 : i32
      %dma_start3A_67 = tpu.memref_slice %arg2[%mul3A_55, %dma_start3A] : memref<2560x128xi32, #tpu.memory_space<hbm>> -> memref<80x128xi32, #tpu.memory_space<hbm>>
      %dma_start3A_68 = arith.constant 0 : i32
      %dma_start3A_69 = tpu.memref_slice %arg2[%mul3A_55, %dma_start3A_68] : memref<2560x128xi32, #tpu.memory_space<hbm>> -> memref<80x128xi32, #tpu.memory_space<hbm>>
      tpu.enqueue_dma source(%dma_start3A_69 : memref<80x128xi32, #tpu.memory_space<hbm>>) target(%arg4 : memref<80x128xi32, #tpu.memory_space<vmem>>) target_semaphore(%run_scoped3A : memref<!tpu.dma_semaphore, #tpu.memory_space<semaphore_mem>>)
      %dma_wait3A = arith.constant 0 : i32
      %dma_wait3A_70 = tpu.memref_slice %arg2[%mul3A_55, %dma_wait3A] : memref<2560x128xi32, #tpu.memory_space<hbm>> -> memref<80x128xi32, #tpu.memory_space<hbm>>
      %dma_wait3A_71 = arith.constant 0 : i32
      %dma_wait3A_72 = tpu.memref_slice %arg2[%mul3A_55, %dma_wait3A_71] : memref<2560x128xi32, #tpu.memory_space<hbm>> -> memref<80x128xi32, #tpu.memory_space<hbm>>
      tpu.wait_dma2 semaphore(%run_scoped3A : memref<!tpu.dma_semaphore, #tpu.memory_space<semaphore_mem>>) src(%dma_wait3A_72 : memref<80x128xi32, #tpu.memory_space<hbm>>) dst(%arg4 : memref<80x128xi32, #tpu.memory_space<vmem>>)
      tpu.yield
    }) : () -> ()
    %barrier3A = arith.constant 0 : index
    tpu.barrier barrier_id(%barrier3A)
    %scan3A_56 = arith.constant 0 : i32
    %scan3A_57 = arith.constant 0 : i32
    %scan3A_58 = arith.constant 80 : i32
    %scan3A_59 = arith.addi %scan3A_57, %scan3A_58 : i32
    %scan3A_60 = arith.constant 1 : i32
    scf.for %scan3A_67 = %scan3A_57 to %scan3A_59 step %scan3A_60  : i32 {
      "tpu.region"() ({
        %run_scoped3A = tpu.sem_alloc : memref<!tpu.dma_semaphore, #tpu.memory_space<semaphore_mem>>
        %dma_start3A = arith.constant 0 : i32
        %dma_start3A_68 = tpu.memref_slice %arg4[%scan3A_67, %dma_start3A] : memref<80x128xi32, #tpu.memory_space<vmem>> -> memref<1x128xi32, #tpu.memory_space<vmem>>
        %dma_start3A_69 = tpu.memref_squeeze %dma_start3A_68 : memref<1x128xi32, #tpu.memory_space<vmem>> -> memref<128xi32, #tpu.memory_space<vmem>>
        %dma_start3A_70 = arith.constant 0 : i32
        %dma_start3A_71 = tpu.memref_slice %arg7[%dma_start3A_70] : memref<10240xf32, #tpu.memory_space<vmem_shared>> -> memref<10240xf32, #tpu.memory_space<vmem_shared>>
        tpu.enqueue_indirect_dma source(%arg5 : memref<128xf32, #tpu.memory_space<vmem>>) target(%dma_start3A_71 : memref<10240xf32, #tpu.memory_space<vmem_shared>>) offsets(%dma_start3A_69 : memref<128xi32, #tpu.memory_space<vmem>>) semaphore(%run_scoped3A : memref<!tpu.dma_semaphore, #tpu.memory_space<semaphore_mem>>) {add = true}
        %dma_wait3A = arith.constant 0 : i32
        %dma_wait3A_72 = tpu.memref_slice %arg4[%scan3A_67, %dma_wait3A] : memref<80x128xi32, #tpu.memory_space<vmem>> -> memref<1x128xi32, #tpu.memory_space<vmem>>
        %dma_wait3A_73 = tpu.memref_squeeze %dma_wait3A_72 : memref<1x128xi32, #tpu.memory_space<vmem>> -> memref<128xi32, #tpu.memory_space<vmem>>
        %dma_wait3A_74 = arith.constant 0 : i32
        %dma_wait3A_75 = tpu.memref_slice %arg7[%dma_wait3A_74] : memref<10240xf32, #tpu.memory_space<vmem_shared>> -> memref<10240xf32, #tpu.memory_space<vmem_shared>>
        tpu.wait_indirect_dma semaphore(%run_scoped3A : memref<!tpu.dma_semaphore, #tpu.memory_space<semaphore_mem>>) src(%arg5 : memref<128xf32, #tpu.memory_space<vmem>>) dst(%dma_wait3A_75 : memref<10240xf32, #tpu.memory_space<vmem_shared>>)
        tpu.yield
      }) : () -> ()
    }
    %scan3A_61 = arith.constant 80 : i32
    %barrier3A_62 = arith.constant 0 : index
    tpu.barrier barrier_id(%barrier3A_62)
    %mul3A_63 = arith.constant 640 : i32
    %mul3A_64 = arith.muli %arg1, %mul3A_63 : i32
    %mul3A_65 = arith.constant 640 : i32
    %mul3A_66 = arith.muli %arg1, %mul3A_65 : i32
    "tpu.region"() ({
      %run_scoped3A = tpu.sem_alloc : memref<!tpu.dma_semaphore, #tpu.memory_space<semaphore_mem>>
      %dma_start3A = tpu.memref_slice %arg3[%arg0, %mul3A_66] : memref<2x10240xf32, #tpu.memory_space<hbm>> -> memref<1x640xf32, #tpu.memory_space<hbm>>
      %dma_start3A_67 = tpu.memref_squeeze %dma_start3A : memref<1x640xf32, #tpu.memory_space<hbm>> -> memref<640xf32, #tpu.memory_space<hbm>>
      %dma_start3A_68 = tpu.memref_slice %arg7[%mul3A_64] : memref<10240xf32, #tpu.memory_space<vmem_shared>> -> memref<640xf32, #tpu.memory_space<vmem_shared>>
      tpu.enqueue_dma source(%dma_start3A_68 : memref<640xf32, #tpu.memory_space<vmem_shared>>) target(%dma_start3A_67 : memref<640xf32, #tpu.memory_space<hbm>>) target_semaphore(%run_scoped3A : memref<!tpu.dma_semaphore, #tpu.memory_space<semaphore_mem>>)
      %dma_wait3A = tpu.memref_slice %arg3[%arg0, %mul3A_66] : memref<2x10240xf32, #tpu.memory_space<hbm>> -> memref<1x640xf32, #tpu.memory_space<hbm>>
      %dma_wait3A_69 = tpu.memref_squeeze %dma_wait3A : memref<1x640xf32, #tpu.memory_space<hbm>> -> memref<640xf32, #tpu.memory_space<hbm>>
      %dma_wait3A_70 = tpu.memref_slice %arg7[%mul3A_64] : memref<10240xf32, #tpu.memory_space<vmem_shared>> -> memref<640xf32, #tpu.memory_space<vmem_shared>>
      tpu.wait_dma2 semaphore(%run_scoped3A : memref<!tpu.dma_semaphore, #tpu.memory_space<semaphore_mem>>) src(%dma_wait3A_70 : memref<640xf32, #tpu.memory_space<vmem_shared>>) dst(%dma_wait3A_69 : memref<640xf32, #tpu.memory_space<hbm>>)
      tpu.yield
    }) : () -> ()
    return
  }
}

#map = affine_map<(d0, d1) -> (0, 0)>
#map1 = affine_map<(d0, d1) -> (0, 0, 0)>
module attributes {stable_mosaic.version = 14 : i64} {
  func.func @_scatter_kernel(%arg0: i32, %arg1: i32, %arg2: memref<20480x64xbf16, #tpu.memory_space<hbm>>, %arg3: memref<2560x128xi32, #tpu.memory_space<hbm>>, %arg4: memref<2560x128xi32, #tpu.memory_space<hbm>>, %arg5: memref<2x10240x64xf32, #tpu.memory_space<hbm>>, %arg6: memref<160x128xi32, #tpu.memory_space<vmem>>, %arg7: memref<160x128xi32, #tpu.memory_space<vmem>>, %arg8: memref<2x128x64xbf16, #tpu.memory_space<vmem>>, %arg9: memref<2x128x64xf32, #tpu.memory_space<vmem>>, %arg10: memref<128x64xf32, #tpu.memory_space<vmem>>, %arg11: memref<10240x64xf32, #tpu.memory_space<vmem_shared>>, %arg12: memref<!tpu.dma_semaphore, #tpu.memory_space<semaphore_mem>>, %arg13: memref<!tpu.dma_semaphore, #tpu.memory_space<semaphore_mem>>, %arg14: memref<!tpu.dma_semaphore, #tpu.memory_space<semaphore_mem>>, %arg15: memref<!tpu.dma_semaphore, #tpu.memory_space<semaphore_mem>>) attributes {dimension_semantics = [#tpu.dimension_semantics<core_parallel>, #tpu.dimension_semantics<subcore_parallel>], iteration_bounds = array<i64: 2, 16>, scalar_prefetch = 0 : i64, scratch_operands = 10 : i64, tpu.core_type = #tpu.core_type<sc_vector_subcore>, window_params = [{transform_indices = #map}, {transform_indices = #map}, {transform_indices = #map}, {transform_indices = #map1}]} {
    %mul3A = arith.constant 160 : i32
    %mul3A_0 = arith.muli %arg1, %mul3A : i32
    %mul3A_1 = arith.constant 640 : i32
    %mul3A_2 = arith.muli %arg1, %mul3A_1 : i32
    %dma_start3A = arith.constant 0 : i32
    %dma_start3A_3 = tpu.memref_slice %arg3[%mul3A_0, %dma_start3A] : memref<2560x128xi32, #tpu.memory_space<hbm>> -> memref<160x128xi32, #tpu.memory_space<hbm>>
    %dma_start3A_4 = arith.constant 0 : i32
    %dma_start3A_5 = tpu.memref_slice %arg3[%mul3A_0, %dma_start3A_4] : memref<2560x128xi32, #tpu.memory_space<hbm>> -> memref<160x128xi32, #tpu.memory_space<hbm>>
    tpu.enqueue_dma source(%dma_start3A_5 : memref<160x128xi32, #tpu.memory_space<hbm>>) target(%arg6 : memref<160x128xi32, #tpu.memory_space<vmem>>) target_semaphore(%arg12 : memref<!tpu.dma_semaphore, #tpu.memory_space<semaphore_mem>>)
    %dma_start3A_6 = arith.constant 0 : i32
    %dma_start3A_7 = tpu.memref_slice %arg4[%mul3A_0, %dma_start3A_6] : memref<2560x128xi32, #tpu.memory_space<hbm>> -> memref<160x128xi32, #tpu.memory_space<hbm>>
    %dma_start3A_8 = arith.constant 0 : i32
    %dma_start3A_9 = tpu.memref_slice %arg4[%mul3A_0, %dma_start3A_8] : memref<2560x128xi32, #tpu.memory_space<hbm>> -> memref<160x128xi32, #tpu.memory_space<hbm>>
    tpu.enqueue_dma source(%dma_start3A_9 : memref<160x128xi32, #tpu.memory_space<hbm>>) target(%arg7 : memref<160x128xi32, #tpu.memory_space<vmem>>) target_semaphore(%arg13 : memref<!tpu.dma_semaphore, #tpu.memory_space<semaphore_mem>>)
    %scan3A = arith.constant 0 : i32
    %scan3A_10 = arith.constant 0 : i32
    %scan3A_11 = arith.constant 128 : i32
    %scan3A_12 = arith.addi %scan3A_10, %scan3A_11 : i32
    %scan3A_13 = arith.constant 1 : i32
    scf.for %scan3A_302 = %scan3A_10 to %scan3A_12 step %scan3A_13  : i32 {
      %broadcast_in_dim3A_303 = arith.constant 0.000000e+00 : f32
      %broadcast_in_dim3A_304 = vector.broadcast %broadcast_in_dim3A_303 : f32 to vector<16xf32>
      %swap3A = arith.index_cast %scan3A_302 : i32 to index
      %swap3A_305 = arith.constant 0 : index
      %swap3A_306 = tpu.vector_load %arg10[%swap3A, %swap3A_305] {strides = array<i32>} : memref<128x64xf32, #tpu.memory_space<vmem>>, vector<16xf32>,
      tpu.vector_store %arg10[%swap3A, %swap3A_305], %broadcast_in_dim3A_304 {strides = array<i32>} : memref<128x64xf32, #tpu.memory_space<vmem>>, vector<16xf32>,
      %broadcast_in_dim3A_307 = arith.constant 0.000000e+00 : f32
      %broadcast_in_dim3A_308 = vector.broadcast %broadcast_in_dim3A_307 : f32 to vector<16xf32>
      %swap3A_309 = arith.index_cast %scan3A_302 : i32 to index
      %swap3A_310 = arith.constant 16 : index
      %swap3A_311 = tpu.vector_load %arg10[%swap3A_309, %swap3A_310] {strides = array<i32>} : memref<128x64xf32, #tpu.memory_space<vmem>>, vector<16xf32>,
      tpu.vector_store %arg10[%swap3A_309, %swap3A_310], %broadcast_in_dim3A_308 {strides = array<i32>} : memref<128x64xf32, #tpu.memory_space<vmem>>, vector<16xf32>,
      %broadcast_in_dim3A_312 = arith.constant 0.000000e+00 : f32
      %broadcast_in_dim3A_313 = vector.broadcast %broadcast_in_dim3A_312 : f32 to vector<16xf32>
      %swap3A_314 = arith.index_cast %scan3A_302 : i32 to index
      %swap3A_315 = arith.constant 32 : index
      %swap3A_316 = tpu.vector_load %arg10[%swap3A_314, %swap3A_315] {strides = array<i32>} : memref<128x64xf32, #tpu.memory_space<vmem>>, vector<16xf32>,
      tpu.vector_store %arg10[%swap3A_314, %swap3A_315], %broadcast_in_dim3A_313 {strides = array<i32>} : memref<128x64xf32, #tpu.memory_space<vmem>>, vector<16xf32>,
      %broadcast_in_dim3A_317 = arith.constant 0.000000e+00 : f32
      %broadcast_in_dim3A_318 = vector.broadcast %broadcast_in_dim3A_317 : f32 to vector<16xf32>
      %swap3A_319 = arith.index_cast %scan3A_302 : i32 to index
      %swap3A_320 = arith.constant 48 : index
      %swap3A_321 = tpu.vector_load %arg10[%swap3A_319, %swap3A_320] {strides = array<i32>} : memref<128x64xf32, #tpu.memory_space<vmem>>, vector<16xf32>,
      tpu.vector_store %arg10[%swap3A_319, %swap3A_320], %broadcast_in_dim3A_318 {strides = array<i32>} : memref<128x64xf32, #tpu.memory_space<vmem>>, vector<16xf32>,
    }
    %scan3A_14 = arith.constant 128 : i32
    %add3A = arith.constant 0 : i32
    %add3A_15 = arith.addi %mul3A_2, %add3A : i32
    %dma_start3A_16 = arith.constant 0 : i32
    %dma_start3A_17 = tpu.memref_slice %arg11[%add3A_15, %dma_start3A_16] : memref<10240x64xf32, #tpu.memory_space<vmem_shared>> -> memref<128x64xf32, #tpu.memory_space<vmem_shared>>
    %dma_start3A_18 = arith.constant 0 : i32
    %dma_start3A_19 = tpu.memref_slice %arg11[%add3A_15, %dma_start3A_18] : memref<10240x64xf32, #tpu.memory_space<vmem_shared>> -> memref<128x64xf32, #tpu.memory_space<vmem_shared>>
    tpu.enqueue_dma source(%arg10 : memref<128x64xf32, #tpu.memory_space<vmem>>) target(%dma_start3A_19 : memref<128x64xf32, #tpu.memory_space<vmem_shared>>) target_semaphore(%arg14 : memref<!tpu.dma_semaphore, #tpu.memory_space<semaphore_mem>>)
    %add3A_20 = arith.constant 128 : i32
    %add3A_21 = arith.addi %mul3A_2, %add3A_20 : i32
    %dma_start3A_22 = arith.constant 0 : i32
    %dma_start3A_23 = tpu.memref_slice %arg11[%add3A_21, %dma_start3A_22] : memref<10240x64xf32, #tpu.memory_space<vmem_shared>> -> memref<128x64xf32, #tpu.memory_space<vmem_shared>>
    %dma_start3A_24 = arith.constant 0 : i32
    %dma_start3A_25 = tpu.memref_slice %arg11[%add3A_21, %dma_start3A_24] : memref<10240x64xf32, #tpu.memory_space<vmem_shared>> -> memref<128x64xf32, #tpu.memory_space<vmem_shared>>
    tpu.enqueue_dma source(%arg10 : memref<128x64xf32, #tpu.memory_space<vmem>>) target(%dma_start3A_25 : memref<128x64xf32, #tpu.memory_space<vmem_shared>>) target_semaphore(%arg14 : memref<!tpu.dma_semaphore, #tpu.memory_space<semaphore_mem>>)
    %add3A_26 = arith.constant 256 : i32
    %add3A_27 = arith.addi %mul3A_2, %add3A_26 : i32
    %dma_start3A_28 = arith.constant 0 : i32
    %dma_start3A_29 = tpu.memref_slice %arg11[%add3A_27, %dma_start3A_28] : memref<10240x64xf32, #tpu.memory_space<vmem_shared>> -> memref<128x64xf32, #tpu.memory_space<vmem_shared>>
    %dma_start3A_30 = arith.constant 0 : i32
    %dma_start3A_31 = tpu.memref_slice %arg11[%add3A_27, %dma_start3A_30] : memref<10240x64xf32, #tpu.memory_space<vmem_shared>> -> memref<128x64xf32, #tpu.memory_space<vmem_shared>>
    tpu.enqueue_dma source(%arg10 : memref<128x64xf32, #tpu.memory_space<vmem>>) target(%dma_start3A_31 : memref<128x64xf32, #tpu.memory_space<vmem_shared>>) target_semaphore(%arg14 : memref<!tpu.dma_semaphore, #tpu.memory_space<semaphore_mem>>)
    %add3A_32 = arith.constant 384 : i32
    %add3A_33 = arith.addi %mul3A_2, %add3A_32 : i32
    %dma_start3A_34 = arith.constant 0 : i32
    %dma_start3A_35 = tpu.memref_slice %arg11[%add3A_33, %dma_start3A_34] : memref<10240x64xf32, #tpu.memory_space<vmem_shared>> -> memref<128x64xf32, #tpu.memory_space<vmem_shared>>
    %dma_start3A_36 = arith.constant 0 : i32
    %dma_start3A_37 = tpu.memref_slice %arg11[%add3A_33, %dma_start3A_36] : memref<10240x64xf32, #tpu.memory_space<vmem_shared>> -> memref<128x64xf32, #tpu.memory_space<vmem_shared>>
    tpu.enqueue_dma source(%arg10 : memref<128x64xf32, #tpu.memory_space<vmem>>) target(%dma_start3A_37 : memref<128x64xf32, #tpu.memory_space<vmem_shared>>) target_semaphore(%arg14 : memref<!tpu.dma_semaphore, #tpu.memory_space<semaphore_mem>>)
    %add3A_38 = arith.constant 512 : i32
    %add3A_39 = arith.addi %mul3A_2, %add3A_38 : i32
    %dma_start3A_40 = arith.constant 0 : i32
    %dma_start3A_41 = tpu.memref_slice %arg11[%add3A_39, %dma_start3A_40] : memref<10240x64xf32, #tpu.memory_space<vmem_shared>> -> memref<128x64xf32, #tpu.memory_space<vmem_shared>>
    %dma_start3A_42 = arith.constant 0 : i32
    %dma_start3A_43 = tpu.memref_slice %arg11[%add3A_39, %dma_start3A_42] : memref<10240x64xf32, #tpu.memory_space<vmem_shared>> -> memref<128x64xf32, #tpu.memory_space<vmem_shared>>
    tpu.enqueue_dma source(%arg10 : memref<128x64xf32, #tpu.memory_space<vmem>>) target(%dma_start3A_43 : memref<128x64xf32, #tpu.memory_space<vmem_shared>>) target_semaphore(%arg14 : memref<!tpu.dma_semaphore, #tpu.memory_space<semaphore_mem>>)
    %dma_wait3A = arith.constant 0 : i32
    %dma_wait3A_44 = tpu.memref_slice %arg3[%mul3A_0, %dma_wait3A] : memref<2560x128xi32, #tpu.memory_space<hbm>> -> memref<160x128xi32, #tpu.memory_space<hbm>>
    %dma_wait3A_45 = arith.constant 0 : i32
    %dma_wait3A_46 = tpu.memref_slice %arg3[%mul3A_0, %dma_wait3A_45] : memref<2560x128xi32, #tpu.memory_space<hbm>> -> memref<160x128xi32, #tpu.memory_space<hbm>>
    tpu.wait_dma2 semaphore(%arg12 : memref<!tpu.dma_semaphore, #tpu.memory_space<semaphore_mem>>) src(%dma_wait3A_46 : memref<160x128xi32, #tpu.memory_space<hbm>>) dst(%arg6 : memref<160x128xi32, #tpu.memory_space<vmem>>)
    %mul3A_47 = arith.constant 10240 : i32
    %mul3A_48 = arith.muli %arg0, %mul3A_47 : i32
    %broadcast_in_dim3A = vector.broadcast %mul3A_48 : i32 to vector<16xi32>
    %scan3A_49 = arith.constant 0 : i32
    %scan3A_50 = arith.constant 0 : i32
    %scan3A_51 = arith.constant 160 : i32
    %scan3A_52 = arith.addi %scan3A_50, %scan3A_51 : i32
    %scan3A_53 = arith.constant 1 : i32
    scf.for %scan3A_302 = %scan3A_50 to %scan3A_52 step %scan3A_53  : i32 {
      %get3A = arith.index_cast %scan3A_302 : i32 to index
      %get3A_303 = arith.constant 0 : index
      %get3A_304 = tpu.vector_load %arg6[%get3A, %get3A_303] {strides = array<i32>} : memref<160x128xi32, #tpu.memory_space<vmem>>, vector<16xi32>,
      %add3A_305 = arith.addi %get3A_304, %broadcast_in_dim3A : vector<16xi32>
      %swap3A = arith.index_cast %scan3A_302 : i32 to index
      %swap3A_306 = arith.constant 0 : index
      %swap3A_307 = tpu.vector_load %arg6[%swap3A, %swap3A_306] {strides = array<i32>} : memref<160x128xi32, #tpu.memory_space<vmem>>, vector<16xi32>,
      tpu.vector_store %arg6[%swap3A, %swap3A_306], %add3A_305 {strides = array<i32>} : memref<160x128xi32, #tpu.memory_space<vmem>>, vector<16xi32>,
      %get3A_308 = arith.index_cast %scan3A_302 : i32 to index
      %get3A_309 = arith.constant 16 : index
      %get3A_310 = tpu.vector_load %arg6[%get3A_308, %get3A_309] {strides = array<i32>} : memref<160x128xi32, #tpu.memory_space<vmem>>, vector<16xi32>,
      %add3A_311 = arith.addi %get3A_310, %broadcast_in_dim3A : vector<16xi32>
      %swap3A_312 = arith.index_cast %scan3A_302 : i32 to index
      %swap3A_313 = arith.constant 16 : index
      %swap3A_314 = tpu.vector_load %arg6[%swap3A_312, %swap3A_313] {strides = array<i32>} : memref<160x128xi32, #tpu.memory_space<vmem>>, vector<16xi32>,
      tpu.vector_store %arg6[%swap3A_312, %swap3A_313], %add3A_311 {strides = array<i32>} : memref<160x128xi32, #tpu.memory_space<vmem>>, vector<16xi32>,
      %get3A_315 = arith.index_cast %scan3A_302 : i32 to index
      %get3A_316 = arith.constant 32 : index
      %get3A_317 = tpu.vector_load %arg6[%get3A_315, %get3A_316] {strides = array<i32>} : memref<160x128xi32, #tpu.memory_space<vmem>>, vector<16xi32>,
      %add3A_318 = arith.addi %get3A_317, %broadcast_in_dim3A : vector<16xi32>
      %swap3A_319 = arith.index_cast %scan3A_302 : i32 to index
      %swap3A_320 = arith.constant 32 : index
      %swap3A_321 = tpu.vector_load %arg6[%swap3A_319, %swap3A_320] {strides = array<i32>} : memref<160x128xi32, #tpu.memory_space<vmem>>, vector<16xi32>,
      tpu.vector_store %arg6[%swap3A_319, %swap3A_320], %add3A_318 {strides = array<i32>} : memref<160x128xi32, #tpu.memory_space<vmem>>, vector<16xi32>,
      %get3A_322 = arith.index_cast %scan3A_302 : i32 to index
      %get3A_323 = arith.constant 48 : index
      %get3A_324 = tpu.vector_load %arg6[%get3A_322, %get3A_323] {strides = array<i32>} : memref<160x128xi32, #tpu.memory_space<vmem>>, vector<16xi32>,
      %add3A_325 = arith.addi %get3A_324, %broadcast_in_dim3A : vector<16xi32>
      %swap3A_326 = arith.index_cast %scan3A_302 : i32 to index
      %swap3A_327 = arith.constant 48 : index
      %swap3A_328 = tpu.vector_load %arg6[%swap3A_326, %swap3A_327] {strides = array<i32>} : memref<160x128xi32, #tpu.memory_space<vmem>>, vector<16xi32>,
      tpu.vector_store %arg6[%swap3A_326, %swap3A_327], %add3A_325 {strides = array<i32>} : memref<160x128xi32, #tpu.memory_space<vmem>>, vector<16xi32>,
      %get3A_329 = arith.index_cast %scan3A_302 : i32 to index
      %get3A_330 = arith.constant 64 : index
      %get3A_331 = tpu.vector_load %arg6[%get3A_329, %get3A_330] {strides = array<i32>} : memref<160x128xi32, #tpu.memory_space<vmem>>, vector<16xi32>,
      %add3A_332 = arith.addi %get3A_331, %broadcast_in_dim3A : vector<16xi32>
      %swap3A_333 = arith.index_cast %scan3A_302 : i32 to index
      %swap3A_334 = arith.constant 64 : index
      %swap3A_335 = tpu.vector_load %arg6[%swap3A_333, %swap3A_334] {strides = array<i32>} : memref<160x128xi32, #tpu.memory_space<vmem>>, vector<16xi32>,
      tpu.vector_store %arg6[%swap3A_333, %swap3A_334], %add3A_332 {strides = array<i32>} : memref<160x128xi32, #tpu.memory_space<vmem>>, vector<16xi32>,
      %get3A_336 = arith.index_cast %scan3A_302 : i32 to index
      %get3A_337 = arith.constant 80 : index
      %get3A_338 = tpu.vector_load %arg6[%get3A_336, %get3A_337] {strides = array<i32>} : memref<160x128xi32, #tpu.memory_space<vmem>>, vector<16xi32>,
      %add3A_339 = arith.addi %get3A_338, %broadcast_in_dim3A : vector<16xi32>
      %swap3A_340 = arith.index_cast %scan3A_302 : i32 to index
      %swap3A_341 = arith.constant 80 : index
      %swap3A_342 = tpu.vector_load %arg6[%swap3A_340, %swap3A_341] {strides = array<i32>} : memref<160x128xi32, #tpu.memory_space<vmem>>, vector<16xi32>,
      tpu.vector_store %arg6[%swap3A_340, %swap3A_341], %add3A_339 {strides = array<i32>} : memref<160x128xi32, #tpu.memory_space<vmem>>, vector<16xi32>,
      %get3A_343 = arith.index_cast %scan3A_302 : i32 to index
      %get3A_344 = arith.constant 96 : index
      %get3A_345 = tpu.vector_load %arg6[%get3A_343, %get3A_344] {strides = array<i32>} : memref<160x128xi32, #tpu.memory_space<vmem>>, vector<16xi32>,
      %add3A_346 = arith.addi %get3A_345, %broadcast_in_dim3A : vector<16xi32>
      %swap3A_347 = arith.index_cast %scan3A_302 : i32 to index
      %swap3A_348 = arith.constant 96 : index
      %swap3A_349 = tpu.vector_load %arg6[%swap3A_347, %swap3A_348] {strides = array<i32>} : memref<160x128xi32, #tpu.memory_space<vmem>>, vector<16xi32>,
      tpu.vector_store %arg6[%swap3A_347, %swap3A_348], %add3A_346 {strides = array<i32>} : memref<160x128xi32, #tpu.memory_space<vmem>>, vector<16xi32>,
      %get3A_350 = arith.index_cast %scan3A_302 : i32 to index
      %get3A_351 = arith.constant 112 : index
      %get3A_352 = tpu.vector_load %arg6[%get3A_350, %get3A_351] {strides = array<i32>} : memref<160x128xi32, #tpu.memory_space<vmem>>, vector<16xi32>,
      %add3A_353 = arith.addi %get3A_352, %broadcast_in_dim3A : vector<16xi32>
      %swap3A_354 = arith.index_cast %scan3A_302 : i32 to index
      %swap3A_355 = arith.constant 112 : index
      %swap3A_356 = tpu.vector_load %arg6[%swap3A_354, %swap3A_355] {strides = array<i32>} : memref<160x128xi32, #tpu.memory_space<vmem>>, vector<16xi32>,
      tpu.vector_store %arg6[%swap3A_354, %swap3A_355], %add3A_353 {strides = array<i32>} : memref<160x128xi32, #tpu.memory_space<vmem>>, vector<16xi32>,
    }
    %scan3A_54 = arith.constant 160 : i32
    %dma_wait3A_55 = arith.constant 0 : i32
    %dma_wait3A_56 = tpu.memref_slice %arg4[%mul3A_0, %dma_wait3A_55] : memref<2560x128xi32, #tpu.memory_space<hbm>> -> memref<160x128xi32, #tpu.memory_space<hbm>>
    %dma_wait3A_57 = arith.constant 0 : i32
    %dma_wait3A_58 = tpu.memref_slice %arg4[%mul3A_0, %dma_wait3A_57] : memref<2560x128xi32, #tpu.memory_space<hbm>> -> memref<160x128xi32, #tpu.memory_space<hbm>>
    tpu.wait_dma2 semaphore(%arg13 : memref<!tpu.dma_semaphore, #tpu.memory_space<semaphore_mem>>) src(%dma_wait3A_58 : memref<160x128xi32, #tpu.memory_space<hbm>>) dst(%arg7 : memref<160x128xi32, #tpu.memory_space<vmem>>)
    %dma_wait3A_59 = arith.constant 0 : i32
    %dma_wait3A_60 = tpu.memref_slice %arg11[%add3A_15, %dma_wait3A_59] : memref<10240x64xf32, #tpu.memory_space<vmem_shared>> -> memref<128x64xf32, #tpu.memory_space<vmem_shared>>
    %dma_wait3A_61 = arith.constant 0 : i32
    %dma_wait3A_62 = tpu.memref_slice %arg11[%add3A_15, %dma_wait3A_61] : memref<10240x64xf32, #tpu.memory_space<vmem_shared>> -> memref<128x64xf32, #tpu.memory_space<vmem_shared>>
    tpu.wait_dma2 semaphore(%arg14 : memref<!tpu.dma_semaphore, #tpu.memory_space<semaphore_mem>>) src(%arg10 : memref<128x64xf32, #tpu.memory_space<vmem>>) dst(%dma_wait3A_62 : memref<128x64xf32, #tpu.memory_space<vmem_shared>>)
    %dma_wait3A_63 = arith.constant 0 : i32
    %dma_wait3A_64 = tpu.memref_slice %arg11[%add3A_21, %dma_wait3A_63] : memref<10240x64xf32, #tpu.memory_space<vmem_shared>> -> memref<128x64xf32, #tpu.memory_space<vmem_shared>>
    %dma_wait3A_65 = arith.constant 0 : i32
    %dma_wait3A_66 = tpu.memref_slice %arg11[%add3A_21, %dma_wait3A_65] : memref<10240x64xf32, #tpu.memory_space<vmem_shared>> -> memref<128x64xf32, #tpu.memory_space<vmem_shared>>
    tpu.wait_dma2 semaphore(%arg14 : memref<!tpu.dma_semaphore, #tpu.memory_space<semaphore_mem>>) src(%arg10 : memref<128x64xf32, #tpu.memory_space<vmem>>) dst(%dma_wait3A_66 : memref<128x64xf32, #tpu.memory_space<vmem_shared>>)
    %dma_wait3A_67 = arith.constant 0 : i32
    %dma_wait3A_68 = tpu.memref_slice %arg11[%add3A_27, %dma_wait3A_67] : memref<10240x64xf32, #tpu.memory_space<vmem_shared>> -> memref<128x64xf32, #tpu.memory_space<vmem_shared>>
    %dma_wait3A_69 = arith.constant 0 : i32
    %dma_wait3A_70 = tpu.memref_slice %arg11[%add3A_27, %dma_wait3A_69] : memref<10240x64xf32, #tpu.memory_space<vmem_shared>> -> memref<128x64xf32, #tpu.memory_space<vmem_shared>>
    tpu.wait_dma2 semaphore(%arg14 : memref<!tpu.dma_semaphore, #tpu.memory_space<semaphore_mem>>) src(%arg10 : memref<128x64xf32, #tpu.memory_space<vmem>>) dst(%dma_wait3A_70 : memref<128x64xf32, #tpu.memory_space<vmem_shared>>)
    %dma_wait3A_71 = arith.constant 0 : i32
    %dma_wait3A_72 = tpu.memref_slice %arg11[%add3A_33, %dma_wait3A_71] : memref<10240x64xf32, #tpu.memory_space<vmem_shared>> -> memref<128x64xf32, #tpu.memory_space<vmem_shared>>
    %dma_wait3A_73 = arith.constant 0 : i32
    %dma_wait3A_74 = tpu.memref_slice %arg11[%add3A_33, %dma_wait3A_73] : memref<10240x64xf32, #tpu.memory_space<vmem_shared>> -> memref<128x64xf32, #tpu.memory_space<vmem_shared>>
    tpu.wait_dma2 semaphore(%arg14 : memref<!tpu.dma_semaphore, #tpu.memory_space<semaphore_mem>>) src(%arg10 : memref<128x64xf32, #tpu.memory_space<vmem>>) dst(%dma_wait3A_74 : memref<128x64xf32, #tpu.memory_space<vmem_shared>>)
    %dma_wait3A_75 = arith.constant 0 : i32
    %dma_wait3A_76 = tpu.memref_slice %arg11[%add3A_39, %dma_wait3A_75] : memref<10240x64xf32, #tpu.memory_space<vmem_shared>> -> memref<128x64xf32, #tpu.memory_space<vmem_shared>>
    %dma_wait3A_77 = arith.constant 0 : i32
    %dma_wait3A_78 = tpu.memref_slice %arg11[%add3A_39, %dma_wait3A_77] : memref<10240x64xf32, #tpu.memory_space<vmem_shared>> -> memref<128x64xf32, #tpu.memory_space<vmem_shared>>
    tpu.wait_dma2 semaphore(%arg14 : memref<!tpu.dma_semaphore, #tpu.memory_space<semaphore_mem>>) src(%arg10 : memref<128x64xf32, #tpu.memory_space<vmem>>) dst(%dma_wait3A_78 : memref<128x64xf32, #tpu.memory_space<vmem_shared>>)
    %dma_start3A_79 = arith.constant 0 : i32
    %dma_start3A_80 = arith.constant 0 : i32
    %dma_start3A_81 = arith.constant 0 : i32
    %dma_start3A_82 = arith.constant 0 : i32
    %dma_start3A_83 = tpu.memref_slice %arg8[%dma_start3A_80, %dma_start3A_81, %dma_start3A_82] : memref<2x128x64xbf16, #tpu.memory_space<vmem>> -> memref<1x128x64xbf16, #tpu.memory_space<vmem>>
    %dma_start3A_84 = tpu.memref_squeeze %dma_start3A_83 : memref<1x128x64xbf16, #tpu.memory_space<vmem>> -> memref<128x64xbf16, #tpu.memory_space<vmem>>
    %dma_start3A_85 = arith.constant 0 : i32
    %dma_start3A_86 = tpu.memref_slice %arg6[%dma_start3A_79, %dma_start3A_85] : memref<160x128xi32, #tpu.memory_space<vmem>> -> memref<1x128xi32, #tpu.memory_space<vmem>>
    %dma_start3A_87 = tpu.memref_squeeze %dma_start3A_86 : memref<1x128xi32, #tpu.memory_space<vmem>> -> memref<128xi32, #tpu.memory_space<vmem>>
    %dma_start3A_88 = arith.constant 0 : i32
    %dma_start3A_89 = arith.constant 0 : i32
    %dma_start3A_90 = tpu.memref_slice %arg2[%dma_start3A_88, %dma_start3A_89] : memref<20480x64xbf16, #tpu.memory_space<hbm>> -> memref<20480x64xbf16, #tpu.memory_space<hbm>>
    tpu.enqueue_indirect_dma source(%dma_start3A_90 : memref<20480x64xbf16, #tpu.memory_space<hbm>>) target(%dma_start3A_84 : memref<128x64xbf16, #tpu.memory_space<vmem>>) offsets(%dma_start3A_87 : memref<128xi32, #tpu.memory_space<vmem>>) semaphore(%arg12 : memref<!tpu.dma_semaphore, #tpu.memory_space<semaphore_mem>>)
    %dma_start3A_91 = arith.constant 1 : i32
    %dma_start3A_92 = arith.constant 1 : i32
    %dma_start3A_93 = arith.constant 0 : i32
    %dma_start3A_94 = arith.constant 0 : i32
    %dma_start3A_95 = tpu.memref_slice %arg8[%dma_start3A_92, %dma_start3A_93, %dma_start3A_94] : memref<2x128x64xbf16, #tpu.memory_space<vmem>> -> memref<1x128x64xbf16, #tpu.memory_space<vmem>>
    %dma_start3A_96 = tpu.memref_squeeze %dma_start3A_95 : memref<1x128x64xbf16, #tpu.memory_space<vmem>> -> memref<128x64xbf16, #tpu.memory_space<vmem>>
    %dma_start3A_97 = arith.constant 0 : i32
    %dma_start3A_98 = tpu.memref_slice %arg6[%dma_start3A_91, %dma_start3A_97] : memref<160x128xi32, #tpu.memory_space<vmem>> -> memref<1x128xi32, #tpu.memory_space<vmem>>
    %dma_start3A_99 = tpu.memref_squeeze %dma_start3A_98 : memref<1x128xi32, #tpu.memory_space<vmem>> -> memref<128xi32, #tpu.memory_space<vmem>>
    %dma_start3A_100 = arith.constant 0 : i32
    %dma_start3A_101 = arith.constant 0 : i32
    %dma_start3A_102 = tpu.memref_slice %arg2[%dma_start3A_100, %dma_start3A_101] : memref<20480x64xbf16, #tpu.memory_space<hbm>> -> memref<20480x64xbf16, #tpu.memory_space<hbm>>
    tpu.enqueue_indirect_dma source(%dma_start3A_102 : memref<20480x64xbf16, #tpu.memory_space<hbm>>) target(%dma_start3A_96 : memref<128x64xbf16, #tpu.memory_space<vmem>>) offsets(%dma_start3A_99 : memref<128xi32, #tpu.memory_space<vmem>>) semaphore(%arg13 : memref<!tpu.dma_semaphore, #tpu.memory_space<semaphore_mem>>)
    %barrier3A = arith.constant 0 : index
    tpu.barrier barrier_id(%barrier3A)
    %dma_wait3A_103 = arith.constant 0 : i32
    %dma_wait3A_104 = arith.constant 0 : i32
    %dma_wait3A_105 = arith.constant 0 : i32
    %dma_wait3A_106 = arith.constant 0 : i32
    %dma_wait3A_107 = tpu.memref_slice %arg8[%dma_wait3A_104, %dma_wait3A_105, %dma_wait3A_106] : memref<2x128x64xbf16, #tpu.memory_space<vmem>> -> memref<1x128x64xbf16, #tpu.memory_space<vmem>>
    %dma_wait3A_108 = tpu.memref_squeeze %dma_wait3A_107 : memref<1x128x64xbf16, #tpu.memory_space<vmem>> -> memref<128x64xbf16, #tpu.memory_space<vmem>>
    %dma_wait3A_109 = arith.constant 0 : i32
    %dma_wait3A_110 = tpu.memref_slice %arg6[%dma_wait3A_103, %dma_wait3A_109] : memref<160x128xi32, #tpu.memory_space<vmem>> -> memref<1x128xi32, #tpu.memory_space<vmem>>
    %dma_wait3A_111 = tpu.memref_squeeze %dma_wait3A_110 : memref<1x128xi32, #tpu.memory_space<vmem>> -> memref<128xi32, #tpu.memory_space<vmem>>
    %dma_wait3A_112 = arith.constant 0 : i32
    %dma_wait3A_113 = arith.constant 0 : i32
    %dma_wait3A_114 = tpu.memref_slice %arg2[%dma_wait3A_112, %dma_wait3A_113] : memref<20480x64xbf16, #tpu.memory_space<hbm>> -> memref<20480x64xbf16, #tpu.memory_space<hbm>>
    tpu.wait_indirect_dma semaphore(%arg12 : memref<!tpu.dma_semaphore, #tpu.memory_space<semaphore_mem>>) src(%dma_wait3A_114 : memref<20480x64xbf16, #tpu.memory_space<hbm>>) dst(%dma_wait3A_108 : memref<128x64xbf16, #tpu.memory_space<vmem>>)
    %scan3A_115 = arith.constant 0 : i32
    %scan3A_116 = arith.constant 0 : i32
    %scan3A_117 = arith.constant 128 : i32
    %scan3A_118 = arith.addi %scan3A_116, %scan3A_117 : i32
    %scan3A_119 = arith.constant 1 : i32
    scf.for %scan3A_302 = %scan3A_116 to %scan3A_118 step %scan3A_119  : i32 {
      %get3A = arith.constant 0 : i32
      %get3A_303 = arith.index_cast %get3A : i32 to index
      %get3A_304 = arith.index_cast %scan3A_302 : i32 to index
      %get3A_305 = arith.constant 0 : index
      %get3A_306 = tpu.vector_load %arg8[%get3A_303, %get3A_304, %get3A_305] {strides = array<i32>} : memref<2x128x64xbf16, #tpu.memory_space<vmem>>, vector<32xbf16>,
      %unpack3A = tpu.unpack_subelements %get3A_306, 0 {pack_format = #tpu.pack_format<interleaved>} : vector<32xbf16> -> vector<16xf32>
      %unpack3A_307 = tpu.unpack_subelements %get3A_306, 1 {pack_format = #tpu.pack_format<interleaved>} : vector<32xbf16> -> vector<16xf32>
      %swap3A = arith.constant 0 : i32
      %swap3A_308 = arith.index_cast %swap3A : i32 to index
      %swap3A_309 = arith.index_cast %scan3A_302 : i32 to index
      %swap3A_310 = arith.constant 0 : index
      %swap3A_311 = tpu.vector_load %arg9[%swap3A_308, %swap3A_309, %swap3A_310] {strides = array<i32>} : memref<2x128x64xf32, #tpu.memory_space<vmem>>, vector<16xf32>,
      tpu.vector_store %arg9[%swap3A_308, %swap3A_309, %swap3A_310], %unpack3A {strides = array<i32>} : memref<2x128x64xf32, #tpu.memory_space<vmem>>, vector<16xf32>,
      %swap3A_312 = arith.constant 0 : i32
      %swap3A_313 = arith.index_cast %swap3A_312 : i32 to index
      %swap3A_314 = arith.index_cast %scan3A_302 : i32 to index
      %swap3A_315 = arith.constant 16 : index
      %swap3A_316 = tpu.vector_load %arg9[%swap3A_313, %swap3A_314, %swap3A_315] {strides = array<i32>} : memref<2x128x64xf32, #tpu.memory_space<vmem>>, vector<16xf32>,
      tpu.vector_store %arg9[%swap3A_313, %swap3A_314, %swap3A_315], %unpack3A_307 {strides = array<i32>} : memref<2x128x64xf32, #tpu.memory_space<vmem>>, vector<16xf32>,
      %get3A_317 = arith.constant 0 : i32
      %get3A_318 = arith.index_cast %get3A_317 : i32 to index
      %get3A_319 = arith.index_cast %scan3A_302 : i32 to index
      %get3A_320 = arith.constant 32 : index
      %get3A_321 = tpu.vector_load %arg8[%get3A_318, %get3A_319, %get3A_320] {strides = array<i32>} : memref<2x128x64xbf16, #tpu.memory_space<vmem>>, vector<32xbf16>,
      %unpack3A_322 = tpu.unpack_subelements %get3A_321, 0 {pack_format = #tpu.pack_format<interleaved>} : vector<32xbf16> -> vector<16xf32>
      %unpack3A_323 = tpu.unpack_subelements %get3A_321, 1 {pack_format = #tpu.pack_format<interleaved>} : vector<32xbf16> -> vector<16xf32>
      %swap3A_324 = arith.constant 0 : i32
      %swap3A_325 = arith.index_cast %swap3A_324 : i32 to index
      %swap3A_326 = arith.index_cast %scan3A_302 : i32 to index
      %swap3A_327 = arith.constant 32 : index
      %swap3A_328 = tpu.vector_load %arg9[%swap3A_325, %swap3A_326, %swap3A_327] {strides = array<i32>} : memref<2x128x64xf32, #tpu.memory_space<vmem>>, vector<16xf32>,
      tpu.vector_store %arg9[%swap3A_325, %swap3A_326, %swap3A_327], %unpack3A_322 {strides = array<i32>} : memref<2x128x64xf32, #tpu.memory_space<vmem>>, vector<16xf32>,
      %swap3A_329 = arith.constant 0 : i32
      %swap3A_330 = arith.index_cast %swap3A_329 : i32 to index
      %swap3A_331 = arith.index_cast %scan3A_302 : i32 to index
      %swap3A_332 = arith.constant 48 : index
      %swap3A_333 = tpu.vector_load %arg9[%swap3A_330, %swap3A_331, %swap3A_332] {strides = array<i32>} : memref<2x128x64xf32, #tpu.memory_space<vmem>>, vector<16xf32>,
      tpu.vector_store %arg9[%swap3A_330, %swap3A_331, %swap3A_332], %unpack3A_323 {strides = array<i32>} : memref<2x128x64xf32, #tpu.memory_space<vmem>>, vector<16xf32>,
    }
    %scan3A_120 = arith.constant 128 : i32
    %dma_start3A_121 = arith.constant 0 : i32
    %dma_start3A_122 = arith.constant 0 : i32
    %dma_start3A_123 = arith.constant 0 : i32
    %dma_start3A_124 = arith.constant 0 : i32
    %dma_start3A_125 = tpu.memref_slice %arg9[%dma_start3A_121, %dma_start3A_123, %dma_start3A_124] : memref<2x128x64xf32, #tpu.memory_space<vmem>> -> memref<1x128x64xf32, #tpu.memory_space<vmem>>
    %dma_start3A_126 = tpu.memref_squeeze %dma_start3A_125 : memref<1x128x64xf32, #tpu.memory_space<vmem>> -> memref<128x64xf32, #tpu.memory_space<vmem>>
    %dma_start3A_127 = arith.constant 0 : i32
    %dma_start3A_128 = tpu.memref_slice %arg7[%dma_start3A_122, %dma_start3A_127] : memref<160x128xi32, #tpu.memory_space<vmem>> -> memref<1x128xi32, #tpu.memory_space<vmem>>
    %dma_start3A_129 = tpu.memref_squeeze %dma_start3A_128 : memref<1x128xi32, #tpu.memory_space<vmem>> -> memref<128xi32, #tpu.memory_space<vmem>>
    %dma_start3A_130 = arith.constant 0 : i32
    %dma_start3A_131 = arith.constant 0 : i32
    %dma_start3A_132 = tpu.memref_slice %arg11[%dma_start3A_130, %dma_start3A_131] : memref<10240x64xf32, #tpu.memory_space<vmem_shared>> -> memref<10240x64xf32, #tpu.memory_space<vmem_shared>>
    tpu.enqueue_indirect_dma source(%dma_start3A_126 : memref<128x64xf32, #tpu.memory_space<vmem>>) target(%dma_start3A_132 : memref<10240x64xf32, #tpu.memory_space<vmem_shared>>) offsets(%dma_start3A_129 : memref<128xi32, #tpu.memory_space<vmem>>) semaphore(%arg14 : memref<!tpu.dma_semaphore, #tpu.memory_space<semaphore_mem>>) {add = true}
    %dma_start3A_133 = arith.constant 2 : i32
    %dma_start3A_134 = arith.constant 0 : i32
    %dma_start3A_135 = arith.constant 0 : i32
    %dma_start3A_136 = arith.constant 0 : i32
    %dma_start3A_137 = tpu.memref_slice %arg8[%dma_start3A_134, %dma_start3A_135, %dma_start3A_136] : memref<2x128x64xbf16, #tpu.memory_space<vmem>> -> memref<1x128x64xbf16, #tpu.memory_space<vmem>>
    %dma_start3A_138 = tpu.memref_squeeze %dma_start3A_137 : memref<1x128x64xbf16, #tpu.memory_space<vmem>> -> memref<128x64xbf16, #tpu.memory_space<vmem>>
    %dma_start3A_139 = arith.constant 0 : i32
    %dma_start3A_140 = tpu.memref_slice %arg6[%dma_start3A_133, %dma_start3A_139] : memref<160x128xi32, #tpu.memory_space<vmem>> -> memref<1x128xi32, #tpu.memory_space<vmem>>
    %dma_start3A_141 = tpu.memref_squeeze %dma_start3A_140 : memref<1x128xi32, #tpu.memory_space<vmem>> -> memref<128xi32, #tpu.memory_space<vmem>>
    %dma_start3A_142 = arith.constant 0 : i32
    %dma_start3A_143 = arith.constant 0 : i32
    %dma_start3A_144 = tpu.memref_slice %arg2[%dma_start3A_142, %dma_start3A_143] : memref<20480x64xbf16, #tpu.memory_space<hbm>> -> memref<20480x64xbf16, #tpu.memory_space<hbm>>
    tpu.enqueue_indirect_dma source(%dma_start3A_144 : memref<20480x64xbf16, #tpu.memory_space<hbm>>) target(%dma_start3A_138 : memref<128x64xbf16, #tpu.memory_space<vmem>>) offsets(%dma_start3A_141 : memref<128xi32, #tpu.memory_space<vmem>>) semaphore(%arg12 : memref<!tpu.dma_semaphore, #tpu.memory_space<semaphore_mem>>)
    %dma_wait3A_145 = arith.constant 1 : i32
    %dma_wait3A_146 = arith.constant 1 : i32
    %dma_wait3A_147 = arith.constant 0 : i32
    %dma_wait3A_148 = arith.constant 0 : i32
    %dma_wait3A_149 = tpu.memref_slice %arg8[%dma_wait3A_146, %dma_wait3A_147, %dma_wait3A_148] : memref<2x128x64xbf16, #tpu.memory_space<vmem>> -> memref<1x128x64xbf16, #tpu.memory_space<vmem>>
    %dma_wait3A_150 = tpu.memref_squeeze %dma_wait3A_149 : memref<1x128x64xbf16, #tpu.memory_space<vmem>> -> memref<128x64xbf16, #tpu.memory_space<vmem>>
    %dma_wait3A_151 = arith.constant 0 : i32
    %dma_wait3A_152 = tpu.memref_slice %arg6[%dma_wait3A_145, %dma_wait3A_151] : memref<160x128xi32, #tpu.memory_space<vmem>> -> memref<1x128xi32, #tpu.memory_space<vmem>>
    %dma_wait3A_153 = tpu.memref_squeeze %dma_wait3A_152 : memref<1x128xi32, #tpu.memory_space<vmem>> -> memref<128xi32, #tpu.memory_space<vmem>>
    %dma_wait3A_154 = arith.constant 0 : i32
    %dma_wait3A_155 = arith.constant 0 : i32
    %dma_wait3A_156 = tpu.memref_slice %arg2[%dma_wait3A_154, %dma_wait3A_155] : memref<20480x64xbf16, #tpu.memory_space<hbm>> -> memref<20480x64xbf16, #tpu.memory_space<hbm>>
    tpu.wait_indirect_dma semaphore(%arg13 : memref<!tpu.dma_semaphore, #tpu.memory_space<semaphore_mem>>) src(%dma_wait3A_156 : memref<20480x64xbf16, #tpu.memory_space<hbm>>) dst(%dma_wait3A_150 : memref<128x64xbf16, #tpu.memory_space<vmem>>)
    %scan3A_157 = arith.constant 0 : i32
    %scan3A_158 = arith.constant 0 : i32
    %scan3A_159 = arith.constant 128 : i32
    %scan3A_160 = arith.addi %scan3A_158, %scan3A_159 : i32
    %scan3A_161 = arith.constant 1 : i32
    scf.for %scan3A_302 = %scan3A_158 to %scan3A_160 step %scan3A_161  : i32 {
      %get3A = arith.constant 1 : i32
      %get3A_303 = arith.index_cast %get3A : i32 to index
      %get3A_304 = arith.index_cast %scan3A_302 : i32 to index
      %get3A_305 = arith.constant 0 : index
      %get3A_306 = tpu.vector_load %arg8[%get3A_303, %get3A_304, %get3A_305] {strides = array<i32>} : memref<2x128x64xbf16, #tpu.memory_space<vmem>>, vector<32xbf16>,
      %unpack3A = tpu.unpack_subelements %get3A_306, 0 {pack_format = #tpu.pack_format<interleaved>} : vector<32xbf16> -> vector<16xf32>
      %unpack3A_307 = tpu.unpack_subelements %get3A_306, 1 {pack_format = #tpu.pack_format<interleaved>} : vector<32xbf16> -> vector<16xf32>
      %swap3A = arith.constant 1 : i32
      %swap3A_308 = arith.index_cast %swap3A : i32 to index
      %swap3A_309 = arith.index_cast %scan3A_302 : i32 to index
      %swap3A_310 = arith.constant 0 : index
      %swap3A_311 = tpu.vector_load %arg9[%swap3A_308, %swap3A_309, %swap3A_310] {strides = array<i32>} : memref<2x128x64xf32, #tpu.memory_space<vmem>>, vector<16xf32>,
      tpu.vector_store %arg9[%swap3A_308, %swap3A_309, %swap3A_310], %unpack3A {strides = array<i32>} : memref<2x128x64xf32, #tpu.memory_space<vmem>>, vector<16xf32>,
      %swap3A_312 = arith.constant 1 : i32
      %swap3A_313 = arith.index_cast %swap3A_312 : i32 to index
      %swap3A_314 = arith.index_cast %scan3A_302 : i32 to index
      %swap3A_315 = arith.constant 16 : index
      %swap3A_316 = tpu.vector_load %arg9[%swap3A_313, %swap3A_314, %swap3A_315] {strides = array<i32>} : memref<2x128x64xf32, #tpu.memory_space<vmem>>, vector<16xf32>,
      tpu.vector_store %arg9[%swap3A_313, %swap3A_314, %swap3A_315], %unpack3A_307 {strides = array<i32>} : memref<2x128x64xf32, #tpu.memory_space<vmem>>, vector<16xf32>,
      %get3A_317 = arith.constant 1 : i32
      %get3A_318 = arith.index_cast %get3A_317 : i32 to index
      %get3A_319 = arith.index_cast %scan3A_302 : i32 to index
      %get3A_320 = arith.constant 32 : index
      %get3A_321 = tpu.vector_load %arg8[%get3A_318, %get3A_319, %get3A_320] {strides = array<i32>} : memref<2x128x64xbf16, #tpu.memory_space<vmem>>, vector<32xbf16>,
      %unpack3A_322 = tpu.unpack_subelements %get3A_321, 0 {pack_format = #tpu.pack_format<interleaved>} : vector<32xbf16> -> vector<16xf32>
      %unpack3A_323 = tpu.unpack_subelements %get3A_321, 1 {pack_format = #tpu.pack_format<interleaved>} : vector<32xbf16> -> vector<16xf32>
      %swap3A_324 = arith.constant 1 : i32
      %swap3A_325 = arith.index_cast %swap3A_324 : i32 to index
      %swap3A_326 = arith.index_cast %scan3A_302 : i32 to index
      %swap3A_327 = arith.constant 32 : index
      %swap3A_328 = tpu.vector_load %arg9[%swap3A_325, %swap3A_326, %swap3A_327] {strides = array<i32>} : memref<2x128x64xf32, #tpu.memory_space<vmem>>, vector<16xf32>,
      tpu.vector_store %arg9[%swap3A_325, %swap3A_326, %swap3A_327], %unpack3A_322 {strides = array<i32>} : memref<2x128x64xf32, #tpu.memory_space<vmem>>, vector<16xf32>,
      %swap3A_329 = arith.constant 1 : i32
      %swap3A_330 = arith.index_cast %swap3A_329 : i32 to index
      %swap3A_331 = arith.index_cast %scan3A_302 : i32 to index
      %swap3A_332 = arith.constant 48 : index
      %swap3A_333 = tpu.vector_load %arg9[%swap3A_330, %swap3A_331, %swap3A_332] {strides = array<i32>} : memref<2x128x64xf32, #tpu.memory_space<vmem>>, vector<16xf32>,
      tpu.vector_store %arg9[%swap3A_330, %swap3A_331, %swap3A_332], %unpack3A_323 {strides = array<i32>} : memref<2x128x64xf32, #tpu.memory_space<vmem>>, vector<16xf32>,
    }
    %scan3A_162 = arith.constant 128 : i32
    %dma_start3A_163 = arith.constant 1 : i32
    %dma_start3A_164 = arith.constant 1 : i32
    %dma_start3A_165 = arith.constant 0 : i32
    %dma_start3A_166 = arith.constant 0 : i32
    %dma_start3A_167 = tpu.memref_slice %arg9[%dma_start3A_163, %dma_start3A_165, %dma_start3A_166] : memref<2x128x64xf32, #tpu.memory_space<vmem>> -> memref<1x128x64xf32, #tpu.memory_space<vmem>>
    %dma_start3A_168 = tpu.memref_squeeze %dma_start3A_167 : memref<1x128x64xf32, #tpu.memory_space<vmem>> -> memref<128x64xf32, #tpu.memory_space<vmem>>
    %dma_start3A_169 = arith.constant 0 : i32
    %dma_start3A_170 = tpu.memref_slice %arg7[%dma_start3A_164, %dma_start3A_169] : memref<160x128xi32, #tpu.memory_space<vmem>> -> memref<1x128xi32, #tpu.memory_space<vmem>>
    %dma_start3A_171 = tpu.memref_squeeze %dma_start3A_170 : memref<1x128xi32, #tpu.memory_space<vmem>> -> memref<128xi32, #tpu.memory_space<vmem>>
    %dma_start3A_172 = arith.constant 0 : i32
    %dma_start3A_173 = arith.constant 0 : i32
    %dma_start3A_174 = tpu.memref_slice %arg11[%dma_start3A_172, %dma_start3A_173] : memref<10240x64xf32, #tpu.memory_space<vmem_shared>> -> memref<10240x64xf32, #tpu.memory_space<vmem_shared>>
    tpu.enqueue_indirect_dma source(%dma_start3A_168 : memref<128x64xf32, #tpu.memory_space<vmem>>) target(%dma_start3A_174 : memref<10240x64xf32, #tpu.memory_space<vmem_shared>>) offsets(%dma_start3A_171 : memref<128xi32, #tpu.memory_space<vmem>>) semaphore(%arg15 : memref<!tpu.dma_semaphore, #tpu.memory_space<semaphore_mem>>) {add = true}
    %dma_start3A_175 = arith.constant 3 : i32
    %dma_start3A_176 = arith.constant 1 : i32
    %dma_start3A_177 = arith.constant 0 : i32
    %dma_start3A_178 = arith.constant 0 : i32
    %dma_start3A_179 = tpu.memref_slice %arg8[%dma_start3A_176, %dma_start3A_177, %dma_start3A_178] : memref<2x128x64xbf16, #tpu.memory_space<vmem>> -> memref<1x128x64xbf16, #tpu.memory_space<vmem>>
    %dma_start3A_180 = tpu.memref_squeeze %dma_start3A_179 : memref<1x128x64xbf16, #tpu.memory_space<vmem>> -> memref<128x64xbf16, #tpu.memory_space<vmem>>
    %dma_start3A_181 = arith.constant 0 : i32
    %dma_start3A_182 = tpu.memref_slice %arg6[%dma_start3A_175, %dma_start3A_181] : memref<160x128xi32, #tpu.memory_space<vmem>> -> memref<1x128xi32, #tpu.memory_space<vmem>>
    %dma_start3A_183 = tpu.memref_squeeze %dma_start3A_182 : memref<1x128xi32, #tpu.memory_space<vmem>> -> memref<128xi32, #tpu.memory_space<vmem>>
    %dma_start3A_184 = arith.constant 0 : i32
    %dma_start3A_185 = arith.constant 0 : i32
    %dma_start3A_186 = tpu.memref_slice %arg2[%dma_start3A_184, %dma_start3A_185] : memref<20480x64xbf16, #tpu.memory_space<hbm>> -> memref<20480x64xbf16, #tpu.memory_space<hbm>>
    tpu.enqueue_indirect_dma source(%dma_start3A_186 : memref<20480x64xbf16, #tpu.memory_space<hbm>>) target(%dma_start3A_180 : memref<128x64xbf16, #tpu.memory_space<vmem>>) offsets(%dma_start3A_183 : memref<128xi32, #tpu.memory_space<vmem>>) semaphore(%arg13 : memref<!tpu.dma_semaphore, #tpu.memory_space<semaphore_mem>>)
    %scan3A_187 = arith.constant 0 : i32
    %scan3A_188 = arith.constant 1 : i32
    %scan3A_189 = arith.constant 78 : i32
    %scan3A_190 = arith.addi %scan3A_188, %scan3A_189 : i32
    %scan3A_191 = arith.constant 1 : i32
    scf.for %scan3A_302 = %scan3A_188 to %scan3A_190 step %scan3A_191  : i32 {
      %mul3A_303 = arith.constant 2 : i32
      %mul3A_304 = arith.muli %mul3A_303, %scan3A_302 : i32
      %sub3A = arith.constant 2 : i32
      %sub3A_305 = arith.subi %mul3A_304, %sub3A : i32
      %dma_wait3A_306 = arith.constant 0 : i32
      %dma_wait3A_307 = arith.constant 0 : i32
      %dma_wait3A_308 = arith.constant 0 : i32
      %dma_wait3A_309 = tpu.memref_slice %arg9[%dma_wait3A_306, %dma_wait3A_307, %dma_wait3A_308] : memref<2x128x64xf32, #tpu.memory_space<vmem>> -> memref<1x128x64xf32, #tpu.memory_space<vmem>>
      %dma_wait3A_310 = tpu.memref_squeeze %dma_wait3A_309 : memref<1x128x64xf32, #tpu.memory_space<vmem>> -> memref<128x64xf32, #tpu.memory_space<vmem>>
      %dma_wait3A_311 = arith.constant 0 : i32
      %dma_wait3A_312 = tpu.memref_slice %arg7[%sub3A_305, %dma_wait3A_311] : memref<160x128xi32, #tpu.memory_space<vmem>> -> memref<1x128xi32, #tpu.memory_space<vmem>>
      %dma_wait3A_313 = tpu.memref_squeeze %dma_wait3A_312 : memref<1x128xi32, #tpu.memory_space<vmem>> -> memref<128xi32, #tpu.memory_space<vmem>>
      %dma_wait3A_314 = arith.constant 0 : i32
      %dma_wait3A_315 = arith.constant 0 : i32
      %dma_wait3A_316 = tpu.memref_slice %arg11[%dma_wait3A_314, %dma_wait3A_315] : memref<10240x64xf32, #tpu.memory_space<vmem_shared>> -> memref<10240x64xf32, #tpu.memory_space<vmem_shared>>
      tpu.wait_indirect_dma semaphore(%arg14 : memref<!tpu.dma_semaphore, #tpu.memory_space<semaphore_mem>>) src(%dma_wait3A_310 : memref<128x64xf32, #tpu.memory_space<vmem>>) dst(%dma_wait3A_316 : memref<10240x64xf32, #tpu.memory_space<vmem_shared>>)
      %dma_wait3A_317 = arith.constant 0 : i32
      %dma_wait3A_318 = arith.constant 0 : i32
      %dma_wait3A_319 = arith.constant 0 : i32
      %dma_wait3A_320 = tpu.memref_slice %arg8[%dma_wait3A_317, %dma_wait3A_318, %dma_wait3A_319] : memref<2x128x64xbf16, #tpu.memory_space<vmem>> -> memref<1x128x64xbf16, #tpu.memory_space<vmem>>
      %dma_wait3A_321 = tpu.memref_squeeze %dma_wait3A_320 : memref<1x128x64xbf16, #tpu.memory_space<vmem>> -> memref<128x64xbf16, #tpu.memory_space<vmem>>
      %dma_wait3A_322 = arith.constant 0 : i32
      %dma_wait3A_323 = tpu.memref_slice %arg6[%mul3A_304, %dma_wait3A_322] : memref<160x128xi32, #tpu.memory_space<vmem>> -> memref<1x128xi32, #tpu.memory_space<vmem>>
      %dma_wait3A_324 = tpu.memref_squeeze %dma_wait3A_323 : memref<1x128xi32, #tpu.memory_space<vmem>> -> memref<128xi32, #tpu.memory_space<vmem>>
      %dma_wait3A_325 = arith.constant 0 : i32
      %dma_wait3A_326 = arith.constant 0 : i32
      %dma_wait3A_327 = tpu.memref_slice %arg2[%dma_wait3A_325, %dma_wait3A_326] : memref<20480x64xbf16, #tpu.memory_space<hbm>> -> memref<20480x64xbf16, #tpu.memory_space<hbm>>
      tpu.wait_indirect_dma semaphore(%arg12 : memref<!tpu.dma_semaphore, #tpu.memory_space<semaphore_mem>>) src(%dma_wait3A_327 : memref<20480x64xbf16, #tpu.memory_space<hbm>>) dst(%dma_wait3A_321 : memref<128x64xbf16, #tpu.memory_space<vmem>>)
      %scan3A_328 = arith.constant 0 : i32
      %scan3A_329 = arith.constant 0 : i32
      %scan3A_330 = arith.constant 128 : i32
      %scan3A_331 = arith.addi %scan3A_329, %scan3A_330 : i32
      %scan3A_332 = arith.constant 1 : i32
      scf.for %scan3A_416 = %scan3A_329 to %scan3A_331 step %scan3A_332  : i32 {
        %get3A = arith.constant 0 : i32
        %get3A_417 = arith.index_cast %get3A : i32 to index
        %get3A_418 = arith.index_cast %scan3A_416 : i32 to index
        %get3A_419 = arith.constant 0 : index
        %get3A_420 = tpu.vector_load %arg8[%get3A_417, %get3A_418, %get3A_419] {strides = array<i32>} : memref<2x128x64xbf16, #tpu.memory_space<vmem>>, vector<32xbf16>,
        %unpack3A = tpu.unpack_subelements %get3A_420, 0 {pack_format = #tpu.pack_format<interleaved>} : vector<32xbf16> -> vector<16xf32>
        %unpack3A_421 = tpu.unpack_subelements %get3A_420, 1 {pack_format = #tpu.pack_format<interleaved>} : vector<32xbf16> -> vector<16xf32>
        %swap3A = arith.constant 0 : i32
        %swap3A_422 = arith.index_cast %swap3A : i32 to index
        %swap3A_423 = arith.index_cast %scan3A_416 : i32 to index
        %swap3A_424 = arith.constant 0 : index
        %swap3A_425 = tpu.vector_load %arg9[%swap3A_422, %swap3A_423, %swap3A_424] {strides = array<i32>} : memref<2x128x64xf32, #tpu.memory_space<vmem>>, vector<16xf32>,
        tpu.vector_store %arg9[%swap3A_422, %swap3A_423, %swap3A_424], %unpack3A {strides = array<i32>} : memref<2x128x64xf32, #tpu.memory_space<vmem>>, vector<16xf32>,
        %swap3A_426 = arith.constant 0 : i32
        %swap3A_427 = arith.index_cast %swap3A_426 : i32 to index
        %swap3A_428 = arith.index_cast %scan3A_416 : i32 to index
        %swap3A_429 = arith.constant 16 : index
        %swap3A_430 = tpu.vector_load %arg9[%swap3A_427, %swap3A_428, %swap3A_429] {strides = array<i32>} : memref<2x128x64xf32, #tpu.memory_space<vmem>>, vector<16xf32>,
        tpu.vector_store %arg9[%swap3A_427, %swap3A_428, %swap3A_429], %unpack3A_421 {strides = array<i32>} : memref<2x128x64xf32, #tpu.memory_space<vmem>>, vector<16xf32>,
        %get3A_431 = arith.constant 0 : i32
        %get3A_432 = arith.index_cast %get3A_431 : i32 to index
        %get3A_433 = arith.index_cast %scan3A_416 : i32 to index
        %get3A_434 = arith.constant 32 : index
        %get3A_435 = tpu.vector_load %arg8[%get3A_432, %get3A_433, %get3A_434] {strides = array<i32>} : memref<2x128x64xbf16, #tpu.memory_space<vmem>>, vector<32xbf16>,
        %unpack3A_436 = tpu.unpack_subelements %get3A_435, 0 {pack_format = #tpu.pack_format<interleaved>} : vector<32xbf16> -> vector<16xf32>
        %unpack3A_437 = tpu.unpack_subelements %get3A_435, 1 {pack_format = #tpu.pack_format<interleaved>} : vector<32xbf16> -> vector<16xf32>
        %swap3A_438 = arith.constant 0 : i32
        %swap3A_439 = arith.index_cast %swap3A_438 : i32 to index
        %swap3A_440 = arith.index_cast %scan3A_416 : i32 to index
        %swap3A_441 = arith.constant 32 : index
        %swap3A_442 = tpu.vector_load %arg9[%swap3A_439, %swap3A_440, %swap3A_441] {strides = array<i32>} : memref<2x128x64xf32, #tpu.memory_space<vmem>>, vector<16xf32>,
        tpu.vector_store %arg9[%swap3A_439, %swap3A_440, %swap3A_441], %unpack3A_436 {strides = array<i32>} : memref<2x128x64xf32, #tpu.memory_space<vmem>>, vector<16xf32>,
        %swap3A_443 = arith.constant 0 : i32
        %swap3A_444 = arith.index_cast %swap3A_443 : i32 to index
        %swap3A_445 = arith.index_cast %scan3A_416 : i32 to index
        %swap3A_446 = arith.constant 48 : index
        %swap3A_447 = tpu.vector_load %arg9[%swap3A_444, %swap3A_445, %swap3A_446] {strides = array<i32>} : memref<2x128x64xf32, #tpu.memory_space<vmem>>, vector<16xf32>,
        tpu.vector_store %arg9[%swap3A_444, %swap3A_445, %swap3A_446], %unpack3A_437 {strides = array<i32>} : memref<2x128x64xf32, #tpu.memory_space<vmem>>, vector<16xf32>,
      }
      %scan3A_333 = arith.constant 128 : i32
      %dma_start3A_334 = arith.constant 0 : i32
      %dma_start3A_335 = arith.constant 0 : i32
      %dma_start3A_336 = arith.constant 0 : i32
      %dma_start3A_337 = tpu.memref_slice %arg9[%dma_start3A_334, %dma_start3A_335, %dma_start3A_336] : memref<2x128x64xf32, #tpu.memory_space<vmem>> -> memref<1x128x64xf32, #tpu.memory_space<vmem>>
      %dma_start3A_338 = tpu.memref_squeeze %dma_start3A_337 : memref<1x128x64xf32, #tpu.memory_space<vmem>> -> memref<128x64xf32, #tpu.memory_space<vmem>>
      %dma_start3A_339 = arith.constant 0 : i32
      %dma_start3A_340 = tpu.memref_slice %arg7[%mul3A_304, %dma_start3A_339] : memref<160x128xi32, #tpu.memory_space<vmem>> -> memref<1x128xi32, #tpu.memory_space<vmem>>
      %dma_start3A_341 = tpu.memref_squeeze %dma_start3A_340 : memref<1x128xi32, #tpu.memory_space<vmem>> -> memref<128xi32, #tpu.memory_space<vmem>>
      %dma_start3A_342 = arith.constant 0 : i32
      %dma_start3A_343 = arith.constant 0 : i32
      %dma_start3A_344 = tpu.memref_slice %arg11[%dma_start3A_342, %dma_start3A_343] : memref<10240x64xf32, #tpu.memory_space<vmem_shared>> -> memref<10240x64xf32, #tpu.memory_space<vmem_shared>>
      tpu.enqueue_indirect_dma source(%dma_start3A_338 : memref<128x64xf32, #tpu.memory_space<vmem>>) target(%dma_start3A_344 : memref<10240x64xf32, #tpu.memory_space<vmem_shared>>) offsets(%dma_start3A_341 : memref<128xi32, #tpu.memory_space<vmem>>) semaphore(%arg14 : memref<!tpu.dma_semaphore, #tpu.memory_space<semaphore_mem>>) {add = true}
      %add3A_345 = arith.constant 2 : i32
      %add3A_346 = arith.addi %mul3A_304, %add3A_345 : i32
      %dma_start3A_347 = arith.constant 0 : i32
      %dma_start3A_348 = arith.constant 0 : i32
      %dma_start3A_349 = arith.constant 0 : i32
      %dma_start3A_350 = tpu.memref_slice %arg8[%dma_start3A_347, %dma_start3A_348, %dma_start3A_349] : memref<2x128x64xbf16, #tpu.memory_space<vmem>> -> memref<1x128x64xbf16, #tpu.memory_space<vmem>>
      %dma_start3A_351 = tpu.memref_squeeze %dma_start3A_350 : memref<1x128x64xbf16, #tpu.memory_space<vmem>> -> memref<128x64xbf16, #tpu.memory_space<vmem>>
      %dma_start3A_352 = arith.constant 0 : i32
      %dma_start3A_353 = tpu.memref_slice %arg6[%add3A_346, %dma_start3A_352] : memref<160x128xi32, #tpu.memory_space<vmem>> -> memref<1x128xi32, #tpu.memory_space<vmem>>
      %dma_start3A_354 = tpu.memref_squeeze %dma_start3A_353 : memref<1x128xi32, #tpu.memory_space<vmem>> -> memref<128xi32, #tpu.memory_space<vmem>>
      %dma_start3A_355 = arith.constant 0 : i32
      %dma_start3A_356 = arith.constant 0 : i32
      %dma_start3A_357 = tpu.memref_slice %arg2[%dma_start3A_355, %dma_start3A_356] : memref<20480x64xbf16, #tpu.memory_space<hbm>> -> memref<20480x64xbf16, #tpu.memory_space<hbm>>
      tpu.enqueue_indirect_dma source(%dma_start3A_357 : memref<20480x64xbf16, #tpu.memory_space<hbm>>) target(%dma_start3A_351 : memref<128x64xbf16, #tpu.memory_space<vmem>>) offsets(%dma_start3A_354 : memref<128xi32, #tpu.memory_space<vmem>>) semaphore(%arg12 : memref<!tpu.dma_semaphore, #tpu.memory_space<semaphore_mem>>)
      %sub3A_358 = arith.constant 1 : i32
      %sub3A_359 = arith.subi %mul3A_304, %sub3A_358 : i32
      %dma_wait3A_360 = arith.constant 1 : i32
      %dma_wait3A_361 = arith.constant 0 : i32
      %dma_wait3A_362 = arith.constant 0 : i32
      %dma_wait3A_363 = tpu.memref_slice %arg9[%dma_wait3A_360, %dma_wait3A_361, %dma_wait3A_362] : memref<2x128x64xf32, #tpu.memory_space<vmem>> -> memref<1x128x64xf32, #tpu.memory_space<vmem>>
      %dma_wait3A_364 = tpu.memref_squeeze %dma_wait3A_363 : memref<1x128x64xf32, #tpu.memory_space<vmem>> -> memref<128x64xf32, #tpu.memory_space<vmem>>
      %dma_wait3A_365 = arith.constant 0 : i32
      %dma_wait3A_366 = tpu.memref_slice %arg7[%sub3A_359, %dma_wait3A_365] : memref<160x128xi32, #tpu.memory_space<vmem>> -> memref<1x128xi32, #tpu.memory_space<vmem>>
      %dma_wait3A_367 = tpu.memref_squeeze %dma_wait3A_366 : memref<1x128xi32, #tpu.memory_space<vmem>> -> memref<128xi32, #tpu.memory_space<vmem>>
      %dma_wait3A_368 = arith.constant 0 : i32
      %dma_wait3A_369 = arith.constant 0 : i32
      %dma_wait3A_370 = tpu.memref_slice %arg11[%dma_wait3A_368, %dma_wait3A_369] : memref<10240x64xf32, #tpu.memory_space<vmem_shared>> -> memref<10240x64xf32, #tpu.memory_space<vmem_shared>>
      tpu.wait_indirect_dma semaphore(%arg15 : memref<!tpu.dma_semaphore, #tpu.memory_space<semaphore_mem>>) src(%dma_wait3A_364 : memref<128x64xf32, #tpu.memory_space<vmem>>) dst(%dma_wait3A_370 : memref<10240x64xf32, #tpu.memory_space<vmem_shared>>)
      %add3A_371 = arith.constant 1 : i32
      %add3A_372 = arith.addi %mul3A_304, %add3A_371 : i32
      %dma_wait3A_373 = arith.constant 1 : i32
      %dma_wait3A_374 = arith.constant 0 : i32
      %dma_wait3A_375 = arith.constant 0 : i32
      %dma_wait3A_376 = tpu.memref_slice %arg8[%dma_wait3A_373, %dma_wait3A_374, %dma_wait3A_375] : memref<2x128x64xbf16, #tpu.memory_space<vmem>> -> memref<1x128x64xbf16, #tpu.memory_space<vmem>>
      %dma_wait3A_377 = tpu.memref_squeeze %dma_wait3A_376 : memref<1x128x64xbf16, #tpu.memory_space<vmem>> -> memref<128x64xbf16, #tpu.memory_space<vmem>>
      %dma_wait3A_378 = arith.constant 0 : i32
      %dma_wait3A_379 = tpu.memref_slice %arg6[%add3A_372, %dma_wait3A_378] : memref<160x128xi32, #tpu.memory_space<vmem>> -> memref<1x128xi32, #tpu.memory_space<vmem>>
      %dma_wait3A_380 = tpu.memref_squeeze %dma_wait3A_379 : memref<1x128xi32, #tpu.memory_space<vmem>> -> memref<128xi32, #tpu.memory_space<vmem>>
      %dma_wait3A_381 = arith.constant 0 : i32
      %dma_wait3A_382 = arith.constant 0 : i32
      %dma_wait3A_383 = tpu.memref_slice %arg2[%dma_wait3A_381, %dma_wait3A_382] : memref<20480x64xbf16, #tpu.memory_space<hbm>> -> memref<20480x64xbf16, #tpu.memory_space<hbm>>
      tpu.wait_indirect_dma semaphore(%arg13 : memref<!tpu.dma_semaphore, #tpu.memory_space<semaphore_mem>>) src(%dma_wait3A_383 : memref<20480x64xbf16, #tpu.memory_space<hbm>>) dst(%dma_wait3A_377 : memref<128x64xbf16, #tpu.memory_space<vmem>>)
      %scan3A_384 = arith.constant 0 : i32
      %scan3A_385 = arith.constant 0 : i32
      %scan3A_386 = arith.constant 128 : i32
      %scan3A_387 = arith.addi %scan3A_385, %scan3A_386 : i32
      %scan3A_388 = arith.constant 1 : i32
      scf.for %scan3A_416 = %scan3A_385 to %scan3A_387 step %scan3A_388  : i32 {
        %get3A = arith.constant 1 : i32
        %get3A_417 = arith.index_cast %get3A : i32 to index
        %get3A_418 = arith.index_cast %scan3A_416 : i32 to index
        %get3A_419 = arith.constant 0 : index
        %get3A_420 = tpu.vector_load %arg8[%get3A_417, %get3A_418, %get3A_419] {strides = array<i32>} : memref<2x128x64xbf16, #tpu.memory_space<vmem>>, vector<32xbf16>,
        %unpack3A = tpu.unpack_subelements %get3A_420, 0 {pack_format = #tpu.pack_format<interleaved>} : vector<32xbf16> -> vector<16xf32>
        %unpack3A_421 = tpu.unpack_subelements %get3A_420, 1 {pack_format = #tpu.pack_format<interleaved>} : vector<32xbf16> -> vector<16xf32>
        %swap3A = arith.constant 1 : i32
        %swap3A_422 = arith.index_cast %swap3A : i32 to index
        %swap3A_423 = arith.index_cast %scan3A_416 : i32 to index
        %swap3A_424 = arith.constant 0 : index
        %swap3A_425 = tpu.vector_load %arg9[%swap3A_422, %swap3A_423, %swap3A_424] {strides = array<i32>} : memref<2x128x64xf32, #tpu.memory_space<vmem>>, vector<16xf32>,
        tpu.vector_store %arg9[%swap3A_422, %swap3A_423, %swap3A_424], %unpack3A {strides = array<i32>} : memref<2x128x64xf32, #tpu.memory_space<vmem>>, vector<16xf32>,
        %swap3A_426 = arith.constant 1 : i32
        %swap3A_427 = arith.index_cast %swap3A_426 : i32 to index
        %swap3A_428 = arith.index_cast %scan3A_416 : i32 to index
        %swap3A_429 = arith.constant 16 : index
        %swap3A_430 = tpu.vector_load %arg9[%swap3A_427, %swap3A_428, %swap3A_429] {strides = array<i32>} : memref<2x128x64xf32, #tpu.memory_space<vmem>>, vector<16xf32>,
        tpu.vector_store %arg9[%swap3A_427, %swap3A_428, %swap3A_429], %unpack3A_421 {strides = array<i32>} : memref<2x128x64xf32, #tpu.memory_space<vmem>>, vector<16xf32>,
        %get3A_431 = arith.constant 1 : i32
        %get3A_432 = arith.index_cast %get3A_431 : i32 to index
        %get3A_433 = arith.index_cast %scan3A_416 : i32 to index
        %get3A_434 = arith.constant 32 : index
        %get3A_435 = tpu.vector_load %arg8[%get3A_432, %get3A_433, %get3A_434] {strides = array<i32>} : memref<2x128x64xbf16, #tpu.memory_space<vmem>>, vector<32xbf16>,
        %unpack3A_436 = tpu.unpack_subelements %get3A_435, 0 {pack_format = #tpu.pack_format<interleaved>} : vector<32xbf16> -> vector<16xf32>
        %unpack3A_437 = tpu.unpack_subelements %get3A_435, 1 {pack_format = #tpu.pack_format<interleaved>} : vector<32xbf16> -> vector<16xf32>
        %swap3A_438 = arith.constant 1 : i32
        %swap3A_439 = arith.index_cast %swap3A_438 : i32 to index
        %swap3A_440 = arith.index_cast %scan3A_416 : i32 to index
        %swap3A_441 = arith.constant 32 : index
        %swap3A_442 = tpu.vector_load %arg9[%swap3A_439, %swap3A_440, %swap3A_441] {strides = array<i32>} : memref<2x128x64xf32, #tpu.memory_space<vmem>>, vector<16xf32>,
        tpu.vector_store %arg9[%swap3A_439, %swap3A_440, %swap3A_441], %unpack3A_436 {strides = array<i32>} : memref<2x128x64xf32, #tpu.memory_space<vmem>>, vector<16xf32>,
        %swap3A_443 = arith.constant 1 : i32
        %swap3A_444 = arith.index_cast %swap3A_443 : i32 to index
        %swap3A_445 = arith.index_cast %scan3A_416 : i32 to index
        %swap3A_446 = arith.constant 48 : index
        %swap3A_447 = tpu.vector_load %arg9[%swap3A_444, %swap3A_445, %swap3A_446] {strides = array<i32>} : memref<2x128x64xf32, #tpu.memory_space<vmem>>, vector<16xf32>,
        tpu.vector_store %arg9[%swap3A_444, %swap3A_445, %swap3A_446], %unpack3A_437 {strides = array<i32>} : memref<2x128x64xf32, #tpu.memory_space<vmem>>, vector<16xf32>,
      }
      %scan3A_389 = arith.constant 128 : i32
      %add3A_390 = arith.constant 1 : i32
      %add3A_391 = arith.addi %mul3A_304, %add3A_390 : i32
      %dma_start3A_392 = arith.constant 1 : i32
      %dma_start3A_393 = arith.constant 0 : i32
      %dma_start3A_394 = arith.constant 0 : i32
      %dma_start3A_395 = tpu.memref_slice %arg9[%dma_start3A_392, %dma_start3A_393, %dma_start3A_394] : memref<2x128x64xf32, #tpu.memory_space<vmem>> -> memref<1x128x64xf32, #tpu.memory_space<vmem>>
      %dma_start3A_396 = tpu.memref_squeeze %dma_start3A_395 : memref<1x128x64xf32, #tpu.memory_space<vmem>> -> memref<128x64xf32, #tpu.memory_space<vmem>>
      %dma_start3A_397 = arith.constant 0 : i32
      %dma_start3A_398 = tpu.memref_slice %arg7[%add3A_391, %dma_start3A_397] : memref<160x128xi32, #tpu.memory_space<vmem>> -> memref<1x128xi32, #tpu.memory_space<vmem>>
      %dma_start3A_399 = tpu.memref_squeeze %dma_start3A_398 : memref<1x128xi32, #tpu.memory_space<vmem>> -> memref<128xi32, #tpu.memory_space<vmem>>
      %dma_start3A_400 = arith.constant 0 : i32
      %dma_start3A_401 = arith.constant 0 : i32
      %dma_start3A_402 = tpu.memref_slice %arg11[%dma_start3A_400, %dma_start3A_401] : memref<10240x64xf32, #tpu.memory_space<vmem_shared>> -> memref<10240x64xf32, #tpu.memory_space<vmem_shared>>
      tpu.enqueue_indirect_dma source(%dma_start3A_396 : memref<128x64xf32, #tpu.memory_space<vmem>>) target(%dma_start3A_402 : memref<10240x64xf32, #tpu.memory_space<vmem_shared>>) offsets(%dma_start3A_399 : memref<128xi32, #tpu.memory_space<vmem>>) semaphore(%arg15 : memref<!tpu.dma_semaphore, #tpu.memory_space<semaphore_mem>>) {add = true}
      %add3A_403 = arith.constant 3 : i32
      %add3A_404 = arith.addi %mul3A_304, %add3A_403 : i32
      %dma_start3A_405 = arith.constant 1 : i32
      %dma_start3A_406 = arith.constant 0 : i32
      %dma_start3A_407 = arith.constant 0 : i32
      %dma_start3A_408 = tpu.memref_slice %arg8[%dma_start3A_405, %dma_start3A_406, %dma_start3A_407] : memref<2x128x64xbf16, #tpu.memory_space<vmem>> -> memref<1x128x64xbf16, #tpu.memory_space<vmem>>
      %dma_start3A_409 = tpu.memref_squeeze %dma_start3A_408 : memref<1x128x64xbf16, #tpu.memory_space<vmem>> -> memref<128x64xbf16, #tpu.memory_space<vmem>>
      %dma_start3A_410 = arith.constant 0 : i32
      %dma_start3A_411 = tpu.memref_slice %arg6[%add3A_404, %dma_start3A_410] : memref<160x128xi32, #tpu.memory_space<vmem>> -> memref<1x128xi32, #tpu.memory_space<vmem>>
      %dma_start3A_412 = tpu.memref_squeeze %dma_start3A_411 : memref<1x128xi32, #tpu.memory_space<vmem>> -> memref<128xi32, #tpu.memory_space<vmem>>
      %dma_start3A_413 = arith.constant 0 : i32
      %dma_start3A_414 = arith.constant 0 : i32
      %dma_start3A_415 = tpu.memref_slice %arg2[%dma_start3A_413, %dma_start3A_414] : memref<20480x64xbf16, #tpu.memory_space<hbm>> -> memref<20480x64xbf16, #tpu.memory_space<hbm>>
      tpu.enqueue_indirect_dma source(%dma_start3A_415 : memref<20480x64xbf16, #tpu.memory_space<hbm>>) target(%dma_start3A_409 : memref<128x64xbf16, #tpu.memory_space<vmem>>) offsets(%dma_start3A_412 : memref<128xi32, #tpu.memory_space<vmem>>) semaphore(%arg13 : memref<!tpu.dma_semaphore, #tpu.memory_space<semaphore_mem>>)
    }
    %scan3A_192 = arith.constant 78 : i32
    %dma_wait3A_193 = arith.constant 0 : i32
    %dma_wait3A_194 = arith.constant 156 : i32
    %dma_wait3A_195 = arith.constant 0 : i32
    %dma_wait3A_196 = arith.constant 0 : i32
    %dma_wait3A_197 = tpu.memref_slice %arg9[%dma_wait3A_193, %dma_wait3A_195, %dma_wait3A_196] : memref<2x128x64xf32, #tpu.memory_space<vmem>> -> memref<1x128x64xf32, #tpu.memory_space<vmem>>
    %dma_wait3A_198 = tpu.memref_squeeze %dma_wait3A_197 : memref<1x128x64xf32, #tpu.memory_space<vmem>> -> memref<128x64xf32, #tpu.memory_space<vmem>>
    %dma_wait3A_199 = arith.constant 0 : i32
    %dma_wait3A_200 = tpu.memref_slice %arg7[%dma_wait3A_194, %dma_wait3A_199] : memref<160x128xi32, #tpu.memory_space<vmem>> -> memref<1x128xi32, #tpu.memory_space<vmem>>
    %dma_wait3A_201 = tpu.memref_squeeze %dma_wait3A_200 : memref<1x128xi32, #tpu.memory_space<vmem>> -> memref<128xi32, #tpu.memory_space<vmem>>
    %dma_wait3A_202 = arith.constant 0 : i32
    %dma_wait3A_203 = arith.constant 0 : i32
    %dma_wait3A_204 = tpu.memref_slice %arg11[%dma_wait3A_202, %dma_wait3A_203] : memref<10240x64xf32, #tpu.memory_space<vmem_shared>> -> memref<10240x64xf32, #tpu.memory_space<vmem_shared>>
    tpu.wait_indirect_dma semaphore(%arg14 : memref<!tpu.dma_semaphore, #tpu.memory_space<semaphore_mem>>) src(%dma_wait3A_198 : memref<128x64xf32, #tpu.memory_space<vmem>>) dst(%dma_wait3A_204 : memref<10240x64xf32, #tpu.memory_space<vmem_shared>>)
    %dma_wait3A_205 = arith.constant 158 : i32
    %dma_wait3A_206 = arith.constant 0 : i32
    %dma_wait3A_207 = arith.constant 0 : i32
    %dma_wait3A_208 = arith.constant 0 : i32
    %dma_wait3A_209 = tpu.memref_slice %arg8[%dma_wait3A_206, %dma_wait3A_207, %dma_wait3A_208] : memref<2x128x64xbf16, #tpu.memory_space<vmem>> -> memref<1x128x64xbf16, #tpu.memory_space<vmem>>
    %dma_wait3A_210 = tpu.memref_squeeze %dma_wait3A_209 : memref<1x128x64xbf16, #tpu.memory_space<vmem>> -> memref<128x64xbf16, #tpu.memory_space<vmem>>
    %dma_wait3A_211 = arith.constant 0 : i32
    %dma_wait3A_212 = tpu.memref_slice %arg6[%dma_wait3A_205, %dma_wait3A_211] : memref<160x128xi32, #tpu.memory_space<vmem>> -> memref<1x128xi32, #tpu.memory_space<vmem>>
    %dma_wait3A_213 = tpu.memref_squeeze %dma_wait3A_212 : memref<1x128xi32, #tpu.memory_space<vmem>> -> memref<128xi32, #tpu.memory_space<vmem>>
    %dma_wait3A_214 = arith.constant 0 : i32
    %dma_wait3A_215 = arith.constant 0 : i32
    %dma_wait3A_216 = tpu.memref_slice %arg2[%dma_wait3A_214, %dma_wait3A_215] : memref<20480x64xbf16, #tpu.memory_space<hbm>> -> memref<20480x64xbf16, #tpu.memory_space<hbm>>
    tpu.wait_indirect_dma semaphore(%arg12 : memref<!tpu.dma_semaphore, #tpu.memory_space<semaphore_mem>>) src(%dma_wait3A_216 : memref<20480x64xbf16, #tpu.memory_space<hbm>>) dst(%dma_wait3A_210 : memref<128x64xbf16, #tpu.memory_space<vmem>>)
    %scan3A_217 = arith.constant 0 : i32
    %scan3A_218 = arith.constant 0 : i32
    %scan3A_219 = arith.constant 128 : i32
    %scan3A_220 = arith.addi %scan3A_218, %scan3A_219 : i32
    %scan3A_221 = arith.constant 1 : i32
    scf.for %scan3A_302 = %scan3A_218 to %scan3A_220 step %scan3A_221  : i32 {
      %get3A = arith.constant 0 : i32
      %get3A_303 = arith.index_cast %get3A : i32 to index
      %get3A_304 = arith.index_cast %scan3A_302 : i32 to index
      %get3A_305 = arith.constant 0 : index
      %get3A_306 = tpu.vector_load %arg8[%get3A_303, %get3A_304, %get3A_305] {strides = array<i32>} : memref<2x128x64xbf16, #tpu.memory_space<vmem>>, vector<32xbf16>,
      %unpack3A = tpu.unpack_subelements %get3A_306, 0 {pack_format = #tpu.pack_format<interleaved>} : vector<32xbf16> -> vector<16xf32>
      %unpack3A_307 = tpu.unpack_subelements %get3A_306, 1 {pack_format = #tpu.pack_format<interleaved>} : vector<32xbf16> -> vector<16xf32>
      %swap3A = arith.constant 0 : i32
      %swap3A_308 = arith.index_cast %swap3A : i32 to index
      %swap3A_309 = arith.index_cast %scan3A_302 : i32 to index
      %swap3A_310 = arith.constant 0 : index
      %swap3A_311 = tpu.vector_load %arg9[%swap3A_308, %swap3A_309, %swap3A_310] {strides = array<i32>} : memref<2x128x64xf32, #tpu.memory_space<vmem>>, vector<16xf32>,
      tpu.vector_store %arg9[%swap3A_308, %swap3A_309, %swap3A_310], %unpack3A {strides = array<i32>} : memref<2x128x64xf32, #tpu.memory_space<vmem>>, vector<16xf32>,
      %swap3A_312 = arith.constant 0 : i32
      %swap3A_313 = arith.index_cast %swap3A_312 : i32 to index
      %swap3A_314 = arith.index_cast %scan3A_302 : i32 to index
      %swap3A_315 = arith.constant 16 : index
      %swap3A_316 = tpu.vector_load %arg9[%swap3A_313, %swap3A_314, %swap3A_315] {strides = array<i32>} : memref<2x128x64xf32, #tpu.memory_space<vmem>>, vector<16xf32>,
      tpu.vector_store %arg9[%swap3A_313, %swap3A_314, %swap3A_315], %unpack3A_307 {strides = array<i32>} : memref<2x128x64xf32, #tpu.memory_space<vmem>>, vector<16xf32>,
      %get3A_317 = arith.constant 0 : i32
      %get3A_318 = arith.index_cast %get3A_317 : i32 to index
      %get3A_319 = arith.index_cast %scan3A_302 : i32 to index
      %get3A_320 = arith.constant 32 : index
      %get3A_321 = tpu.vector_load %arg8[%get3A_318, %get3A_319, %get3A_320] {strides = array<i32>} : memref<2x128x64xbf16, #tpu.memory_space<vmem>>, vector<32xbf16>,
      %unpack3A_322 = tpu.unpack_subelements %get3A_321, 0 {pack_format = #tpu.pack_format<interleaved>} : vector<32xbf16> -> vector<16xf32>
      %unpack3A_323 = tpu.unpack_subelements %get3A_321, 1 {pack_format = #tpu.pack_format<interleaved>} : vector<32xbf16> -> vector<16xf32>
      %swap3A_324 = arith.constant 0 : i32
      %swap3A_325 = arith.index_cast %swap3A_324 : i32 to index
      %swap3A_326 = arith.index_cast %scan3A_302 : i32 to index
      %swap3A_327 = arith.constant 32 : index
      %swap3A_328 = tpu.vector_load %arg9[%swap3A_325, %swap3A_326, %swap3A_327] {strides = array<i32>} : memref<2x128x64xf32, #tpu.memory_space<vmem>>, vector<16xf32>,
      tpu.vector_store %arg9[%swap3A_325, %swap3A_326, %swap3A_327], %unpack3A_322 {strides = array<i32>} : memref<2x128x64xf32, #tpu.memory_space<vmem>>, vector<16xf32>,
      %swap3A_329 = arith.constant 0 : i32
      %swap3A_330 = arith.index_cast %swap3A_329 : i32 to index
      %swap3A_331 = arith.index_cast %scan3A_302 : i32 to index
      %swap3A_332 = arith.constant 48 : index
      %swap3A_333 = tpu.vector_load %arg9[%swap3A_330, %swap3A_331, %swap3A_332] {strides = array<i32>} : memref<2x128x64xf32, #tpu.memory_space<vmem>>, vector<16xf32>,
      tpu.vector_store %arg9[%swap3A_330, %swap3A_331, %swap3A_332], %unpack3A_323 {strides = array<i32>} : memref<2x128x64xf32, #tpu.memory_space<vmem>>, vector<16xf32>,
    }
    %scan3A_222 = arith.constant 128 : i32
    %dma_start3A_223 = arith.constant 0 : i32
    %dma_start3A_224 = arith.constant 158 : i32
    %dma_start3A_225 = arith.constant 0 : i32
    %dma_start3A_226 = arith.constant 0 : i32
    %dma_start3A_227 = tpu.memref_slice %arg9[%dma_start3A_223, %dma_start3A_225, %dma_start3A_226] : memref<2x128x64xf32, #tpu.memory_space<vmem>> -> memref<1x128x64xf32, #tpu.memory_space<vmem>>
    %dma_start3A_228 = tpu.memref_squeeze %dma_start3A_227 : memref<1x128x64xf32, #tpu.memory_space<vmem>> -> memref<128x64xf32, #tpu.memory_space<vmem>>
    %dma_start3A_229 = arith.constant 0 : i32
    %dma_start3A_230 = tpu.memref_slice %arg7[%dma_start3A_224, %dma_start3A_229] : memref<160x128xi32, #tpu.memory_space<vmem>> -> memref<1x128xi32, #tpu.memory_space<vmem>>
    %dma_start3A_231 = tpu.memref_squeeze %dma_start3A_230 : memref<1x128xi32, #tpu.memory_space<vmem>> -> memref<128xi32, #tpu.memory_space<vmem>>
    %dma_start3A_232 = arith.constant 0 : i32
    %dma_start3A_233 = arith.constant 0 : i32
    %dma_start3A_234 = tpu.memref_slice %arg11[%dma_start3A_232, %dma_start3A_233] : memref<10240x64xf32, #tpu.memory_space<vmem_shared>> -> memref<10240x64xf32, #tpu.memory_space<vmem_shared>>
    tpu.enqueue_indirect_dma source(%dma_start3A_228 : memref<128x64xf32, #tpu.memory_space<vmem>>) target(%dma_start3A_234 : memref<10240x64xf32, #tpu.memory_space<vmem_shared>>) offsets(%dma_start3A_231 : memref<128xi32, #tpu.memory_space<vmem>>) semaphore(%arg14 : memref<!tpu.dma_semaphore, #tpu.memory_space<semaphore_mem>>) {add = true}
    %dma_wait3A_235 = arith.constant 1 : i32
    %dma_wait3A_236 = arith.constant 157 : i32
    %dma_wait3A_237 = arith.constant 0 : i32
    %dma_wait3A_238 = arith.constant 0 : i32
    %dma_wait3A_239 = tpu.memref_slice %arg9[%dma_wait3A_235, %dma_wait3A_237, %dma_wait3A_238] : memref<2x128x64xf32, #tpu.memory_space<vmem>> -> memref<1x128x64xf32, #tpu.memory_space<vmem>>
    %dma_wait3A_240 = tpu.memref_squeeze %dma_wait3A_239 : memref<1x128x64xf32, #tpu.memory_space<vmem>> -> memref<128x64xf32, #tpu.memory_space<vmem>>
    %dma_wait3A_241 = arith.constant 0 : i32
    %dma_wait3A_242 = tpu.memref_slice %arg7[%dma_wait3A_236, %dma_wait3A_241] : memref<160x128xi32, #tpu.memory_space<vmem>> -> memref<1x128xi32, #tpu.memory_space<vmem>>
    %dma_wait3A_243 = tpu.memref_squeeze %dma_wait3A_242 : memref<1x128xi32, #tpu.memory_space<vmem>> -> memref<128xi32, #tpu.memory_space<vmem>>
    %dma_wait3A_244 = arith.constant 0 : i32
    %dma_wait3A_245 = arith.constant 0 : i32
    %dma_wait3A_246 = tpu.memref_slice %arg11[%dma_wait3A_244, %dma_wait3A_245] : memref<10240x64xf32, #tpu.memory_space<vmem_shared>> -> memref<10240x64xf32, #tpu.memory_space<vmem_shared>>
    tpu.wait_indirect_dma semaphore(%arg15 : memref<!tpu.dma_semaphore, #tpu.memory_space<semaphore_mem>>) src(%dma_wait3A_240 : memref<128x64xf32, #tpu.memory_space<vmem>>) dst(%dma_wait3A_246 : memref<10240x64xf32, #tpu.memory_space<vmem_shared>>)
    %dma_wait3A_247 = arith.constant 159 : i32
    %dma_wait3A_248 = arith.constant 1 : i32
    %dma_wait3A_249 = arith.constant 0 : i32
    %dma_wait3A_250 = arith.constant 0 : i32
    %dma_wait3A_251 = tpu.memref_slice %arg8[%dma_wait3A_248, %dma_wait3A_249, %dma_wait3A_250] : memref<2x128x64xbf16, #tpu.memory_space<vmem>> -> memref<1x128x64xbf16, #tpu.memory_space<vmem>>
    %dma_wait3A_252 = tpu.memref_squeeze %dma_wait3A_251 : memref<1x128x64xbf16, #tpu.memory_space<vmem>> -> memref<128x64xbf16, #tpu.memory_space<vmem>>
    %dma_wait3A_253 = arith.constant 0 : i32
    %dma_wait3A_254 = tpu.memref_slice %arg6[%dma_wait3A_247, %dma_wait3A_253] : memref<160x128xi32, #tpu.memory_space<vmem>> -> memref<1x128xi32, #tpu.memory_space<vmem>>
    %dma_wait3A_255 = tpu.memref_squeeze %dma_wait3A_254 : memref<1x128xi32, #tpu.memory_space<vmem>> -> memref<128xi32, #tpu.memory_space<vmem>>
    %dma_wait3A_256 = arith.constant 0 : i32
    %dma_wait3A_257 = arith.constant 0 : i32
    %dma_wait3A_258 = tpu.memref_slice %arg2[%dma_wait3A_256, %dma_wait3A_257] : memref<20480x64xbf16, #tpu.memory_space<hbm>> -> memref<20480x64xbf16, #tpu.memory_space<hbm>>
    tpu.wait_indirect_dma semaphore(%arg13 : memref<!tpu.dma_semaphore, #tpu.memory_space<semaphore_mem>>) src(%dma_wait3A_258 : memref<20480x64xbf16, #tpu.memory_space<hbm>>) dst(%dma_wait3A_252 : memref<128x64xbf16, #tpu.memory_space<vmem>>)
    %scan3A_259 = arith.constant 0 : i32
    %scan3A_260 = arith.constant 0 : i32
    %scan3A_261 = arith.constant 128 : i32
    %scan3A_262 = arith.addi %scan3A_260, %scan3A_261 : i32
    %scan3A_263 = arith.constant 1 : i32
    scf.for %scan3A_302 = %scan3A_260 to %scan3A_262 step %scan3A_263  : i32 {
      %get3A = arith.constant 1 : i32
      %get3A_303 = arith.index_cast %get3A : i32 to index
      %get3A_304 = arith.index_cast %scan3A_302 : i32 to index
      %get3A_305 = arith.constant 0 : index
      %get3A_306 = tpu.vector_load %arg8[%get3A_303, %get3A_304, %get3A_305] {strides = array<i32>} : memref<2x128x64xbf16, #tpu.memory_space<vmem>>, vector<32xbf16>,
      %unpack3A = tpu.unpack_subelements %get3A_306, 0 {pack_format = #tpu.pack_format<interleaved>} : vector<32xbf16> -> vector<16xf32>
      %unpack3A_307 = tpu.unpack_subelements %get3A_306, 1 {pack_format = #tpu.pack_format<interleaved>} : vector<32xbf16> -> vector<16xf32>
      %swap3A = arith.constant 1 : i32
      %swap3A_308 = arith.index_cast %swap3A : i32 to index
      %swap3A_309 = arith.index_cast %scan3A_302 : i32 to index
      %swap3A_310 = arith.constant 0 : index
      %swap3A_311 = tpu.vector_load %arg9[%swap3A_308, %swap3A_309, %swap3A_310] {strides = array<i32>} : memref<2x128x64xf32, #tpu.memory_space<vmem>>, vector<16xf32>,
      tpu.vector_store %arg9[%swap3A_308, %swap3A_309, %swap3A_310], %unpack3A {strides = array<i32>} : memref<2x128x64xf32, #tpu.memory_space<vmem>>, vector<16xf32>,
      %swap3A_312 = arith.constant 1 : i32
      %swap3A_313 = arith.index_cast %swap3A_312 : i32 to index
      %swap3A_314 = arith.index_cast %scan3A_302 : i32 to index
      %swap3A_315 = arith.constant 16 : index
      %swap3A_316 = tpu.vector_load %arg9[%swap3A_313, %swap3A_314, %swap3A_315] {strides = array<i32>} : memref<2x128x64xf32, #tpu.memory_space<vmem>>, vector<16xf32>,
      tpu.vector_store %arg9[%swap3A_313, %swap3A_314, %swap3A_315], %unpack3A_307 {strides = array<i32>} : memref<2x128x64xf32, #tpu.memory_space<vmem>>, vector<16xf32>,
      %get3A_317 = arith.constant 1 : i32
      %get3A_318 = arith.index_cast %get3A_317 : i32 to index
      %get3A_319 = arith.index_cast %scan3A_302 : i32 to index
      %get3A_320 = arith.constant 32 : index
      %get3A_321 = tpu.vector_load %arg8[%get3A_318, %get3A_319, %get3A_320] {strides = array<i32>} : memref<2x128x64xbf16, #tpu.memory_space<vmem>>, vector<32xbf16>,
      %unpack3A_322 = tpu.unpack_subelements %get3A_321, 0 {pack_format = #tpu.pack_format<interleaved>} : vector<32xbf16> -> vector<16xf32>
      %unpack3A_323 = tpu.unpack_subelements %get3A_321, 1 {pack_format = #tpu.pack_format<interleaved>} : vector<32xbf16> -> vector<16xf32>
      %swap3A_324 = arith.constant 1 : i32
      %swap3A_325 = arith.index_cast %swap3A_324 : i32 to index
      %swap3A_326 = arith.index_cast %scan3A_302 : i32 to index
      %swap3A_327 = arith.constant 32 : index
      %swap3A_328 = tpu.vector_load %arg9[%swap3A_325, %swap3A_326, %swap3A_327] {strides = array<i32>} : memref<2x128x64xf32, #tpu.memory_space<vmem>>, vector<16xf32>,
      tpu.vector_store %arg9[%swap3A_325, %swap3A_326, %swap3A_327], %unpack3A_322 {strides = array<i32>} : memref<2x128x64xf32, #tpu.memory_space<vmem>>, vector<16xf32>,
      %swap3A_329 = arith.constant 1 : i32
      %swap3A_330 = arith.index_cast %swap3A_329 : i32 to index
      %swap3A_331 = arith.index_cast %scan3A_302 : i32 to index
      %swap3A_332 = arith.constant 48 : index
      %swap3A_333 = tpu.vector_load %arg9[%swap3A_330, %swap3A_331, %swap3A_332] {strides = array<i32>} : memref<2x128x64xf32, #tpu.memory_space<vmem>>, vector<16xf32>,
      tpu.vector_store %arg9[%swap3A_330, %swap3A_331, %swap3A_332], %unpack3A_323 {strides = array<i32>} : memref<2x128x64xf32, #tpu.memory_space<vmem>>, vector<16xf32>,
    }
    %scan3A_264 = arith.constant 128 : i32
    %dma_start3A_265 = arith.constant 1 : i32
    %dma_start3A_266 = arith.constant 159 : i32
    %dma_start3A_267 = arith.constant 0 : i32
    %dma_start3A_268 = arith.constant 0 : i32
    %dma_start3A_269 = tpu.memref_slice %arg9[%dma_start3A_265, %dma_start3A_267, %dma_start3A_268] : memref<2x128x64xf32, #tpu.memory_space<vmem>> -> memref<1x128x64xf32, #tpu.memory_space<vmem>>
    %dma_start3A_270 = tpu.memref_squeeze %dma_start3A_269 : memref<1x128x64xf32, #tpu.memory_space<vmem>> -> memref<128x64xf32, #tpu.memory_space<vmem>>
    %dma_start3A_271 = arith.constant 0 : i32
    %dma_start3A_272 = tpu.memref_slice %arg7[%dma_start3A_266, %dma_start3A_271] : memref<160x128xi32, #tpu.memory_space<vmem>> -> memref<1x128xi32, #tpu.memory_space<vmem>>
    %dma_start3A_273 = tpu.memref_squeeze %dma_start3A_272 : memref<1x128xi32, #tpu.memory_space<vmem>> -> memref<128xi32, #tpu.memory_space<vmem>>
    %dma_start3A_274 = arith.constant 0 : i32
    %dma_start3A_275 = arith.constant 0 : i32
    %dma_start3A_276 = tpu.memref_slice %arg11[%dma_start3A_274, %dma_start3A_275] : memref<10240x64xf32, #tpu.memory_space<vmem_shared>> -> memref<10240x64xf32, #tpu.memory_space<vmem_shared>>
    tpu.enqueue_indirect_dma source(%dma_start3A_270 : memref<128x64xf32, #tpu.memory_space<vmem>>) target(%dma_start3A_276 : memref<10240x64xf32, #tpu.memory_space<vmem_shared>>) offsets(%dma_start3A_273 : memref<128xi32, #tpu.memory_space<vmem>>) semaphore(%arg15 : memref<!tpu.dma_semaphore, #tpu.memory_space<semaphore_mem>>) {add = true}
    %dma_wait3A_277 = arith.constant 0 : i32
    %dma_wait3A_278 = arith.constant 158 : i32
    %dma_wait3A_279 = arith.constant 0 : i32
    %dma_wait3A_280 = arith.constant 0 : i32
    %dma_wait3A_281 = tpu.memref_slice %arg9[%dma_wait3A_277, %dma_wait3A_279, %dma_wait3A_280] : memref<2x128x64xf32, #tpu.memory_space<vmem>> -> memref<1x128x64xf32, #tpu.memory_space<vmem>>
    %dma_wait3A_282 = tpu.memref_squeeze %dma_wait3A_281 : memref<1x128x64xf32, #tpu.memory_space<vmem>> -> memref<128x64xf32, #tpu.memory_space<vmem>>
    %dma_wait3A_283 = arith.constant 0 : i32
    %dma_wait3A_284 = tpu.memref_slice %arg7[%dma_wait3A_278, %dma_wait3A_283] : memref<160x128xi32, #tpu.memory_space<vmem>> -> memref<1x128xi32, #tpu.memory_space<vmem>>
    %dma_wait3A_285 = tpu.memref_squeeze %dma_wait3A_284 : memref<1x128xi32, #tpu.memory_space<vmem>> -> memref<128xi32, #tpu.memory_space<vmem>>
    %dma_wait3A_286 = arith.constant 0 : i32
    %dma_wait3A_287 = arith.constant 0 : i32
    %dma_wait3A_288 = tpu.memref_slice %arg11[%dma_wait3A_286, %dma_wait3A_287] : memref<10240x64xf32, #tpu.memory_space<vmem_shared>> -> memref<10240x64xf32, #tpu.memory_space<vmem_shared>>
    tpu.wait_indirect_dma semaphore(%arg14 : memref<!tpu.dma_semaphore, #tpu.memory_space<semaphore_mem>>) src(%dma_wait3A_282 : memref<128x64xf32, #tpu.memory_space<vmem>>) dst(%dma_wait3A_288 : memref<10240x64xf32, #tpu.memory_space<vmem_shared>>)
    %dma_wait3A_289 = arith.constant 1 : i32
    %dma_wait3A_290 = arith.constant 159 : i32
    %dma_wait3A_291 = arith.constant 0 : i32
    %dma_wait3A_292 = arith.constant 0 : i32
    %dma_wait3A_293 = tpu.memref_slice %arg9[%dma_wait3A_289, %dma_wait3A_291, %dma_wait3A_292] : memref<2x128x64xf32, #tpu.memory_space<vmem>> -> memref<1x128x64xf32, #tpu.memory_space<vmem>>
    %dma_wait3A_294 = tpu.memref_squeeze %dma_wait3A_293 : memref<1x128x64xf32, #tpu.memory_space<vmem>> -> memref<128x64xf32, #tpu.memory_space<vmem>>
    %dma_wait3A_295 = arith.constant 0 : i32
    %dma_wait3A_296 = tpu.memref_slice %arg7[%dma_wait3A_290, %dma_wait3A_295] : memref<160x128xi32, #tpu.memory_space<vmem>> -> memref<1x128xi32, #tpu.memory_space<vmem>>
    %dma_wait3A_297 = tpu.memref_squeeze %dma_wait3A_296 : memref<1x128xi32, #tpu.memory_space<vmem>> -> memref<128xi32, #tpu.memory_space<vmem>>
    %dma_wait3A_298 = arith.constant 0 : i32
    %dma_wait3A_299 = arith.constant 0 : i32
    %dma_wait3A_300 = tpu.memref_slice %arg11[%dma_wait3A_298, %dma_wait3A_299] : memref<10240x64xf32, #tpu.memory_space<vmem_shared>> -> memref<10240x64xf32, #tpu.memory_space<vmem_shared>>
    tpu.wait_indirect_dma semaphore(%arg15 : memref<!tpu.dma_semaphore, #tpu.memory_space<semaphore_mem>>) src(%dma_wait3A_294 : memref<128x64xf32, #tpu.memory_space<vmem>>) dst(%dma_wait3A_300 : memref<10240x64xf32, #tpu.memory_space<vmem_shared>>)
    %barrier3A_301 = arith.constant 0 : index
    tpu.barrier barrier_id(%barrier3A_301)
    "tpu.region"() ({
      %run_scoped3A = tpu.sem_alloc : memref<!tpu.dma_semaphore, #tpu.memory_space<semaphore_mem>>
      %dma_start3A_302 = arith.constant 0 : i32
      %dma_start3A_303 = tpu.memref_slice %arg5[%arg0, %mul3A_2, %dma_start3A_302] : memref<2x10240x64xf32, #tpu.memory_space<hbm>> -> memref<1x640x64xf32, #tpu.memory_space<hbm>>
      %dma_start3A_304 = tpu.memref_squeeze %dma_start3A_303 : memref<1x640x64xf32, #tpu.memory_space<hbm>> -> memref<640x64xf32, #tpu.memory_space<hbm>>
      %dma_start3A_305 = arith.constant 0 : i32
      %dma_start3A_306 = tpu.memref_slice %arg11[%mul3A_2, %dma_start3A_305] : memref<10240x64xf32, #tpu.memory_space<vmem_shared>> -> memref<640x64xf32, #tpu.memory_space<vmem_shared>>
      tpu.enqueue_dma source(%dma_start3A_306 : memref<640x64xf32, #tpu.memory_space<vmem_shared>>) target(%dma_start3A_304 : memref<640x64xf32, #tpu.memory_space<hbm>>) target_semaphore(%run_scoped3A : memref<!tpu.dma_semaphore, #tpu.memory_space<semaphore_mem>>)
      %dma_wait3A_307 = arith.constant 0 : i32
      %dma_wait3A_308 = tpu.memref_slice %arg5[%arg0, %mul3A_2, %dma_wait3A_307] : memref<2x10240x64xf32, #tpu.memory_space<hbm>> -> memref<1x640x64xf32, #tpu.memory_space<hbm>>
      %dma_wait3A_309 = tpu.memref_squeeze %dma_wait3A_308 : memref<1x640x64xf32, #tpu.memory_space<hbm>> -> memref<640x64xf32, #tpu.memory_space<hbm>>
      %dma_wait3A_310 = arith.constant 0 : i32
      %dma_wait3A_311 = tpu.memref_slice %arg11[%mul3A_2, %dma_wait3A_310] : memref<10240x64xf32, #tpu.memory_space<vmem_shared>> -> memref<640x64xf32, #tpu.memory_space<vmem_shared>>
      tpu.wait_dma2 semaphore(%run_scoped3A : memref<!tpu.dma_semaphore, #tpu.memory_space<semaphore_mem>>) src(%dma_wait3A_311 : memref<640x64xf32, #tpu.memory_space<vmem_shared>>) dst(%dma_wait3A_309 : memref<640x64xf32, #tpu.memory_space<hbm>>)
      tpu.yield
    }) : () -> ()
    return
  }
}

module attributes {stable_mosaic.version = 14 : i64} {
  func.func @_k1_body(%arg0: i32, %arg1: memref<2000x128xf32, #tpu.memory_space<vmem>>, %arg2: memref<128x128xf32, #tpu.memory_space<vmem>>, %arg3: memref<128x128xf32, #tpu.memory_space<vmem>>, %arg4: memref<10240x2xf32, #tpu.memory_space<vmem>>, %arg5: memref<2x2000x64xf32, #tpu.memory_space<vmem>>, %arg6: memref<2x2000x64xbf16, #tpu.memory_space<vmem>>) attributes {dimension_semantics = [#tpu.dimension_semantics<arbitrary>], iteration_bounds = array<i64: 5>, scalar_prefetch = 0 : i64, scratch_operands = 0 : i64, tpu.core_type = #tpu.core_type<tc>, window_params = [{transform_indices = @transform_0, window_bounds = array<i64: 2000, 128>}, {pipeline_mode = #tpu.pipeline_mode<synchronous>, transform_indices = @transform_1, window_bounds = array<i64: 128, 128>}, {pipeline_mode = #tpu.pipeline_mode<synchronous>, transform_indices = @transform_2, window_bounds = array<i64: 128, 128>}, {pipeline_mode = #tpu.pipeline_mode<synchronous>, transform_indices = @transform_3, window_bounds = array<i64: 10240, 2>}, {transform_indices = @transform_4, window_bounds = array<i64: 2, 2000, 64>}, {transform_indices = @transform_5, window_bounds = array<i64: 2, 2000, 64>}]} {
    %mul3A = arith.constant 2000 : i32
    %mul3A_0 = arith.muli %arg0, %mul3A : i32
    %get3A = arith.index_cast %mul3A_0 : i32 to index
    %get3A_1 = arith.constant 0 : index
    %get3A_2 = vector.load %arg4[%get3A, %get3A_1] : memref<10240x2xf32, #tpu.memory_space<vmem>>, vector<2000x1xf32>
    %get3A_3 = vector.shape_cast %get3A_2 : vector<2000x1xf32> to vector<2000xf32>
    %mul3A_4 = arith.constant 2000 : i32
    %mul3A_5 = arith.muli %arg0, %mul3A_4 : i32
    %get3A_6 = arith.index_cast %mul3A_5 : i32 to index
    %get3A_7 = arith.constant 1 : index
    %get3A_8 = vector.load %arg4[%get3A_6, %get3A_7] : memref<10240x2xf32, #tpu.memory_space<vmem>>, vector<2000x1xf32>
    %get3A_9 = vector.shape_cast %get3A_8 : vector<2000x1xf32> to vector<2000xf32>
    %add3A = arith.addf %get3A_3, %get3A_9 : vector<2000xf32>
    %add3A_10 = arith.constant 1.000000e+00 : f32
    %add3A_11 = vector.broadcast %add3A_10 : f32 to vector<2000xf32>
    %add3A_12 = arith.addf %add3A, %add3A_11 : vector<2000xf32>
    %rsqrt3A = math.rsqrt %add3A_12 : vector<2000xf32>
    %broadcast_in_dim3A = vector.shape_cast %rsqrt3A : vector<2000xf32> to vector<2000x1xf32>
    %get3A_13 = arith.constant 0 : index
    %get3A_14 = arith.constant 0 : index
    %get3A_15 = vector.load %arg1[%get3A_13, %get3A_14] : memref<2000x128xf32, #tpu.memory_space<vmem>>, vector<2000x128xf32>
    %get3A_16 = arith.constant 0 : index
    %get3A_17 = arith.constant 0 : index
    %get3A_18 = vector.load %arg2[%get3A_16, %get3A_17] : memref<128x128xf32, #tpu.memory_space<vmem>>, vector<128x128xf32>
    %dot_general3A = arith.constant dense<0.000000e+00> : vector<2000x128xf32>
    %dot_general3A_19 = tpu.matmul %get3A_15, %get3A_18, %dot_general3A {dimension_numbers = #tpu.dot_dimension_numbers<[1], [0], [0], [1], [0, 0, 1, 1], [], []>, transpose_lhs_hint = false} : vector<2000x128xf32>, vector<128x128xf32>, vector<2000x128xf32> -> vector<2000x128xf32>
    %mul3A_20 = vector.broadcast %broadcast_in_dim3A : vector<2000x1xf32> to vector<2000x128xf32>
    %mul3A_21 = arith.mulf %dot_general3A_19, %mul3A_20 : vector<2000x128xf32>
    %slice3A = vector.extract_strided_slice %mul3A_21 {offsets = [0, 0], sizes = [2000, 64], strides = [1, 1]} : vector<2000x128xf32> to vector<2000x64xf32>
    %swap3A = arith.constant 0 : index
    %swap3A_22 = arith.constant 0 : index
    %swap3A_23 = arith.constant 0 : index
    %swap3A_24 = vector.load %arg5[%swap3A, %swap3A_22, %swap3A_23] : memref<2x2000x64xf32, #tpu.memory_space<vmem>>, vector<1x2000x64xf32>
    %swap3A_25 = vector.shape_cast %swap3A_24 : vector<1x2000x64xf32> to vector<2000x64xf32>
    %swap3A_26 = vector.shape_cast %slice3A : vector<2000x64xf32> to vector<1x2000x64xf32>
    tpu.vector_store %arg5[%swap3A, %swap3A_22, %swap3A_23], %swap3A_26 {strides = array<i32>} : memref<2x2000x64xf32, #tpu.memory_space<vmem>>, vector<1x2000x64xf32>,
    %slice3A_27 = vector.extract_strided_slice %mul3A_21 {offsets = [0, 64], sizes = [2000, 64], strides = [1, 1]} : vector<2000x128xf32> to vector<2000x64xf32>
    %swap3A_28 = arith.constant 1 : index
    %swap3A_29 = arith.constant 0 : index
    %swap3A_30 = arith.constant 0 : index
    %swap3A_31 = vector.load %arg5[%swap3A_28, %swap3A_29, %swap3A_30] : memref<2x2000x64xf32, #tpu.memory_space<vmem>>, vector<1x2000x64xf32>
    %swap3A_32 = vector.shape_cast %swap3A_31 : vector<1x2000x64xf32> to vector<2000x64xf32>
    %swap3A_33 = vector.shape_cast %slice3A_27 : vector<2000x64xf32> to vector<1x2000x64xf32>
    tpu.vector_store %arg5[%swap3A_28, %swap3A_29, %swap3A_30], %swap3A_33 {strides = array<i32>} : memref<2x2000x64xf32, #tpu.memory_space<vmem>>, vector<1x2000x64xf32>,
    %get3A_34 = arith.constant 0 : index
    %get3A_35 = arith.constant 0 : index
    %get3A_36 = vector.load %arg3[%get3A_34, %get3A_35] : memref<128x128xf32, #tpu.memory_space<vmem>>, vector<128x128xf32>
    %dot_general3A_37 = arith.constant dense<0.000000e+00> : vector<2000x128xf32>
    %dot_general3A_38 = tpu.matmul %get3A_15, %get3A_36, %dot_general3A_37 {dimension_numbers = #tpu.dot_dimension_numbers<[1], [0], [0], [1], [0, 0, 1, 1], [], []>, transpose_lhs_hint = false} : vector<2000x128xf32>, vector<128x128xf32>, vector<2000x128xf32> -> vector<2000x128xf32>
    %mul3A_39 = vector.broadcast %broadcast_in_dim3A : vector<2000x1xf32> to vector<2000x128xf32>
    %mul3A_40 = arith.mulf %dot_general3A_38, %mul3A_39 : vector<2000x128xf32>
    %convert_element_type3A = arith.truncf %mul3A_40 : vector<2000x128xf32> to vector<2000x128xbf16>
    %slice3A_41 = vector.extract_strided_slice %convert_element_type3A {offsets = [0, 0], sizes = [2000, 64], strides = [1, 1]} : vector<2000x128xbf16> to vector<2000x64xbf16>
    %swap3A_42 = arith.constant 0 : index
    %swap3A_43 = arith.constant 0 : index
    %swap3A_44 = arith.constant 0 : index
    %swap3A_45 = vector.load %arg6[%swap3A_42, %swap3A_43, %swap3A_44] : memref<2x2000x64xbf16, #tpu.memory_space<vmem>>, vector<1x2000x64xbf16>
    %swap3A_46 = vector.shape_cast %swap3A_45 : vector<1x2000x64xbf16> to vector<2000x64xbf16>
    %swap3A_47 = vector.shape_cast %slice3A_41 : vector<2000x64xbf16> to vector<1x2000x64xbf16>
    tpu.vector_store %arg6[%swap3A_42, %swap3A_43, %swap3A_44], %swap3A_47 {strides = array<i32>} : memref<2x2000x64xbf16, #tpu.memory_space<vmem>>, vector<1x2000x64xbf16>,
    %slice3A_48 = vector.extract_strided_slice %convert_element_type3A {offsets = [0, 64], sizes = [2000, 64], strides = [1, 1]} : vector<2000x128xbf16> to vector<2000x64xbf16>
    %swap3A_49 = arith.constant 1 : index
    %swap3A_50 = arith.constant 0 : index
    %swap3A_51 = arith.constant 0 : index
    %swap3A_52 = vector.load %arg6[%swap3A_49, %swap3A_50, %swap3A_51] : memref<2x2000x64xbf16, #tpu.memory_space<vmem>>, vector<1x2000x64xbf16>
    %swap3A_53 = vector.shape_cast %swap3A_52 : vector<1x2000x64xbf16> to vector<2000x64xbf16>
    %swap3A_54 = vector.shape_cast %slice3A_48 : vector<2000x64xbf16> to vector<1x2000x64xbf16>
    tpu.vector_store %arg6[%swap3A_49, %swap3A_50, %swap3A_51], %swap3A_54 {strides = array<i32>} : memref<2x2000x64xbf16, #tpu.memory_space<vmem>>, vector<1x2000x64xbf16>,
    return
  }
  func.func @transform_0(%arg0: i32) -> (i32, i32) {
    %c0_i32 = arith.constant 0 : i32
    %c0_i32_0 = arith.constant 0 : i32
    return %arg0, %c0_i32 : i32, i32
  }
  func.func @transform_1(%arg0: i32) -> (i32, i32) {
    %c0_i32 = arith.constant 0 : i32
    %c0_i32_0 = arith.constant 0 : i32
    %c0_i32_1 = arith.constant 0 : i32
    return %c0_i32, %c0_i32_0 : i32, i32
  }
  func.func @transform_2(%arg0: i32) -> (i32, i32) {
    %c0_i32 = arith.constant 0 : i32
    %c0_i32_0 = arith.constant 0 : i32
    %c0_i32_1 = arith.constant 0 : i32
    return %c0_i32, %c0_i32_0 : i32, i32
  }
  func.func @transform_3(%arg0: i32) -> (i32, i32) {
    %c0_i32 = arith.constant 0 : i32
    %c0_i32_0 = arith.constant 0 : i32
    %c0_i32_1 = arith.constant 0 : i32
    return %c0_i32, %c0_i32_0 : i32, i32
  }
  func.func @transform_4(%arg0: i32) -> (i32, i32, i32) {
    %c0_i32 = arith.constant 0 : i32
    %c0_i32_0 = arith.constant 0 : i32
    %c0_i32_1 = arith.constant 0 : i32
    return %c0_i32, %arg0, %c0_i32_0 : i32, i32, i32
  }
  func.func @transform_5(%arg0: i32) -> (i32, i32, i32) {
    %c0_i32 = arith.constant 0 : i32
    %c0_i32_0 = arith.constant 0 : i32
    %c0_i32_1 = arith.constant 0 : i32
    return %c0_i32, %arg0, %c0_i32_0 : i32, i32, i32
  }
}

module attributes {stable_mosaic.version = 14 : i64} {
  func.func @_k2_body(%arg0: i32, %arg1: memref<2x2000x64xf32, #tpu.memory_space<vmem>>, %arg2: memref<2x2000x64xf32, #tpu.memory_space<vmem>>, %arg3: memref<10240x2xf32, #tpu.memory_space<vmem>>, %arg4: memref<1x128xf32, #tpu.memory_space<vmem>>, %arg5: memref<128x128xf32, #tpu.memory_space<vmem>>, %arg6: memref<128x128xf32, #tpu.memory_space<vmem>>, %arg7: memref<2x2000x64xf32, #tpu.memory_space<vmem>>, %arg8: memref<2x2000x64xbf16, #tpu.memory_space<vmem>>) attributes {dimension_semantics = [#tpu.dimension_semantics<arbitrary>], iteration_bounds = array<i64: 5>, scalar_prefetch = 0 : i64, scratch_operands = 0 : i64, tpu.core_type = #tpu.core_type<tc>, window_params = [{transform_indices = @transform_0, window_bounds = array<i64: 2, 2000, 64>}, {transform_indices = @transform_1, window_bounds = array<i64: 2, 2000, 64>}, {pipeline_mode = #tpu.pipeline_mode<synchronous>, transform_indices = @transform_2, window_bounds = array<i64: 10240, 2>}, {pipeline_mode = #tpu.pipeline_mode<synchronous>, transform_indices = @transform_3, window_bounds = array<i64: 1, 128>}, {pipeline_mode = #tpu.pipeline_mode<synchronous>, transform_indices = @transform_4, window_bounds = array<i64: 128, 128>}, {pipeline_mode = #tpu.pipeline_mode<synchronous>, transform_indices = @transform_5, window_bounds = array<i64: 128, 128>}, {transform_indices = @transform_6, window_bounds = array<i64: 2, 2000, 64>}, {transform_indices = @transform_7, window_bounds = array<i64: 2, 2000, 64>}]} {
    %mul3A = arith.constant 2000 : i32
    %mul3A_0 = arith.muli %arg0, %mul3A : i32
    %get3A = arith.index_cast %mul3A_0 : i32 to index
    %get3A_1 = arith.constant 0 : index
    %get3A_2 = vector.load %arg3[%get3A, %get3A_1] : memref<10240x2xf32, #tpu.memory_space<vmem>>, vector<2000x1xf32>
    %get3A_3 = vector.shape_cast %get3A_2 : vector<2000x1xf32> to vector<2000xf32>
    %mul3A_4 = arith.constant 2000 : i32
    %mul3A_5 = arith.muli %arg0, %mul3A_4 : i32
    %get3A_6 = arith.index_cast %mul3A_5 : i32 to index
    %get3A_7 = arith.constant 1 : index
    %get3A_8 = vector.load %arg3[%get3A_6, %get3A_7] : memref<10240x2xf32, #tpu.memory_space<vmem>>, vector<2000x1xf32>
    %get3A_9 = vector.shape_cast %get3A_8 : vector<2000x1xf32> to vector<2000xf32>
    %add3A = arith.addf %get3A_3, %get3A_9 : vector<2000xf32>
    %add3A_10 = arith.constant 1.000000e+00 : f32
    %add3A_11 = vector.broadcast %add3A_10 : f32 to vector<2000xf32>
    %add3A_12 = arith.addf %add3A, %add3A_11 : vector<2000xf32>
    %rsqrt3A = math.rsqrt %add3A_12 : vector<2000xf32>
    %broadcast_in_dim3A = vector.shape_cast %rsqrt3A : vector<2000xf32> to vector<2000x1xf32>
    %get3A_13 = arith.constant 0 : index
    %get3A_14 = arith.constant 0 : index
    %get3A_15 = arith.constant 0 : index
    %get3A_16 = vector.load %arg1[%get3A_13, %get3A_14, %get3A_15] : memref<2x2000x64xf32, #tpu.memory_space<vmem>>, vector<1x2000x64xf32>
    %get3A_17 = vector.shape_cast %get3A_16 : vector<1x2000x64xf32> to vector<2000x64xf32>
    %get3A_18 = arith.constant 0 : index
    %get3A_19 = arith.constant 0 : index
    %get3A_20 = arith.constant 0 : index
    %get3A_21 = vector.load %arg2[%get3A_18, %get3A_19, %get3A_20] : memref<2x2000x64xf32, #tpu.memory_space<vmem>>, vector<1x2000x64xf32>
    %get3A_22 = vector.shape_cast %get3A_21 : vector<1x2000x64xf32> to vector<2000x64xf32>
    %add3A_23 = arith.addf %get3A_17, %get3A_22 : vector<2000x64xf32>
    %get3A_24 = arith.constant 1 : index
    %get3A_25 = arith.constant 0 : index
    %get3A_26 = arith.constant 0 : index
    %get3A_27 = vector.load %arg1[%get3A_24, %get3A_25, %get3A_26] : memref<2x2000x64xf32, #tpu.memory_space<vmem>>, vector<1x2000x64xf32>
    %get3A_28 = vector.shape_cast %get3A_27 : vector<1x2000x64xf32> to vector<2000x64xf32>
    %get3A_29 = arith.constant 1 : index
    %get3A_30 = arith.constant 0 : index
    %get3A_31 = arith.constant 0 : index
    %get3A_32 = vector.load %arg2[%get3A_29, %get3A_30, %get3A_31] : memref<2x2000x64xf32, #tpu.memory_space<vmem>>, vector<1x2000x64xf32>
    %get3A_33 = vector.shape_cast %get3A_32 : vector<1x2000x64xf32> to vector<2000x64xf32>
    %add3A_34 = arith.addf %get3A_28, %get3A_33 : vector<2000x64xf32>
    %concatenate3A = tpu.concatenate %add3A_23, %add3A_34 in 1 : vector<2000x64xf32>, vector<2000x64xf32> -> vector<2000x128xf32>
    %mul3A_35 = vector.broadcast %broadcast_in_dim3A : vector<2000x1xf32> to vector<2000x128xf32>
    %mul3A_36 = arith.mulf %concatenate3A, %mul3A_35 : vector<2000x128xf32>
    %get3A_37 = arith.constant 0 : index
    %get3A_38 = arith.constant 0 : index
    %get3A_39 = vector.load %arg4[%get3A_37, %get3A_38] : memref<1x128xf32, #tpu.memory_space<vmem>>, vector<1x128xf32>
    %add3A_40 = vector.broadcast %get3A_39 : vector<1x128xf32> to vector<2000x128xf32>
    %add3A_41 = arith.addf %mul3A_36, %add3A_40 : vector<2000x128xf32>
    %max3A = arith.constant 0.000000e+00 : f32
    %max3A_42 = vector.broadcast %max3A : f32 to vector<2000x128xf32>
    %max3A_43 = arith.maximumf %add3A_41, %max3A_42 : vector<2000x128xf32>
    %get3A_44 = arith.constant 0 : index
    %get3A_45 = arith.constant 0 : index
    %get3A_46 = vector.load %arg5[%get3A_44, %get3A_45] : memref<128x128xf32, #tpu.memory_space<vmem>>, vector<128x128xf32>
    %dot_general3A = arith.constant dense<0.000000e+00> : vector<2000x128xf32>
    %dot_general3A_47 = tpu.matmul %max3A_43, %get3A_46, %dot_general3A {dimension_numbers = #tpu.dot_dimension_numbers<[1], [0], [0], [1], [0, 0, 1, 1], [], []>, transpose_lhs_hint = false} : vector<2000x128xf32>, vector<128x128xf32>, vector<2000x128xf32> -> vector<2000x128xf32>
    %mul3A_48 = vector.broadcast %broadcast_in_dim3A : vector<2000x1xf32> to vector<2000x128xf32>
    %mul3A_49 = arith.mulf %dot_general3A_47, %mul3A_48 : vector<2000x128xf32>
    %slice3A = vector.extract_strided_slice %mul3A_49 {offsets = [0, 0], sizes = [2000, 64], strides = [1, 1]} : vector<2000x128xf32> to vector<2000x64xf32>
    %swap3A = arith.constant 0 : index
    %swap3A_50 = arith.constant 0 : index
    %swap3A_51 = arith.constant 0 : index
    %swap3A_52 = vector.load %arg7[%swap3A, %swap3A_50, %swap3A_51] : memref<2x2000x64xf32, #tpu.memory_space<vmem>>, vector<1x2000x64xf32>
    %swap3A_53 = vector.shape_cast %swap3A_52 : vector<1x2000x64xf32> to vector<2000x64xf32>
    %swap3A_54 = vector.shape_cast %slice3A : vector<2000x64xf32> to vector<1x2000x64xf32>
    tpu.vector_store %arg7[%swap3A, %swap3A_50, %swap3A_51], %swap3A_54 {strides = array<i32>} : memref<2x2000x64xf32, #tpu.memory_space<vmem>>, vector<1x2000x64xf32>,
    %slice3A_55 = vector.extract_strided_slice %mul3A_49 {offsets = [0, 64], sizes = [2000, 64], strides = [1, 1]} : vector<2000x128xf32> to vector<2000x64xf32>
    %swap3A_56 = arith.constant 1 : index
    %swap3A_57 = arith.constant 0 : index
    %swap3A_58 = arith.constant 0 : index
    %swap3A_59 = vector.load %arg7[%swap3A_56, %swap3A_57, %swap3A_58] : memref<2x2000x64xf32, #tpu.memory_space<vmem>>, vector<1x2000x64xf32>
    %swap3A_60 = vector.shape_cast %swap3A_59 : vector<1x2000x64xf32> to vector<2000x64xf32>
    %swap3A_61 = vector.shape_cast %slice3A_55 : vector<2000x64xf32> to vector<1x2000x64xf32>
    tpu.vector_store %arg7[%swap3A_56, %swap3A_57, %swap3A_58], %swap3A_61 {strides = array<i32>} : memref<2x2000x64xf32, #tpu.memory_space<vmem>>, vector<1x2000x64xf32>,
    %get3A_62 = arith.constant 0 : index
    %get3A_63 = arith.constant 0 : index
    %get3A_64 = vector.load %arg6[%get3A_62, %get3A_63] : memref<128x128xf32, #tpu.memory_space<vmem>>, vector<128x128xf32>
    %dot_general3A_65 = arith.constant dense<0.000000e+00> : vector<2000x128xf32>
    %dot_general3A_66 = tpu.matmul %max3A_43, %get3A_64, %dot_general3A_65 {dimension_numbers = #tpu.dot_dimension_numbers<[1], [0], [0], [1], [0, 0, 1, 1], [], []>, transpose_lhs_hint = false} : vector<2000x128xf32>, vector<128x128xf32>, vector<2000x128xf32> -> vector<2000x128xf32>
    %mul3A_67 = vector.broadcast %broadcast_in_dim3A : vector<2000x1xf32> to vector<2000x128xf32>
    %mul3A_68 = arith.mulf %dot_general3A_66, %mul3A_67 : vector<2000x128xf32>
    %convert_element_type3A = arith.truncf %mul3A_68 : vector<2000x128xf32> to vector<2000x128xbf16>
    %slice3A_69 = vector.extract_strided_slice %convert_element_type3A {offsets = [0, 0], sizes = [2000, 64], strides = [1, 1]} : vector<2000x128xbf16> to vector<2000x64xbf16>
    %swap3A_70 = arith.constant 0 : index
    %swap3A_71 = arith.constant 0 : index
    %swap3A_72 = arith.constant 0 : index
    %swap3A_73 = vector.load %arg8[%swap3A_70, %swap3A_71, %swap3A_72] : memref<2x2000x64xbf16, #tpu.memory_space<vmem>>, vector<1x2000x64xbf16>
    %swap3A_74 = vector.shape_cast %swap3A_73 : vector<1x2000x64xbf16> to vector<2000x64xbf16>
    %swap3A_75 = vector.shape_cast %slice3A_69 : vector<2000x64xbf16> to vector<1x2000x64xbf16>
    tpu.vector_store %arg8[%swap3A_70, %swap3A_71, %swap3A_72], %swap3A_75 {strides = array<i32>} : memref<2x2000x64xbf16, #tpu.memory_space<vmem>>, vector<1x2000x64xbf16>,
    %slice3A_76 = vector.extract_strided_slice %convert_element_type3A {offsets = [0, 64], sizes = [2000, 64], strides = [1, 1]} : vector<2000x128xbf16> to vector<2000x64xbf16>
    %swap3A_77 = arith.constant 1 : index
    %swap3A_78 = arith.constant 0 : index
    %swap3A_79 = arith.constant 0 : index
    %swap3A_80 = vector.load %arg8[%swap3A_77, %swap3A_78, %swap3A_79] : memref<2x2000x64xbf16, #tpu.memory_space<vmem>>, vector<1x2000x64xbf16>
    %swap3A_81 = vector.shape_cast %swap3A_80 : vector<1x2000x64xbf16> to vector<2000x64xbf16>
    %swap3A_82 = vector.shape_cast %slice3A_76 : vector<2000x64xbf16> to vector<1x2000x64xbf16>
    tpu.vector_store %arg8[%swap3A_77, %swap3A_78, %swap3A_79], %swap3A_82 {strides = array<i32>} : memref<2x2000x64xbf16, #tpu.memory_space<vmem>>, vector<1x2000x64xbf16>,
    return
  }
  func.func @transform_0(%arg0: i32) -> (i32, i32, i32) {
    %c0_i32 = arith.constant 0 : i32
    %c0_i32_0 = arith.constant 0 : i32
    %c0_i32_1 = arith.constant 0 : i32
    return %c0_i32, %arg0, %c0_i32_0 : i32, i32, i32
  }
  func.func @transform_1(%arg0: i32) -> (i32, i32, i32) {
    %c0_i32 = arith.constant 0 : i32
    %c0_i32_0 = arith.constant 0 : i32
    %c0_i32_1 = arith.constant 0 : i32
    return %c0_i32, %arg0, %c0_i32_0 : i32, i32, i32
  }
  func.func @transform_2(%arg0: i32) -> (i32, i32) {
    %c0_i32 = arith.constant 0 : i32
    %c0_i32_0 = arith.constant 0 : i32
    %c0_i32_1 = arith.constant 0 : i32
    return %c0_i32, %c0_i32_0 : i32, i32
  }
  func.func @transform_3(%arg0: i32) -> (i32, i32) {
    %c0_i32 = arith.constant 0 : i32
    %c0_i32_0 = arith.constant 0 : i32
    %c0_i32_1 = arith.constant 0 : i32
    return %c0_i32, %c0_i32_0 : i32, i32
  }
  func.func @transform_4(%arg0: i32) -> (i32, i32) {
    %c0_i32 = arith.constant 0 : i32
    %c0_i32_0 = arith.constant 0 : i32
    %c0_i32_1 = arith.constant 0 : i32
    return %c0_i32, %c0_i32_0 : i32, i32
  }
  func.func @transform_5(%arg0: i32) -> (i32, i32) {
    %c0_i32 = arith.constant 0 : i32
    %c0_i32_0 = arith.constant 0 : i32
    %c0_i32_1 = arith.constant 0 : i32
    return %c0_i32, %c0_i32_0 : i32, i32
  }
  func.func @transform_6(%arg0: i32) -> (i32, i32, i32) {
    %c0_i32 = arith.constant 0 : i32
    %c0_i32_0 = arith.constant 0 : i32
    %c0_i32_1 = arith.constant 0 : i32
    return %c0_i32, %arg0, %c0_i32_0 : i32, i32, i32
  }
  func.func @transform_7(%arg0: i32) -> (i32, i32, i32) {
    %c0_i32 = arith.constant 0 : i32
    %c0_i32_0 = arith.constant 0 : i32
    %c0_i32_1 = arith.constant 0 : i32
    return %c0_i32, %arg0, %c0_i32_0 : i32, i32, i32
  }
}

module attributes {stable_mosaic.version = 14 : i64} {
  func.func @_k3_body(%arg0: i32, %arg1: memref<2x2000x64xf32, #tpu.memory_space<vmem>>, %arg2: memref<2x2000x64xf32, #tpu.memory_space<vmem>>, %arg3: memref<10240x2xf32, #tpu.memory_space<vmem>>, %arg4: memref<1x128xf32, #tpu.memory_space<vmem>>, %arg5: memref<2000x128xf32, #tpu.memory_space<vmem>>) attributes {dimension_semantics = [#tpu.dimension_semantics<arbitrary>], iteration_bounds = array<i64: 5>, scalar_prefetch = 0 : i64, scratch_operands = 0 : i64, tpu.core_type = #tpu.core_type<tc>, window_params = [{transform_indices = @transform_0, window_bounds = array<i64: 2, 2000, 64>}, {transform_indices = @transform_1, window_bounds = array<i64: 2, 2000, 64>}, {pipeline_mode = #tpu.pipeline_mode<synchronous>, transform_indices = @transform_2, window_bounds = array<i64: 10240, 2>}, {pipeline_mode = #tpu.pipeline_mode<synchronous>, transform_indices = @transform_3, window_bounds = array<i64: 1, 128>}, {transform_indices = @transform_4, window_bounds = array<i64: 2000, 128>}]} {
    %mul3A = arith.constant 2000 : i32
    %mul3A_0 = arith.muli %arg0, %mul3A : i32
    %get3A = arith.index_cast %mul3A_0 : i32 to index
    %get3A_1 = arith.constant 0 : index
    %get3A_2 = vector.load %arg3[%get3A, %get3A_1] : memref<10240x2xf32, #tpu.memory_space<vmem>>, vector<2000x1xf32>
    %get3A_3 = vector.shape_cast %get3A_2 : vector<2000x1xf32> to vector<2000xf32>
    %mul3A_4 = arith.constant 2000 : i32
    %mul3A_5 = arith.muli %arg0, %mul3A_4 : i32
    %get3A_6 = arith.index_cast %mul3A_5 : i32 to index
    %get3A_7 = arith.constant 1 : index
    %get3A_8 = vector.load %arg3[%get3A_6, %get3A_7] : memref<10240x2xf32, #tpu.memory_space<vmem>>, vector<2000x1xf32>
    %get3A_9 = vector.shape_cast %get3A_8 : vector<2000x1xf32> to vector<2000xf32>
    %add3A = arith.addf %get3A_3, %get3A_9 : vector<2000xf32>
    %add3A_10 = arith.constant 1.000000e+00 : f32
    %add3A_11 = vector.broadcast %add3A_10 : f32 to vector<2000xf32>
    %add3A_12 = arith.addf %add3A, %add3A_11 : vector<2000xf32>
    %rsqrt3A = math.rsqrt %add3A_12 : vector<2000xf32>
    %broadcast_in_dim3A = vector.shape_cast %rsqrt3A : vector<2000xf32> to vector<2000x1xf32>
    %get3A_13 = arith.constant 0 : index
    %get3A_14 = arith.constant 0 : index
    %get3A_15 = arith.constant 0 : index
    %get3A_16 = vector.load %arg1[%get3A_13, %get3A_14, %get3A_15] : memref<2x2000x64xf32, #tpu.memory_space<vmem>>, vector<1x2000x64xf32>
    %get3A_17 = vector.shape_cast %get3A_16 : vector<1x2000x64xf32> to vector<2000x64xf32>
    %get3A_18 = arith.constant 0 : index
    %get3A_19 = arith.constant 0 : index
    %get3A_20 = arith.constant 0 : index
    %get3A_21 = vector.load %arg2[%get3A_18, %get3A_19, %get3A_20] : memref<2x2000x64xf32, #tpu.memory_space<vmem>>, vector<1x2000x64xf32>
    %get3A_22 = vector.shape_cast %get3A_21 : vector<1x2000x64xf32> to vector<2000x64xf32>
    %add3A_23 = arith.addf %get3A_17, %get3A_22 : vector<2000x64xf32>
    %get3A_24 = arith.constant 1 : index
    %get3A_25 = arith.constant 0 : index
    %get3A_26 = arith.constant 0 : index
    %get3A_27 = vector.load %arg1[%get3A_24, %get3A_25, %get3A_26] : memref<2x2000x64xf32, #tpu.memory_space<vmem>>, vector<1x2000x64xf32>
    %get3A_28 = vector.shape_cast %get3A_27 : vector<1x2000x64xf32> to vector<2000x64xf32>
    %get3A_29 = arith.constant 1 : index
    %get3A_30 = arith.constant 0 : index
    %get3A_31 = arith.constant 0 : index
    %get3A_32 = vector.load %arg2[%get3A_29, %get3A_30, %get3A_31] : memref<2x2000x64xf32, #tpu.memory_space<vmem>>, vector<1x2000x64xf32>
    %get3A_33 = vector.shape_cast %get3A_32 : vector<1x2000x64xf32> to vector<2000x64xf32>
    %add3A_34 = arith.addf %get3A_28, %get3A_33 : vector<2000x64xf32>
    %concatenate3A = tpu.concatenate %add3A_23, %add3A_34 in 1 : vector<2000x64xf32>, vector<2000x64xf32> -> vector<2000x128xf32>
    %mul3A_35 = vector.broadcast %broadcast_in_dim3A : vector<2000x1xf32> to vector<2000x128xf32>
    %mul3A_36 = arith.mulf %concatenate3A, %mul3A_35 : vector<2000x128xf32>
    %get3A_37 = arith.constant 0 : index
    %get3A_38 = arith.constant 0 : index
    %get3A_39 = vector.load %arg4[%get3A_37, %get3A_38] : memref<1x128xf32, #tpu.memory_space<vmem>>, vector<1x128xf32>
    %add3A_40 = vector.broadcast %get3A_39 : vector<1x128xf32> to vector<2000x128xf32>
    %add3A_41 = arith.addf %mul3A_36, %add3A_40 : vector<2000x128xf32>
    %max3A = arith.constant 0.000000e+00 : f32
    %max3A_42 = vector.broadcast %max3A : f32 to vector<2000x128xf32>
    %max3A_43 = arith.maximumf %add3A_41, %max3A_42 : vector<2000x128xf32>
    %swap3A = arith.constant 0 : index
    %swap3A_44 = arith.constant 0 : index
    %swap3A_45 = vector.load %arg5[%swap3A, %swap3A_44] : memref<2000x128xf32, #tpu.memory_space<vmem>>, vector<2000x128xf32>
    tpu.vector_store %arg5[%swap3A, %swap3A_44], %max3A_43 {strides = array<i32>} : memref<2000x128xf32, #tpu.memory_space<vmem>>, vector<2000x128xf32>,
    return
  }
  func.func @transform_0(%arg0: i32) -> (i32, i32, i32) {
    %c0_i32 = arith.constant 0 : i32
    %c0_i32_0 = arith.constant 0 : i32
    %c0_i32_1 = arith.constant 0 : i32
    return %c0_i32, %arg0, %c0_i32_0 : i32, i32, i32
  }
  func.func @transform_1(%arg0: i32) -> (i32, i32, i32) {
    %c0_i32 = arith.constant 0 : i32
    %c0_i32_0 = arith.constant 0 : i32
    %c0_i32_1 = arith.constant 0 : i32
    return %c0_i32, %arg0, %c0_i32_0 : i32, i32, i32
  }
  func.func @transform_2(%arg0: i32) -> (i32, i32) {
    %c0_i32 = arith.constant 0 : i32
    %c0_i32_0 = arith.constant 0 : i32
    %c0_i32_1 = arith.constant 0 : i32
    return %c0_i32, %c0_i32_0 : i32, i32
  }
  func.func @transform_3(%arg0: i32) -> (i32, i32) {
    %c0_i32 = arith.constant 0 : i32
    %c0_i32_0 = arith.constant 0 : i32
    %c0_i32_1 = arith.constant 0 : i32
    return %c0_i32, %c0_i32_0 : i32, i32
  }
  func.func @transform_4(%arg0: i32) -> (i32, i32) {
    %c0_i32 = arith.constant 0 : i32
    %c0_i32_0 = arith.constant 0 : i32
    return %arg0, %c0_i32 : i32, i32
  }
}

</mosaic_0001>

<sc_bundles>
// kernel: kernel.11.cloned.1.call-start
scs
__scs_entry_jumppad:
0x0: {  	(pc) =	sbr.rel $0x88, $3  }
0x1: {  	(tag) =	ssettag $0x0;
	lr =	simm.s32 $0x1  }
0x2: {  	[smem:$0x3F9B] =	sst lr;
	_ =	strace $0xD0000000  }
0x3: {  	_ = 	snop  }
0x4: {  	_ = 	snop  }
0x5: {  	_ = 	snop  }
0x6: {  	_ = 	snop  }
0x7: {  	_ = 	snop  }
__scs_overlays_trampoline_lowered:
0x8: {  	[smem:$0x3FAA] =	sst s0  }
0x9: {  	[smem:$0x3FAB] =	sst s1  }
0xa: {  	[smem:$0x3FAC] =	sst s2  }
0xb: {  	[smem:$0x3FAD] =	sst s3  }
0xc: {  	[smem:$0x3FAE] =	sst s4  }
0xd: {  	[smem:$0x3FAF] =	sst s5  }
0xe: {  	[smem:$0x3FB0] =	sst s6  }
0xf: {  	[smem:$0x3FB1] =	sst s7  }
0x10: {  	[smem:$0x3FB2] =	sst s8  }
0x11: {  	[smem:$0x3FB3] =	sst s9;
	s0 =	simm.s32 @!p0 $0x0  }
0x12: {  	s1 =	sld [smem:$0x3F99];
	s0 =	simm.s32 @p0 $0x1  }
0x13: {  	[smem:$0x3FB4] =	sst s0;
	s0 =	simm.s32 @!p1 $0x0  }
0x14: {  	s2 =	sld [smem:$0x3F98];
	s0 =	simm.s32 @p1 $0x1  }
0x15: {  	[smem:$0x3FB5] =	sst s0;
	s0 =	simm.s32 @!p2 $0x0  }
0x16: {  	s3 =	sld [smem:$0x3FDB];
	s0 =	simm.s32 @p2 $0x1  }
0x17: {  	s4 =	simm.s32 $0x1BF5;
	[smem:$0x3FB7] =	sst s0  }
0x18: {  	s0 =	sld [smem:$0x3F9A];
	_ =	swait.ge [sflag:s4], $0x0  }
0x19: {  	s7 =	sld [smem:$0x3F9B]  }
0x1a: {  	s8 =	sadd.s32 $0xFFFFE003, lr  }
0x1b: {  	s9 =	sadd.s32 $0xFFFFFEF7, lr;
	s5 =	simm.s32 $0xFFFFFFFF;
	p2 =	slt.u32 s8, $0xFFFFF086  }
0x1c: {  	p1 =	slt.u32 s9, $0xF7A;
	s5 =	simm.s32 @!p2 $0x0  }
0x1d: {  	s5 =	simm.s32 @p1 $0x1;
	p0 =	seq.s32 s7, s2  }
0x1e: {  	s7 =	smul.u32 @!p0 $0xF7A, s2;
	p2 =	seq.s32 @!p0 s5, $0x0  }
0x1f: {  	s9 =	smul.u32 $0xF7A, s1;
	s8 =	simm.s32 @!p0 $0x1BF5;
	p2 =	por !p2, p0  }
0x20: {  	[sflag:s8] =	ssyncset.s32 @!p0 $0xFFFFF086;
	s6 =	sadd.s32 @!p0 s3, s7;
	s7 =	simm.s32 @!p0 $0x108  }
0x21: {  	s3 =	sadd.s32 s3, s9;
	s6 =	sadd.s32 @!p0 $0x88, s6;
	s7 =	simm.s32 @p2 $0x1082  }
0x22: {  	[simem:s7], [sflag:s8] =	dma.local @!p0 [hbm:s6], $0xF7A  }
0x23: {  	s9 =	sor.u32 $0xD0000000, s2;
	s6 =	simm.s32 $0x108;
	_ =	swait.ge @!p0 [sflag:s8], $0x0  }
0x24: {  	s3 =	sadd.s32 $0x88, s3;
	s6 =	simm.s32 @!p1 $0x1082;
	[sflag:s4] =	ssyncset.s32 $0xFFFFF086  }
0x25: {  	[simem:s6], [sflag:s4] =	dma.local [hbm:s3], $0xF7A  }
0x26: {  	[smem:$0x3F9B] =	sst s1;
	(tag) =	ssettag s2;
	_ =	strace s9  }
0x27: {  	s1 =	sld [smem:$0x3FAB]  }
0x28: {  	s2 =	sld [smem:$0x3FAC]  }
0x29: {  	s4 =	sld [smem:$0x3FAE]  }
0x2a: {  	p0 =	seq.s32 s5, $0x0;
	s5 =	sld [smem:$0x3FAF]  }
0x2b: {  	s6 =	sld [smem:$0x3FB0]  }
0x2c: {  	s7 =	sld [smem:$0x3FB1]  }
0x2d: {  	s3 =	simm.s32 $0x108;
	s8 =	sld [smem:$0x3FB2]  }
0x2e: {  	s3 =	simm.s32 @!p0 $0x1082;
	s9 =	sld [smem:$0x3FB3]  }
0x2f: {  	lr =	sadd.s32 s0, s3;
	s0 =	sld [smem:$0x3FAA]  }
0x30: {  	s3 =	sld [smem:$0x3FAD]  }
0x31: {  	[smem:$0x3FB6] =	sst s10  }
0x32: {  	s10 =	sld [smem:$0x3FB4];
	_ =	sdelay $0x3  }
0x33: {  	p0 =	seq.s32 s10, $0x1;
	s10 =	sld [smem:$0x3FB6];
	_ =	sdelay $0x3  }
0x34: {  	[smem:$0x3FB6] =	sst s10  }
0x35: {  	s10 =	sld [smem:$0x3FB5];
	_ =	sdelay $0x3  }
0x36: {  	p1 =	seq.s32 s10, $0x1;
	s10 =	sld [smem:$0x3FB6];
	_ =	sdelay $0x3  }
0x37: {  	[smem:$0x3FB6] =	sst s10  }
0x38: {  	s10 =	sld [smem:$0x3FB7]  }
0x39: {  	_ = 	snop;
	(pc) =	sbr.ind lr, $3  }
0x3a: {  	_ = 	snop  }
0x3b: {  	_ = 	snop  }
0x3c: {  	p2 =	seq.s32 s10, $0x1;
	s10 =	sld [smem:$0x3FB6]  }
0x3d: {  	_ =	shalt  }
0x3e: {  	_ =	shalt  }
0x3f: {  	_ =	shalt  }
0x40: {  	_ =	shalt  }
0x41: {  	_ =	shalt  }
0x42: {  	_ =	shalt  }
0x43: {  	_ =	shalt  }
0x44: {  	_ =	shalt  }
0x45: {  	_ =	shalt  }
0x46: {  	_ =	shalt  }
0x47: {  	_ =	shalt  }
0x48: {  	_ =	shalt  }
0x49: {  	_ =	shalt  }
0x4a: {  	_ =	shalt  }
0x4b: {  	_ =	shalt  }
0x4c: {  	_ =	shalt  }
0x4d: {  	_ =	shalt  }
0x4e: {  	_ =	shalt  }
0x4f: {  	_ =	shalt  }
0x50: {  	_ =	shalt  }
0x51: {  	_ =	shalt  }
0x52: {  	_ =	shalt  }
0x53: {  	_ =	shalt  }
0x54: {  	_ =	shalt  }
0x55: {  	_ =	shalt  }
0x56: {  	_ =	shalt  }
0x57: {  	_ =	shalt  }
0x58: {  	_ =	shalt  }
0x59: {  	_ =	shalt  }
0x5a: {  	_ =	shalt  }
0x5b: {  	_ =	shalt  }
0x5c: {  	_ =	shalt  }
0x5d: {  	_ =	shalt  }
0x5e: {  	_ =	shalt  }
0x5f: {  	_ =	shalt  }
0x60: {  	_ =	shalt  }
0x61: {  	_ =	shalt  }
0x62: {  	_ =	shalt  }
0x63: {  	_ =	shalt  }
0x64: {  	_ =	shalt  }
0x65: {  	_ =	shalt  }
0x66: {  	_ =	shalt  }
0x67: {  	_ =	shalt  }
0x68: {  	_ =	shalt  }
0x69: {  	_ =	shalt  }
0x6a: {  	_ =	shalt  }
0x6b: {  	_ =	shalt  }
0x6c: {  	_ =	shalt  }
0x6d: {  	_ =	shalt  }
0x6e: {  	_ =	shalt  }
0x6f: {  	_ =	shalt  }
0x70: {  	_ =	shalt  }
0x71: {  	_ =	shalt  }
0x72: {  	_ =	shalt  }
0x73: {  	_ =	shalt  }
0x74: {  	_ =	shalt  }
0x75: {  	_ =	shalt  }
0x76: {  	_ =	shalt  }
0x77: {  	_ =	shalt  }
0x78: {  	_ =	shalt  }
0x79: {  	_ =	shalt  }
0x7a: {  	_ =	shalt  }
0x7b: {  	_ =	shalt  }
0x7c: {  	_ =	shalt  }
0x7d: {  	_ =	shalt  }
0x7e: {  	_ =	shalt  }
0x7f: {  	_ =	shalt  }
0x80: {  	_ =	shalt  }
0x81: {  	_ =	shalt  }
0x82: {  	_ =	shalt  }
0x83: {  	_ =	shalt  }
0x84: {  	_ =	shalt  }
0x85: {  	_ =	shalt  }
0x86: {  	_ =	shalt  }
0x87: {  	_ =	shalt  }
.Lfunc_end0:
.L_simem_size_0:
called_computation.1_lowered:
.L_overlay_start_0:
0x88: {  	s2 =	sld [smem:$0x3FD9]  }
0x89: {  	s3 =	sld [smem:$0x3FFE];
	_ =	sdelay $0x1  }
0x8a: {  	s1 =	srdreg.scid  }
0x8b: {  	s0 =	sand.u32 $0x1, s1  }
0x8c: {  	s17 =	sshll.u32 s0, $0xA;
	s2 =	sadd.s32 s3, s2  }
0x8d: {  	s2 =	sadd.s32 s2, s17  }
0x8e: {  	[smem:$0x3FC2] =	sst s2  }
0x8f: {  	_ = 	snop  }
0x90: {  	s2 =	sld [smem:$0x3FD0];
	(tm) =	ssettm $0x1  }
0x91: {  	s18 =	sld [smem:$0x3FFB];
	_ =	sdelay $0x3  }
0x92: {  	_ =	strace s18  }
0x93: {  	s3 =	sld [smem:$0x3FFC];
	_ =	sdelay $0x3  }
0x94: {  	_ =	strace s3  }
0x95: {  	s3 =	sld [smem:$0x3FFD];
	_ =	sdelay $0x3  }
0x96: {  	_ =	strace s3  }
0x97: {  	_ =	strace $0x8FFFFFFF  }
0x98: {  	s19 =	sld [smem:$0x3FDB];
	_ =	sdelay $0x1  }
0x99: {  	s4 =	simm.s32 $_scs_section_size  }
0x9a: {  	s5 =	simm.s32 $_size__tile_overlayer_lowered;
	s6 =	simm.s32 $_tile_overlayer_lowered  }
0x9b: {  	s22 =	simm.s32 $0x1BFF;
	s21 =	sshll.u32 s6, $0x1;
	s3 =	sadd.s32 s4, s19  }
0x9c: {  	s7 =	simm.s32 $0x0;
	s20 =	sshll.u32 s5, $0x1;
	s5 =	sadd.s32 s21, s3  }
0x9d: {  	[timem:s7], [sflag:s22] =	dma.local [hbm:s5], s20  }
0x9e: {  	_ =	swait.ge [sflag:s22], s20  }
0x9f: {  	s4 =	ssub.s32 $0x0, s20;
	[sflag:s22] =	ssyncset.done $0x0  }
0xa0: {  	[sflag:s22] =	ssyncadd.s32 s4;
	_ =	sdelay $0x1  }
0xa1: {  	s23 =	simm.s32 $0x1B8B  }
0xa2: {  	_ =	swait.ge [sflag:s23], $0x1  }
0xa3: {  	[sflag:s23] =	ssyncset.done $0x0  }
0xa4: {  	s25 =	simm.s32 $0x1B8E;
	s24 =	sld [smem:$0x3FFE];
	[sflag:s23] =	ssyncadd.s32 $0xFFFFFFFF  }
0xa5: {  	s26 =	simm.s32 $execute0_lowered;
	[smem:$0x3FD2] =	sst s25  }
0xa6: {  	s5 =	sshll.u32 s26, $0x1;
	_ =	strace $0x80000049;
	[dreg:$0x1] =	wrdreg $0xFFFFFFFF  }
0xa7: {  	s28 =	simm.s32 $_size_execute0_lowered;
	s3 =	sadd.s32 s3, s5;
	[dreg:$0x0] =	wrdreg $0x0  }
0xa8: {  	s5 =	sshll.u32 s28, $0x1;
	[dreg:$0x2] =	wrdreg s3  }
0xa9: {  	[dreg:$0x3] =	wrdreg s5  }
0xaa: {  	[dreg:$0x4] =	wrdreg $0xC0  }
0xab: {  	_ =	task [dreg:s7], $0x5FFFF  }
0xac: {  	[dreg:$0x1] =	wrdreg $0xFFFFFFFF  }
0xad: {  	[dreg:$0x0] =	wrdreg $0x60  }
0xae: {  	[dreg:$0x2] =	wrdreg s2  }
0xaf: {  	[dreg:$0x3] =	wrdreg s24  }
0xb0: {  	[dreg:$0x4] =	wrdreg $0x120000  }
0xb1: {  	[dreg:$0x5] =	wrdreg $0x9  }
0xb2: {  	_ =	task.clear_ibuf [dreg:s7], $0x6FFFF;
	_ =	strace $0x90000049  }
0xb3: {  	s29 =	simm.s32 $0x9;
	_ =	strace $0x8000004B  }
0xb4: {  	_ =	swait.ge [sflag:s29], $0x1  }
0xb5: {  	[sflag:s29] =	ssyncadd.s32 $0xFFFFFFFF  }
0xb6: {  	_ =	strace $0x9000004B  }
0xb7: {  	_ =	sfence  }
0xb8: {  	s30 =	sld [smem:$0x0];
	_ =	sdelay $0x2  }
0xb9: {  	s31 =	sshll.u32 s1, $0xD;
	s1 =	sshrl.u32 s1, $0x2  }
0xba: {  	s3 =	sand.u32 $0x4000, s31;
	s1 =	sadd.s32 s1, s30  }
0xbb: {  	s0 =	sor.u32 s3, s0;
	s1 =	sshll.u32 s1, $0x11  }
0xbc: {  	s0 =	sor.u32 s1, s0  }
0xbd: {  	s0 =	sadd.s32 $0x8F2B, s0  }
0xbe: {  	[sflag:s0] =	ssyncadd.remote.s32 $0x1  }
0xbf: {  	_ =	sfence.sel $0xFFFF  }
0xc0: {  	[dreg:$0x0] =	wrdreg $0xFFFFFFFF;
	(pc) =	sbr.abs _section_cstart, $3  }
0xc1: {  	[dreg:$0x1] =	wrdreg $0xFFFFFFFF  }
0xc2: {  	_ =	task.clear_ibuf [dreg:s7], $0x2FFFF;
	_ =	strace $0x9FFFFFFF  }
0xc3: {  	(tm) =	ssettm $0x7FFFFFFF  }
tec
execute0_lowered:
.L_overlay_start_1:
0x0: {  	(tag) =	ssettag $0x1  }
0x1: {  	s1 =	rddreg [dreg:$0x0]  }
0x2: {  	s2 =	rddreg [dreg:$0x1];
	s0 =	stileid.u32  }
0x3: {  	s4 =	srdreg.scid;
	s3 =	rddreg [dreg:$0x2];
	s14 =	simm.s32 $0x5000  }
0x4: {  	s15 =	simm.s32 $0x10000;
	s16 =	simm.s32 $0x1;
	s17 =	simm.s32 $0x2  }
0x5: {  	s18 =	simm.s32 $0x3;
	s19 =	simm.s32 $0x80;
	s20 =	simm.s32 $0xA000  }
0x6: {  	s21 =	simm.s32 $0xB000;
	s22 =	simm.s32 $0xC000;
	s7 =	smul.u32 $0xA000, s0  }
0x7: {  	s25 =	simm.s32 $0xE000;
	s28 =	simm.s32 $0x4;
	s6 =	smul.u32 $0xA00, s0  }
0x8: {  	s12 =	sand.u32 $0x1, s4;
	s4 =	simm.s32 $0x0;
	s8 =	smul.u32 $0x28000, s0  }
0x9: {  	s31 =	simm.s32 $0x5;
	s5 =	smul.u32 $0xA0000, s12;
	[smem:$0x7FF] =	sst s4  }
0xa: {  	s9 =	ssub.s32 $0x2, s12;
	s23 =	smul.u32 $0x2800, s12;
	_ =	strace $0x8000004A  }
0xb: {  	s6 =	sadd.s32 s6, s2;
	s30 =	sshrl.u32 s9, $0x1;
	s8 =	sshrl.u32 s8, $0x2  }
0xc: {  	s5 =	sadd.s32 s7, s5;
	s13 =	ssub.s32 s9, s30;
	s11 =	sadd.s32 s8, s3  }
0xd: {  	s7 =	sadd.s32 s7, s3;
	s5 =	sshrl.u32 s5, $0x3;
	s8 =	sadd.s32 $0x2000, s11  }
0xe: {  	s9 =	sadd.s32 $0x4000, s11;
	s10 =	sadd.s32 $0x6000, s11;
	s11 =	sadd.s32 $0x8000, s11  }
0xf: {  	s13 =	smax.u32 s13, $0x1;
	s2 =	sadd.s32 s5, s2;
	s5 =	sadd.s32 $0xD400, s6  }
0x10: {  	v1 =	vimm.f32 $0.0e+00;
	v0 =	vmov s23;
	s6 =	sadd.s32 $0x2A00, s6;
	s12 =	sadd.s32 $0x65600, s2;
	s2 =	simm.s32 $0x0  }
.LBB2_1:
0x11: {  	[tilespmem:s4], [sflag:$0x1] =	stream.linear.gather [hbm4b:s5+s4], $0x5000, $0x38;
	[tilespmem:$0x1C000] =	vst v63  }
0x12: {  	s24 =	simm.s32 $0x100;
	s23 =	simm.s32 $0x0  }
0x13: {  	[tilespmem:s14], [sflag:$0x2] =	stream.linear.gather [hbm4b:s6+s4], $0x5000, $0x38;
	[tilespmem:$0x1C000] =	vst v63  }
.LBB2_2:
0x14: {  	p0 =	sne.s32 s24, $0x7F00;
	[tilespmem:s23+$0x10030] =	vst v1;
	s26 =	smov.u32 s24;
	s24 =	sadd.s32 $0x100, s24  }
.Ltmp0:
0x15: {  	[tilespmem:s23+$0x10020] =	vst v1;
	(pc) =	sbr.rel @p0 .LBB2_2-.Ltmp0, $3  }
0x16: {  	[tilespmem:s23+$0x10000] =	vst v1  }
0x17: {  	[tilespmem:s23+$0x10010] =	vst v1;
	_ =	sdelay $0x1  }
0x18: {  	s23 =	sshra.s32 s26, $0x2  }
0x19: {  	[tilespmem:s23+$0x10030] =	vst v1  }
0x1a: {  	[tilespmem:s23+$0x10020] =	vst v1  }
0x1b: {  	[tilespmem:s23+$0x10000] =	vst v1  }
0x1c: {  	[tilespmem:s23+$0x10010] =	vst v1  }
0x1d: {  	[spmem:s7] =	stream.linear.scatter [tilespmem:s15], [sflag:$0x3], $0x2000, $0x38;
	[tilespmem:$0x1C000] =	vst v63  }
0x1e: {  	_ = 	snop  }
0x1f: {  	[spmem:s8] =	stream.linear.scatter [tilespmem:s15], [sflag:$0x3], $0x2000, $0x38;
	[tilespmem:$0x1C000] =	vst v63  }
0x20: {  	_ = 	snop  }
0x21: {  	[spmem:s9] =	stream.linear.scatter [tilespmem:s15], [sflag:$0x3], $0x2000, $0x38;
	[tilespmem:$0x1C000] =	vst v63  }
0x22: {  	_ = 	snop  }
0x23: {  	[spmem:s10] =	stream.linear.scatter [tilespmem:s15], [sflag:$0x3], $0x2000, $0x38;
	[tilespmem:$0x1C000] =	vst v63  }
0x24: {  	_ = 	snop  }
0x25: {  	[spmem:s11] =	stream.linear.scatter [tilespmem:s15], [sflag:$0x3], $0x2000, $0x38;
	[tilespmem:$0x1C000] =	vst v63  }
0x26: {  	_ =	swait.ge [sflag:s16], $0x5000  }
0x27: {  	[sflag:s16] =	ssyncset.done $0x0  }
0x28: {  	s23 =	simm.s32 $0x0;
	[sflag:s16] =	ssyncadd.s32 $0xFFFFB000  }
0x29: {  	v4 =	vld [tilespmem:s23+$0x0]  }
0x2a: {  	v6 =	vld [tilespmem:s23+$0x10]  }
0x2b: {  	v5 =	vld [tilespmem:s23+$0x20]  }
0x2c: {  	v3 =	vld [tilespmem:s23+$0x30]  }
0x2d: {  	v2 =	vld [tilespmem:s23+$0x40]  }
0x2e: {  	v7 =	vadd.s32 v0, v4;
	v4 =	vld [tilespmem:s23+$0x50]  }
0x2f: {  	s24 =	simm.s32 $0x200;
	[tilespmem:s23+$0x0] =	vst v7;
	v7 =	vadd.s32 v0, v6;
	v6 =	vld [tilespmem:s23+$0x60]  }
.LBB2_4:
0x30: {  	s26 =	sshra.s32 s24, $0x2;
	p0 =	sne.s32 s24, $0x13E00;
	[tilespmem:s23+$0x10] =	vst v7;
	v5 =	vadd.s32 v0, v5;
	v7 =	vld [tilespmem:s23+$0x70]  }
0x31: {  	v8 =	vld [tilespmem:s26+$0x0];
	[tilespmem:s23+$0x20] =	vst v5;
	v3 =	vadd.s32 v0, v3  }
0x32: {  	v9 =	vld [tilespmem:s26+$0x10];
	[tilespmem:s23+$0x30] =	vst v3;
	v2 =	vadd.s32 v0, v2  }
.Ltmp1:
0x33: {  	v5 =	vld [tilespmem:s26+$0x20];
	[tilespmem:s23+$0x40] =	vst v2;
	v2 =	vadd.s32 v0, v4;
	(pc) =	sbr.rel @p0 .LBB2_4-.Ltmp1, $4  }
0x34: {  	v3 =	vld [tilespmem:s26+$0x30];
	[tilespmem:s23+$0x50] =	vst v2;
	v4 =	vadd.s32 v0, v6  }
0x35: {  	v2 =	vld [tilespmem:s26+$0x40];
	[tilespmem:s23+$0x60] =	vst v4;
	v6 =	vadd.s32 v0, v7  }
0x36: {  	v7 =	vadd.s32 v0, v8;
	v4 =	vld [tilespmem:s26+$0x50];
	[tilespmem:s23+$0x70] =	vst v6;
	s23 =	smov.u32 s26  }
0x37: {  	s24 =	sadd.s32 $0x200, s24;
	[tilespmem:s23+$0x0] =	vst v7;
	v7 =	vadd.s32 v0, v9;
	v6 =	vld [tilespmem:s23+$0x60]  }
0x38: {  	[tilespmem:s23+$0x10] =	vst v7;
	v5 =	vadd.s32 v0, v5;
	v63 =	vld [tilespmem:s23+$0x70]  }
0x39: {  	[tilespmem:s23+$0x20] =	vst v5;
	v3 =	vadd.s32 v0, v3  }
0x3a: {  	[tilespmem:s23+$0x30] =	vst v3;
	v2 =	vadd.s32 v0, v2  }
0x3b: {  	[tilespmem:s23+$0x40] =	vst v2;
	v2 =	vadd.s32 v0, v4  }
0x3c: {  	[tilespmem:s23+$0x50] =	vst v2;
	v2 =	vadd.s32 v0, v6  }
0x3d: {  	[tilespmem:s23+$0x60] =	vst v2;
	v2 =	vadd.s32 v0, v63  }
0x3e: {  	[tilespmem:s23+$0x70] =	vst v2  }
0x3f: {  	_ =	swait.ge [sflag:s17], $0x5000  }
0x40: {  	[sflag:s17] =	ssyncset.done $0x0  }
0x41: {  	[sflag:s17] =	ssyncadd.s32 $0xFFFFB000  }
0x42: {  	_ =	swait.ge [sflag:s18], $0x2000  }
0x43: {  	[sflag:s18] =	ssyncset.done $0x0  }
0x44: {  	[sflag:s18] =	ssyncadd.s32 $0xFFFFE000  }
0x45: {  	_ =	swait.ge [sflag:s18], $0x2000  }
0x46: {  	[sflag:s18] =	ssyncset.done $0x0  }
0x47: {  	[sflag:s18] =	ssyncadd.s32 $0xFFFFE000  }
0x48: {  	_ =	swait.ge [sflag:s18], $0x2000  }
0x49: {  	[sflag:s18] =	ssyncset.done $0x0  }
0x4a: {  	[sflag:s18] =	ssyncadd.s32 $0xFFFFE000  }
0x4b: {  	_ =	swait.ge [sflag:s18], $0x2000  }
0x4c: {  	[sflag:s18] =	ssyncset.done $0x0  }
0x4d: {  	[sflag:s18] =	ssyncadd.s32 $0xFFFFE000  }
0x4e: {  	_ =	swait.ge [sflag:s18], $0x2000  }
0x4f: {  	[sflag:s18] =	ssyncset.done $0x0  }
0x50: {  	s30 =	simm.s32 $0x0;
	[sflag:s18] =	ssyncadd.s32 $0xFFFFE000  }
0x51: {  	[tilespmem:s20], [sflag:$0x1] =	stream.indirect.gather [hbm4b:s1+s19], $0x20, s30, s19, $0xb8;
	[tilespmem:$0x1C000] =	vst v63  }
0x52: {  	_ = 	snop  }
0x53: {  	[tilespmem:s21], [sflag:$0x2] =	stream.indirect.gather [hbm4b:s1+s19], $0x20, s19, s19, $0xb8;
	[tilespmem:$0x1C000] =	vst v63  }
0x54: {  	[bflag:$0x0] =	sbarrier.arrive $0xFFFF  }
0x55: {  	_ =	swait.ge [sflag:s16], $0x1000  }
0x56: {  	[sflag:s16] =	ssyncset.done $0x0  }
0x57: {  	s24 =	simm.s32 $0x0;
	[sflag:s16] =	ssyncadd.s32 $0xFFFFF000  }
0x58: {  	v2 =	vld [tilespmem:s24+$0xA000];
	_ =	sdelay $0x4  }
0x59: {  	s23 =	simm.s32 $0xC020;
	v3 =	vunpack.i.l.bf16.f32 v2  }
0x5a: {  	v2 =	vunpack.i.u.bf16.f32 v2;
	[tilespmem:s23+$0xFFFFFFE0] =	vst v3  }
0x5b: {  	[tilespmem:s23+$0xFFFFFFF0] =	vst v2  }
0x5c: {  	s26 =	simm.s32 $0x80;
	v2 =	vld [tilespmem:s24+$0xA010];
	s24 =	simm.s32 $0xC020  }
.LBB2_6:
0x5d: {  	_ =	sdelay $0x2  }
0x5e: {  	p0 =	sne.s32 s26, $0x3F80  }
0x5f: {  	s23 =	sadd.s32 $0x40, s23;
	s29 =	smov.u32 s26;
	s26 =	sadd.s32 $0x80, s26;
	v3 =	vunpack.i.u.bf16.f32 v2;
	v2 =	vunpack.i.l.bf16.f32 v2  }
0x60: {  	[tilespmem:s24+$0x0] =	vst v2  }
0x61: {  	s29 =	sshra.s32 s29, $0x2;
	[tilespmem:s24+$0x10] =	vst v3;
	s24 =	smov.u32 s23  }
0x62: {  	v2 =	vld [tilespmem:s29+$0xA000];
	_ =	sdelay $0x3  }
.Ltmp2:
0x63: {  	(pc) =	sbr.rel @p0 .LBB2_6-.Ltmp2, $4  }
0x64: {  	v3 =	vunpack.i.u.bf16.f32 v2;
	v2 =	vunpack.i.l.bf16.f32 v2  }
0x65: {  	[tilespmem:s23+$0xFFFFFFE0] =	vst v2  }
0x66: {  	[tilespmem:s23+$0xFFFFFFF0] =	vst v3  }
0x67: {  	v2 =	vld [tilespmem:s29+$0xA010]  }
0x68: {  	_ =	sdelay $0x3  }
0x69: {  	v3 =	vunpack.i.l.bf16.f32 v2  }
0x6a: {  	v2 =	vunpack.i.u.bf16.f32 v2;
	[tilespmem:s24+$0x0] =	vst v3  }
0x6b: {  	[tilespmem:s24+$0x10] =	vst v2  }
0x6c: {  	[spmem:s3] =	stream.indirect.scatter.add.f32 [tilespmem:s22], [sflag:$0x3], $0x40, s14, s19, $0xb8;
	[tilespmem:$0x1C000] =	vst v63  }
0x6d: {  	s0 =	simm.s32 $0x100  }
0x6e: {  	[tilespmem:s20], [sflag:$0x1] =	stream.indirect.gather [hbm4b:s1+s19], $0x20, s0, s19, $0xb8;
	[tilespmem:$0x1C000] =	vst v63  }
0x6f: {  	_ =	swait.ge [sflag:s17], $0x1000  }
0x70: {  	[sflag:s17] =	ssyncset.done $0x0  }
0x71: {  	s30 =	simm.s32 $0x0;
	[sflag:s17] =	ssyncadd.s32 $0xFFFFF000  }
0x72: {  	v2 =	vld [tilespmem:s30+$0xB000];
	_ =	sdelay $0x4  }
0x73: {  	s23 =	simm.s32 $0xE030;
	v3 =	vunpack.i.l.bf16.f32 v2  }
0x74: {  	v2 =	vunpack.i.u.bf16.f32 v2;
	[tilespmem:s23+$0xFFFFFFD0] =	vst v3  }
0x75: {  	[tilespmem:s23+$0xFFFFFFE0] =	vst v2  }
0x76: {  	s26 =	simm.s32 $0x80;
	s24 =	simm.s32 $0xE030;
	v2 =	vld [tilespmem:s30+$0xB010]  }
.LBB2_8:
0x77: {  	_ =	sdelay $0x2  }
0x78: {  	p0 =	sne.s32 s26, $0x3F80  }
0x79: {  	s23 =	sadd.s32 $0x40, s23;
	s29 =	smov.u32 s26;
	s26 =	sadd.s32 $0x80, s26;
	v3 =	vunpack.i.u.bf16.f32 v2;
	v2 =	vunpack.i.l.bf16.f32 v2  }
0x7a: {  	[tilespmem:s24+$0xFFFFFFF0] =	vst v2  }
0x7b: {  	s29 =	sshra.s32 s29, $0x2;
	[tilespmem:s24+$0x0] =	vst v3;
	s24 =	smov.u32 s23  }
0x7c: {  	v2 =	vld [tilespmem:s29+$0xB000];
	_ =	sdelay $0x3  }
.Ltmp3:
0x7d: {  	(pc) =	sbr.rel @p0 .LBB2_8-.Ltmp3, $4  }
0x7e: {  	v3 =	vunpack.i.u.bf16.f32 v2;
	v2 =	vunpack.i.l.bf16.f32 v2  }
0x7f: {  	[tilespmem:s23+$0xFFFFFFD0] =	vst v2  }
0x80: {  	[tilespmem:s23+$0xFFFFFFE0] =	vst v3  }
0x81: {  	v2 =	vld [tilespmem:s29+$0xB010]  }
0x82: {  	_ =	sdelay $0x3  }
0x83: {  	v3 =	vunpack.i.l.bf16.f32 v2  }
0x84: {  	v2 =	vunpack.i.u.bf16.f32 v2;
	[tilespmem:s24+$0xFFFFFFF0] =	vst v3  }
0x85: {  	s0 =	simm.s32 $0x5080;
	[tilespmem:s24+$0x0] =	vst v2  }
0x86: {  	[spmem:s3] =	stream.indirect.scatter.add.f32 [tilespmem:s25], [sflag:$0x4], $0x40, s0, s19, $0xb8;
	[tilespmem:$0x1C000] =	vst v63  }
0x87: {  	s30 =	simm.s32 $0x180;
	s23 =	simm.s32 $0x1  }
0x88: {  	[tilespmem:s21], [sflag:$0x2] =	stream.indirect.gather [hbm4b:s1+s19], $0x20, s30, s19, $0xb8;
	[tilespmem:$0x1C000] =	vst v63  }
.LBB2_10:
0x89: {  	_ =	swait.ge [sflag:s18], $0x2000  }
0x8a: {  	[sflag:s18] =	ssyncset.done $0x0  }
0x8b: {  	[sflag:s18] =	ssyncadd.s32 $0xFFFFE000  }
0x8c: {  	_ =	swait.ge [sflag:s16], $0x1000  }
0x8d: {  	[sflag:s16] =	ssyncset.done $0x0  }
0x8e: {  	s26 =	simm.s32 $0x0;
	[sflag:s16] =	ssyncadd.s32 $0xFFFFF000  }
0x8f: {  	v2 =	vld [tilespmem:s26+$0xA000];
	_ =	sdelay $0x4  }
0x90: {  	s24 =	simm.s32 $0xC020;
	v3 =	vunpack.i.l.bf16.f32 v2  }
0x91: {  	v2 =	vunpack.i.u.bf16.f32 v2;
	[tilespmem:s24+$0xFFFFFFE0] =	vst v3  }
0x92: {  	[tilespmem:s24+$0xFFFFFFF0] =	vst v2  }
0x93: {  	s29 =	simm.s32 $0x80;
	v2 =	vld [tilespmem:s26+$0xA010];
	s26 =	simm.s32 $0xC020  }
.LBB2_11:
0x94: {  	_ =	sdelay $0x2  }
0x95: {  	p0 =	sne.s32 s29, $0x3F80  }
0x96: {  	s24 =	sadd.s32 $0x40, s24;
	s30 =	smov.u32 s29;
	s29 =	sadd.s32 $0x80, s29;
	v3 =	vunpack.i.u.bf16.f32 v2;
	v2 =	vunpack.i.l.bf16.f32 v2  }
0x97: {  	[tilespmem:s26+$0x0] =	vst v2  }
0x98: {  	s30 =	sshra.s32 s30, $0x2;
	[tilespmem:s26+$0x10] =	vst v3;
	s26 =	smov.u32 s24  }
0x99: {  	v2 =	vld [tilespmem:s30+$0xA000];
	_ =	sdelay $0x3  }
.Ltmp4:
0x9a: {  	(pc) =	sbr.rel @p0 .LBB2_11-.Ltmp4, $4  }
0x9b: {  	v3 =	vunpack.i.u.bf16.f32 v2;
	v2 =	vunpack.i.l.bf16.f32 v2  }
0x9c: {  	[tilespmem:s24+$0xFFFFFFE0] =	vst v2  }
0x9d: {  	[tilespmem:s24+$0xFFFFFFF0] =	vst v3  }
0x9e: {  	v2 =	vld [tilespmem:s30+$0xA010]  }
0x9f: {  	_ =	sdelay $0x3  }
0xa0: {  	s24 =	sshll.u32 s23, $0x8;
	v3 =	vunpack.i.l.bf16.f32 v2  }
0xa1: {  	s24 =	sand.u32 $0x3FFFFF00, s24;
	v2 =	vunpack.i.u.bf16.f32 v2;
	[tilespmem:s26+$0x0] =	vst v3  }
0xa2: {  	s0 =	sadd.s32 $0x5000, s24;
	[tilespmem:s26+$0x10] =	vst v2  }
0xa3: {  	[spmem:s3] =	stream.indirect.scatter.add.f32 [tilespmem:s22], [sflag:$0x3], $0x40, s0, s19, $0xb8;
	[tilespmem:$0x1C000] =	vst v63  }
0xa4: {  	s0 =	sadd.s32 $0x100, s24  }
0xa5: {  	[tilespmem:s20], [sflag:$0x1] =	stream.indirect.gather [hbm4b:s1+s19], $0x20, s0, s19, $0xb8;
	[tilespmem:$0x1C000] =	vst v63  }
0xa6: {  	_ =	swait.ge [sflag:s28], $0x2000  }
0xa7: {  	[sflag:s28] =	ssyncset.done $0x0  }
0xa8: {  	[sflag:s28] =	ssyncadd.s32 $0xFFFFE000  }
0xa9: {  	_ =	swait.ge [sflag:s17], $0x1000  }
0xaa: {  	[sflag:s17] =	ssyncset.done $0x0  }
0xab: {  	s29 =	simm.s32 $0x0;
	[sflag:s17] =	ssyncadd.s32 $0xFFFFF000  }
0xac: {  	v2 =	vld [tilespmem:s29+$0xB000];
	_ =	sdelay $0x4  }
0xad: {  	s26 =	simm.s32 $0xE030;
	v3 =	vunpack.i.l.bf16.f32 v2  }
0xae: {  	v2 =	vunpack.i.u.bf16.f32 v2;
	[tilespmem:s26+$0xFFFFFFD0] =	vst v3  }
0xaf: {  	[tilespmem:s26+$0xFFFFFFE0] =	vst v2  }
0xb0: {  	s30 =	simm.s32 $0x80;
	v2 =	vld [tilespmem:s29+$0xB010];
	s29 =	simm.s32 $0xE030  }
.LBB2_13:
0xb1: {  	_ =	sdelay $0x2  }
0xb2: {  	p0 =	sne.s32 s30, $0x3F80  }
0xb3: {  	s26 =	sadd.s32 $0x40, s26;
	s0 =	smov.u32 s30;
	s30 =	sadd.s32 $0x80, s30;
	v3 =	vunpack.i.u.bf16.f32 v2;
	v2 =	vunpack.i.l.bf16.f32 v2  }
0xb4: {  	[tilespmem:s29+$0xFFFFFFF0] =	vst v2  }
0xb5: {  	s0 =	sshra.s32 s0, $0x2;
	[tilespmem:s29+$0x0] =	vst v3;
	s29 =	smov.u32 s26  }
0xb6: {  	v2 =	vld [tilespmem:s0+$0xB000];
	_ =	sdelay $0x3  }
.Ltmp5:
0xb7: {  	(pc) =	sbr.rel @p0 .LBB2_13-.Ltmp5, $4  }
0xb8: {  	v3 =	vunpack.i.u.bf16.f32 v2;
	v2 =	vunpack.i.l.bf16.f32 v2  }
0xb9: {  	[tilespmem:s26+$0xFFFFFFD0] =	vst v2  }
0xba: {  	[tilespmem:s26+$0xFFFFFFE0] =	vst v3  }
0xbb: {  	v2 =	vld [tilespmem:s0+$0xB010]  }
0xbc: {  	_ =	sdelay $0x2  }
0xbd: {  	s23 =	sadd.s32 $0x1, s23  }
0xbe: {  	p0 =	sne.s32 s23, $0x4F;
	v3 =	vunpack.i.l.bf16.f32 v2  }
.Ltmp6:
0xbf: {  	v2 =	vunpack.i.u.bf16.f32 v2;
	[tilespmem:s29+$0xFFFFFFF0] =	vst v3;
	(pc) =	sbr.rel @p0 .LBB2_10-.Ltmp6, $4  }
0xc0: {  	s0 =	sadd.s32 $0x5080, s24;
	[tilespmem:s29+$0x0] =	vst v2  }
0xc1: {  	[spmem:s3] =	stream.indirect.scatter.add.f32 [tilespmem:s25], [sflag:$0x4], $0x40, s0, s19, $0xb8;
	[tilespmem:$0x1C000] =	vst v63  }
0xc2: {  	s30 =	sadd.s32 $0x180, s24  }
0xc3: {  	[tilespmem:s21], [sflag:$0x2] =	stream.indirect.gather [hbm4b:s1+s19], $0x20, s30, s19, $0xb8;
	[tilespmem:$0x1C000] =	vst v63  }
0xc4: {  	_ =	swait.ge [sflag:s18], $0x2000  }
0xc5: {  	[sflag:s18] =	ssyncset.done $0x0  }
0xc6: {  	[sflag:s18] =	ssyncadd.s32 $0xFFFFE000  }
0xc7: {  	_ =	swait.ge [sflag:s16], $0x1000  }
0xc8: {  	[sflag:s16] =	ssyncset.done $0x0  }
0xc9: {  	s0 =	simm.s32 $0x0;
	[sflag:s16] =	ssyncadd.s32 $0xFFFFF000  }
0xca: {  	v2 =	vld [tilespmem:s0+$0xA000];
	_ =	sdelay $0x4  }
0xcb: {  	s23 =	simm.s32 $0xC020;
	v3 =	vunpack.i.l.bf16.f32 v2  }
0xcc: {  	v2 =	vunpack.i.u.bf16.f32 v2;
	[tilespmem:s23+$0xFFFFFFE0] =	vst v3  }
0xcd: {  	[tilespmem:s23+$0xFFFFFFF0] =	vst v2  }
0xce: {  	s26 =	simm.s32 $0x80;
	s24 =	simm.s32 $0xC020;
	v2 =	vld [tilespmem:s0+$0xA010]  }
.LBB2_16:
0xcf: {  	_ =	sdelay $0x2  }
0xd0: {  	p0 =	sne.s32 s26, $0x3F80  }
0xd1: {  	s23 =	sadd.s32 $0x40, s23;
	s0 =	smov.u32 s26;
	s26 =	sadd.s32 $0x80, s26;
	v3 =	vunpack.i.u.bf16.f32 v2;
	v2 =	vunpack.i.l.bf16.f32 v2  }
0xd2: {  	[tilespmem:s24+$0x0] =	vst v2  }
0xd3: {  	s0 =	sshra.s32 s0, $0x2;
	[tilespmem:s24+$0x10] =	vst v3;
	s24 =	smov.u32 s23  }
0xd4: {  	v2 =	vld [tilespmem:s0+$0xA000];
	_ =	sdelay $0x3  }
.Ltmp7:
0xd5: {  	(pc) =	sbr.rel @p0 .LBB2_16-.Ltmp7, $4  }
0xd6: {  	v3 =	vunpack.i.u.bf16.f32 v2;
	v2 =	vunpack.i.l.bf16.f32 v2  }
0xd7: {  	[tilespmem:s23+$0xFFFFFFE0] =	vst v2  }
0xd8: {  	[tilespmem:s23+$0xFFFFFFF0] =	vst v3  }
0xd9: {  	v2 =	vld [tilespmem:s0+$0xA010]  }
0xda: {  	_ =	sdelay $0x3  }
0xdb: {  	v3 =	vunpack.i.l.bf16.f32 v2  }
0xdc: {  	v2 =	vunpack.i.u.bf16.f32 v2;
	[tilespmem:s24+$0x0] =	vst v3  }
0xdd: {  	s0 =	simm.s32 $0x9F00;
	[tilespmem:s24+$0x10] =	vst v2  }
0xde: {  	[spmem:s3] =	stream.indirect.scatter.add.f32 [tilespmem:s22], [sflag:$0x3], $0x40, s0, s19, $0xb8;
	[tilespmem:$0x1C000] =	vst v63  }
0xdf: {  	_ =	swait.ge [sflag:s28], $0x2000  }
0xe0: {  	[sflag:s28] =	ssyncset.done $0x0  }
0xe1: {  	[sflag:s28] =	ssyncadd.s32 $0xFFFFE000  }
0xe2: {  	_ =	swait.ge [sflag:s17], $0x1000  }
0xe3: {  	[sflag:s17] =	ssyncset.done $0x0  }
0xe4: {  	s30 =	simm.s32 $0x0;
	[sflag:s17] =	ssyncadd.s32 $0xFFFFF000  }
0xe5: {  	v2 =	vld [tilespmem:s30+$0xB000];
	_ =	sdelay $0x4  }
0xe6: {  	s23 =	simm.s32 $0xE030;
	v3 =	vunpack.i.l.bf16.f32 v2  }
0xe7: {  	v2 =	vunpack.i.u.bf16.f32 v2;
	[tilespmem:s23+$0xFFFFFFD0] =	vst v3  }
0xe8: {  	[tilespmem:s23+$0xFFFFFFE0] =	vst v2  }
0xe9: {  	s26 =	simm.s32 $0x80;
	s24 =	simm.s32 $0xE030;
	v2 =	vld [tilespmem:s30+$0xB010]  }
.LBB2_18:
0xea: {  	_ =	sdelay $0x2  }
0xeb: {  	p0 =	sne.s32 s26, $0x3F80  }
0xec: {  	s23 =	sadd.s32 $0x40, s23;
	s0 =	smov.u32 s26;
	s26 =	sadd.s32 $0x80, s26;
	v3 =	vunpack.i.u.bf16.f32 v2;
	v2 =	vunpack.i.l.bf16.f32 v2  }
0xed: {  	[tilespmem:s24+$0xFFFFFFF0] =	vst v2  }
0xee: {  	s0 =	sshra.s32 s0, $0x2;
	[tilespmem:s24+$0x0] =	vst v3;
	s24 =	smov.u32 s23  }
0xef: {  	v2 =	vld [tilespmem:s0+$0xB000];
	_ =	sdelay $0x3  }
.Ltmp8:
0xf0: {  	(pc) =	sbr.rel @p0 .LBB2_18-.Ltmp8, $4  }
0xf1: {  	v3 =	vunpack.i.u.bf16.f32 v2;
	v2 =	vunpack.i.l.bf16.f32 v2  }
0xf2: {  	[tilespmem:s23+$0xFFFFFFD0] =	vst v2  }
0xf3: {  	[tilespmem:s23+$0xFFFFFFE0] =	vst v3  }
0xf4: {  	v2 =	vld [tilespmem:s0+$0xB010]  }
0xf5: {  	_ =	sdelay $0x3  }
0xf6: {  	v3 =	vunpack.i.l.bf16.f32 v2  }
0xf7: {  	v2 =	vunpack.i.u.bf16.f32 v2;
	[tilespmem:s24+$0xFFFFFFF0] =	vst v3  }
0xf8: {  	s0 =	simm.s32 $0x9F80;
	[tilespmem:s24+$0x0] =	vst v2  }
0xf9: {  	[spmem:s3] =	stream.indirect.scatter.add.f32 [tilespmem:s25], [sflag:$0x4], $0x40, s0, s19, $0xb8;
	[tilespmem:$0x1C000] =	vst v63  }
0xfa: {  	_ =	swait.ge [sflag:s18], $0x2000  }
0xfb: {  	[sflag:s18] =	ssyncset.done $0x0  }
0xfc: {  	[sflag:s18] =	ssyncadd.s32 $0xFFFFE000  }
0xfd: {  	s30 =	stileid.u32;
	_ =	swait.ge [sflag:s28], $0x2000  }
0xfe: {  	s23 =	sshrl.u32 s7, $0x3;
	s2 =	sadd.s32 $0x1, s2;
	[sflag:s28] =	ssyncset.done $0x0  }
0xff: {  	p0 =	sne.s32 s2, s13;
	s0 =	sshll.u32 s30, $0x6;
	[sflag:s28] =	ssyncadd.s32 $0xFFFFE000  }
.Ltmp9:
0x100: {  	s0 =	sor.u32 $0x1C05, s0;
	[bflag:$0x0] =	sbarrier.arrive $0xFFFF;
	(pc) =	sbr.rel @p0 .LBB2_1-.Ltmp9, $4  }
0x101: {  	[hbm:s12], [sflag:s0] =	dma.local [spmem:s23], $0x1400  }
0x102: {  	_ =	swait.ge [sflag:s31], $0x1400  }
0x103: {  	[sflag:s31] =	ssyncset.done $0x0  }
0x104: {  	[sflag:s31] =	ssyncadd.s32 $0xFFFFEC00  }
0x105: {  	_ =	sfence.sel $0x180000  }
0x106: {  	[bflag:$0x0] =	sbarrier.arrive $0xFFFF  }
0x107: {  	_ =	strace $0x9000004A  }
0x108: {  	s0 =	stileid.u32;
	[bflag:$0x2] =	sbarrier.arrive $0xFFFF  }
0x109: {  	p0 =	sne.s32 s0, $0x0;
	s0 =	rddreg [dreg:$0x3]  }
0x10a: {  	s0 =	sadd.s32 @!p0 $0x100000, s0  }
0x10b: {  	[sflag:s0] =	ssyncadd.tile.s32 @!p0 $0x1;
	_ =	shalt  }
.Lfunc_end2:
_tile_overlayer_lowered:
.L_overlay_start_2:
0x10c: {  	(tag) =	ssettag $0x2  }
0x10d: {  	s0 =	rddreg [dreg:$0x0];
	s2 =	stileid.u32  }
0x10e: {  	s1 =	rddreg [dreg:$0x1];
	p0 =	sne.s32 s2, $0x0  }
0x10f: {  	s3 =	rddreg [dreg:$0x2];
	[bflag:$0x3] =	sbarrier.arrive $0xFFFF;
	s2 =	simm.s32 @!p0 $0x1C05  }
0x110: {  	[timem:s3], [sflag:s2] =	dma.local @!p0 [hbm:s0], s1  }
0x111: {  	s0 =	simm.s32 @!p0 $0x5  }
0x112: {  	_ =	swait.ge @!p0 [sflag:s0], s1  }
0x113: {  	s1 =	ssub.s32 @!p0 $0x0, s1;
	[sflag:s0] =	ssyncset.done @!p0 $0x0  }
0x114: {  	[sflag:s0] =	ssyncadd.s32 @!p0 s1  }
0x115: {  	[bflag:$0x3] =	sbarrier.arrive $0xFFFF  }
0x116: {  	_ =	shalt  }

// kernel: kernel.14.cloned.1.call-start
scs
__scs_entry_jumppad:
0x0: {  	(pc) =	sbr.rel $0x88, $3  }
0x1: {  	(tag) =	ssettag $0x0;
	lr =	simm.s32 $0x1  }
0x2: {  	[smem:$0x3F9B] =	sst lr;
	_ =	strace $0xD0000000  }
0x3: {  	_ = 	snop  }
0x4: {  	_ = 	snop  }
0x5: {  	_ = 	snop  }
0x6: {  	_ = 	snop  }
0x7: {  	_ = 	snop  }
__scs_overlays_trampoline_lowered:
0x8: {  	[smem:$0x3FAA] =	sst s0  }
0x9: {  	[smem:$0x3FAB] =	sst s1  }
0xa: {  	[smem:$0x3FAC] =	sst s2  }
0xb: {  	[smem:$0x3FAD] =	sst s3  }
0xc: {  	[smem:$0x3FAE] =	sst s4  }
0xd: {  	[smem:$0x3FAF] =	sst s5  }
0xe: {  	[smem:$0x3FB0] =	sst s6  }
0xf: {  	[smem:$0x3FB1] =	sst s7  }
0x10: {  	[smem:$0x3FB2] =	sst s8  }
0x11: {  	[smem:$0x3FB3] =	sst s9;
	s0 =	simm.s32 @!p0 $0x0  }
0x12: {  	s1 =	sld [smem:$0x3F99];
	s0 =	simm.s32 @p0 $0x1  }
0x13: {  	[smem:$0x3FB4] =	sst s0;
	s0 =	simm.s32 @!p1 $0x0  }
0x14: {  	s2 =	sld [smem:$0x3F98];
	s0 =	simm.s32 @p1 $0x1  }
0x15: {  	[smem:$0x3FB5] =	sst s0;
	s0 =	simm.s32 @!p2 $0x0  }
0x16: {  	s3 =	sld [smem:$0x3FDB];
	s0 =	simm.s32 @p2 $0x1  }
0x17: {  	s4 =	simm.s32 $0x1BF5;
	[smem:$0x3FB7] =	sst s0  }
0x18: {  	s0 =	sld [smem:$0x3F9A];
	_ =	swait.ge [sflag:s4], $0x0  }
0x19: {  	s7 =	sld [smem:$0x3F9B]  }
0x1a: {  	s8 =	sadd.s32 $0xFFFFE003, lr  }
0x1b: {  	s9 =	sadd.s32 $0xFFFFFEF7, lr;
	s5 =	simm.s32 $0xFFFFFFFF;
	p2 =	slt.u32 s8, $0xFFFFF086  }
0x1c: {  	p1 =	slt.u32 s9, $0xF7A;
	s5 =	simm.s32 @!p2 $0x0  }
0x1d: {  	s5 =	simm.s32 @p1 $0x1;
	p0 =	seq.s32 s7, s2  }
0x1e: {  	s7 =	smul.u32 @!p0 $0xF7A, s2;
	p2 =	seq.s32 @!p0 s5, $0x0  }
0x1f: {  	s9 =	smul.u32 $0xF7A, s1;
	s8 =	simm.s32 @!p0 $0x1BF5;
	p2 =	por !p2, p0  }
0x20: {  	[sflag:s8] =	ssyncset.s32 @!p0 $0xFFFFF086;
	s6 =	sadd.s32 @!p0 s3, s7;
	s7 =	simm.s32 @!p0 $0x108  }
0x21: {  	s3 =	sadd.s32 s3, s9;
	s6 =	sadd.s32 @!p0 $0x88, s6;
	s7 =	simm.s32 @p2 $0x1082  }
0x22: {  	[simem:s7], [sflag:s8] =	dma.local @!p0 [hbm:s6], $0xF7A  }
0x23: {  	s9 =	sor.u32 $0xD0000000, s2;
	s6 =	simm.s32 $0x108;
	_ =	swait.ge @!p0 [sflag:s8], $0x0  }
0x24: {  	s3 =	sadd.s32 $0x88, s3;
	s6 =	simm.s32 @!p1 $0x1082;
	[sflag:s4] =	ssyncset.s32 $0xFFFFF086  }
0x25: {  	[simem:s6], [sflag:s4] =	dma.local [hbm:s3], $0xF7A  }
0x26: {  	[smem:$0x3F9B] =	sst s1;
	(tag) =	ssettag s2;
	_ =	strace s9  }
0x27: {  	s1 =	sld [smem:$0x3FAB]  }
0x28: {  	s2 =	sld [smem:$0x3FAC]  }
0x29: {  	s4 =	sld [smem:$0x3FAE]  }
0x2a: {  	p0 =	seq.s32 s5, $0x0;
	s5 =	sld [smem:$0x3FAF]  }
0x2b: {  	s6 =	sld [smem:$0x3FB0]  }
0x2c: {  	s7 =	sld [smem:$0x3FB1]  }
0x2d: {  	s3 =	simm.s32 $0x108;
	s8 =	sld [smem:$0x3FB2]  }
0x2e: {  	s3 =	simm.s32 @!p0 $0x1082;
	s9 =	sld [smem:$0x3FB3]  }
0x2f: {  	lr =	sadd.s32 s0, s3;
	s0 =	sld [smem:$0x3FAA]  }
0x30: {  	s3 =	sld [smem:$0x3FAD]  }
0x31: {  	[smem:$0x3FB6] =	sst s10  }
0x32: {  	s10 =	sld [smem:$0x3FB4];
	_ =	sdelay $0x3  }
0x33: {  	p0 =	seq.s32 s10, $0x1;
	s10 =	sld [smem:$0x3FB6];
	_ =	sdelay $0x3  }
0x34: {  	[smem:$0x3FB6] =	sst s10  }
0x35: {  	s10 =	sld [smem:$0x3FB5];
	_ =	sdelay $0x3  }
0x36: {  	p1 =	seq.s32 s10, $0x1;
	s10 =	sld [smem:$0x3FB6];
	_ =	sdelay $0x3  }
0x37: {  	[smem:$0x3FB6] =	sst s10  }
0x38: {  	s10 =	sld [smem:$0x3FB7]  }
0x39: {  	_ = 	snop;
	(pc) =	sbr.ind lr, $3  }
0x3a: {  	_ = 	snop  }
0x3b: {  	_ = 	snop  }
0x3c: {  	p2 =	seq.s32 s10, $0x1;
	s10 =	sld [smem:$0x3FB6]  }
0x3d: {  	_ =	shalt  }
0x3e: {  	_ =	shalt  }
0x3f: {  	_ =	shalt  }
0x40: {  	_ =	shalt  }
0x41: {  	_ =	shalt  }
0x42: {  	_ =	shalt  }
0x43: {  	_ =	shalt  }
0x44: {  	_ =	shalt  }
0x45: {  	_ =	shalt  }
0x46: {  	_ =	shalt  }
0x47: {  	_ =	shalt  }
0x48: {  	_ =	shalt  }
0x49: {  	_ =	shalt  }
0x4a: {  	_ =	shalt  }
0x4b: {  	_ =	shalt  }
0x4c: {  	_ =	shalt  }
0x4d: {  	_ =	shalt  }
0x4e: {  	_ =	shalt  }
0x4f: {  	_ =	shalt  }
0x50: {  	_ =	shalt  }
0x51: {  	_ =	shalt  }
0x52: {  	_ =	shalt  }
0x53: {  	_ =	shalt  }
0x54: {  	_ =	shalt  }
0x55: {  	_ =	shalt  }
0x56: {  	_ =	shalt  }
0x57: {  	_ =	shalt  }
0x58: {  	_ =	shalt  }
0x59: {  	_ =	shalt  }
0x5a: {  	_ =	shalt  }
0x5b: {  	_ =	shalt  }
0x5c: {  	_ =	shalt  }
0x5d: {  	_ =	shalt  }
0x5e: {  	_ =	shalt  }
0x5f: {  	_ =	shalt  }
0x60: {  	_ =	shalt  }
0x61: {  	_ =	shalt  }
0x62: {  	_ =	shalt  }
0x63: {  	_ =	shalt  }
0x64: {  	_ =	shalt  }
0x65: {  	_ =	shalt  }
0x66: {  	_ =	shalt  }
0x67: {  	_ =	shalt  }
0x68: {  	_ =	shalt  }
0x69: {  	_ =	shalt  }
0x6a: {  	_ =	shalt  }
0x6b: {  	_ =	shalt  }
0x6c: {  	_ =	shalt  }
0x6d: {  	_ =	shalt  }
0x6e: {  	_ =	shalt  }
0x6f: {  	_ =	shalt  }
0x70: {  	_ =	shalt  }
0x71: {  	_ =	shalt  }
0x72: {  	_ =	shalt  }
0x73: {  	_ =	shalt  }
0x74: {  	_ =	shalt  }
0x75: {  	_ =	shalt  }
0x76: {  	_ =	shalt  }
0x77: {  	_ =	shalt  }
0x78: {  	_ =	shalt  }
0x79: {  	_ =	shalt  }
0x7a: {  	_ =	shalt  }
0x7b: {  	_ =	shalt  }
0x7c: {  	_ =	shalt  }
0x7d: {  	_ =	shalt  }
0x7e: {  	_ =	shalt  }
0x7f: {  	_ =	shalt  }
0x80: {  	_ =	shalt  }
0x81: {  	_ =	shalt  }
0x82: {  	_ =	shalt  }
0x83: {  	_ =	shalt  }
0x84: {  	_ =	shalt  }
0x85: {  	_ =	shalt  }
0x86: {  	_ =	shalt  }
0x87: {  	_ =	shalt  }
.Lfunc_end0:
.L_simem_size_0:
called_computation.2_lowered:
.L_overlay_start_0:
0x88: {  	s2 =	sld [smem:$0x3FD9]  }
0x89: {  	s3 =	sld [smem:$0x3FFE];
	_ =	sdelay $0x1  }
0x8a: {  	s1 =	srdreg.scid  }
0x8b: {  	s0 =	sand.u32 $0x1, s1  }
0x8c: {  	s17 =	sshll.u32 s0, $0xA;
	s2 =	sadd.s32 s3, s2  }
0x8d: {  	s2 =	sadd.s32 s2, s17  }
0x8e: {  	[smem:$0x3FC2] =	sst s2  }
0x8f: {  	_ = 	snop  }
0x90: {  	s2 =	sld [smem:$0x3FD0];
	(tm) =	ssettm $0x1  }
0x91: {  	s18 =	sld [smem:$0x3FFB];
	_ =	sdelay $0x3  }
0x92: {  	_ =	strace s18  }
0x93: {  	s3 =	sld [smem:$0x3FFC];
	_ =	sdelay $0x3  }
0x94: {  	_ =	strace s3  }
0x95: {  	s3 =	sld [smem:$0x3FFD];
	_ =	sdelay $0x3  }
0x96: {  	_ =	strace s3  }
0x97: {  	_ =	strace $0x8FFFFFFF  }
0x98: {  	s19 =	sld [smem:$0x3FDB];
	_ =	sdelay $0x1  }
0x99: {  	s4 =	simm.s32 $_scs_section_size  }
0x9a: {  	s5 =	simm.s32 $_size__tile_overlayer_lowered;
	s6 =	simm.s32 $_tile_overlayer_lowered  }
0x9b: {  	s22 =	simm.s32 $0x1BFF;
	s21 =	sshll.u32 s6, $0x1;
	s3 =	sadd.s32 s4, s19  }
0x9c: {  	s7 =	simm.s32 $0x0;
	s20 =	sshll.u32 s5, $0x1;
	s5 =	sadd.s32 s21, s3  }
0x9d: {  	[timem:s7], [sflag:s22] =	dma.local [hbm:s5], s20  }
0x9e: {  	_ =	swait.ge [sflag:s22], s20  }
0x9f: {  	s4 =	ssub.s32 $0x0, s20;
	[sflag:s22] =	ssyncset.done $0x0  }
0xa0: {  	[sflag:s22] =	ssyncadd.s32 s4;
	_ =	sdelay $0x1  }
0xa1: {  	s23 =	simm.s32 $0x1B8B  }
0xa2: {  	_ =	swait.ge [sflag:s23], $0x1  }
0xa3: {  	[sflag:s23] =	ssyncset.done $0x0  }
0xa4: {  	s25 =	simm.s32 $0x1B8E;
	s24 =	sld [smem:$0x3FFE];
	[sflag:s23] =	ssyncadd.s32 $0xFFFFFFFF  }
0xa5: {  	s26 =	simm.s32 $execute0_lowered;
	[smem:$0x3FD2] =	sst s25  }
0xa6: {  	s5 =	sshll.u32 s26, $0x1;
	_ =	strace $0x8000004C;
	[dreg:$0x1] =	wrdreg $0xFFFFFFFF  }
0xa7: {  	s28 =	simm.s32 $_size_execute0_lowered;
	s3 =	sadd.s32 s3, s5;
	[dreg:$0x0] =	wrdreg $0x0  }
0xa8: {  	s5 =	sshll.u32 s28, $0x1;
	[dreg:$0x2] =	wrdreg s3  }
0xa9: {  	[dreg:$0x3] =	wrdreg s5  }
0xaa: {  	[dreg:$0x4] =	wrdreg $0xC0  }
0xab: {  	_ =	task [dreg:s7], $0x5FFFF  }
0xac: {  	[dreg:$0x1] =	wrdreg $0xFFFFFFFF  }
0xad: {  	[dreg:$0x0] =	wrdreg $0x60  }
0xae: {  	[dreg:$0x2] =	wrdreg s2  }
0xaf: {  	[dreg:$0x3] =	wrdreg s24  }
0xb0: {  	[dreg:$0x4] =	wrdreg $0x120000  }
0xb1: {  	[dreg:$0x5] =	wrdreg $0x9  }
0xb2: {  	_ =	task.clear_ibuf [dreg:s7], $0x6FFFF;
	_ =	strace $0x9000004C  }
0xb3: {  	s29 =	simm.s32 $0x9;
	_ =	strace $0x8000004E  }
0xb4: {  	_ =	swait.ge [sflag:s29], $0x1  }
0xb5: {  	[sflag:s29] =	ssyncadd.s32 $0xFFFFFFFF  }
0xb6: {  	_ =	strace $0x9000004E  }
0xb7: {  	_ =	sfence  }
0xb8: {  	s30 =	sld [smem:$0x0];
	_ =	sdelay $0x2  }
0xb9: {  	s31 =	sshll.u32 s1, $0xD;
	s1 =	sshrl.u32 s1, $0x2  }
0xba: {  	s3 =	sand.u32 $0x4000, s31;
	s1 =	sadd.s32 s1, s30  }
0xbb: {  	s0 =	sor.u32 s3, s0;
	s1 =	sshll.u32 s1, $0x11  }
0xbc: {  	s0 =	sor.u32 s1, s0  }
0xbd: {  	s0 =	sadd.s32 $0x8F2B, s0  }
0xbe: {  	[sflag:s0] =	ssyncadd.remote.s32 $0x1  }
0xbf: {  	_ =	sfence.sel $0xFFFF  }
0xc0: {  	[dreg:$0x0] =	wrdreg $0xFFFFFFFF;
	(pc) =	sbr.abs _section_cstart, $3  }
0xc1: {  	[dreg:$0x1] =	wrdreg $0xFFFFFFFF  }
0xc2: {  	_ =	task.clear_ibuf [dreg:s7], $0x2FFFF;
	_ =	strace $0x9FFFFFFF  }
0xc3: {  	(tm) =	ssettm $0x7FFFFFFF  }
tec
execute0_lowered:
.L_overlay_start_1:
0x0: {  	(tag) =	ssettag $0x1  }
0x1: {  	s1 =	rddreg [dreg:$0x0]  }
0x2: {  	s2 =	rddreg [dreg:$0x1];
	s0 =	stileid.u32  }
0x3: {  	s4 =	srdreg.scid;
	s3 =	rddreg [dreg:$0x2];
	s14 =	simm.s32 $0x5000  }
0x4: {  	s15 =	simm.s32 $0x10000;
	s16 =	simm.s32 $0x1;
	s17 =	simm.s32 $0x2  }
0x5: {  	s18 =	simm.s32 $0x3;
	s19 =	simm.s32 $0x80;
	s20 =	simm.s32 $0xA000  }
0x6: {  	s21 =	simm.s32 $0xB000;
	s22 =	simm.s32 $0xC000;
	s7 =	smul.u32 $0xA000, s0  }
0x7: {  	s25 =	simm.s32 $0xE000;
	s28 =	simm.s32 $0x4;
	s6 =	smul.u32 $0xA00, s0  }
0x8: {  	s12 =	sand.u32 $0x1, s4;
	s4 =	simm.s32 $0x0;
	s8 =	smul.u32 $0x28000, s0  }
0x9: {  	s31 =	simm.s32 $0x5;
	s5 =	smul.u32 $0xA0000, s12;
	[smem:$0x7FF] =	sst s4  }
0xa: {  	s9 =	ssub.s32 $0x2, s12;
	s23 =	smul.u32 $0x2800, s12;
	_ =	strace $0x8000004D  }
0xb: {  	s6 =	sadd.s32 s6, s2;
	s30 =	sshrl.u32 s9, $0x1;
	s8 =	sshrl.u32 s8, $0x2  }
0xc: {  	s5 =	sadd.s32 s7, s5;
	s13 =	ssub.s32 s9, s30;
	s11 =	sadd.s32 s8, s3  }
0xd: {  	s7 =	sadd.s32 s7, s3;
	s5 =	sshrl.u32 s5, $0x3;
	s8 =	sadd.s32 $0x2000, s11  }
0xe: {  	s9 =	sadd.s32 $0x4000, s11;
	s10 =	sadd.s32 $0x6000, s11;
	s11 =	sadd.s32 $0x8000, s11  }
0xf: {  	s13 =	smax.u32 s13, $0x1;
	s2 =	sadd.s32 s5, s2;
	s5 =	sadd.s32 $0xD400, s6  }
0x10: {  	v1 =	vimm.f32 $0.0e+00;
	v0 =	vmov s23;
	s6 =	sadd.s32 $0x2A00, s6;
	s12 =	sadd.s32 $0x65600, s2;
	s2 =	simm.s32 $0x0  }
.LBB2_1:
0x11: {  	[tilespmem:s4], [sflag:$0x1] =	stream.linear.gather [hbm4b:s5+s4], $0x5000, $0x38;
	[tilespmem:$0x1C000] =	vst v63  }
0x12: {  	s24 =	simm.s32 $0x100;
	s23 =	simm.s32 $0x0  }
0x13: {  	[tilespmem:s14], [sflag:$0x2] =	stream.linear.gather [hbm4b:s6+s4], $0x5000, $0x38;
	[tilespmem:$0x1C000] =	vst v63  }
.LBB2_2:
0x14: {  	p0 =	sne.s32 s24, $0x7F00;
	[tilespmem:s23+$0x10030] =	vst v1;
	s26 =	smov.u32 s24;
	s24 =	sadd.s32 $0x100, s24  }
.Ltmp0:
0x15: {  	[tilespmem:s23+$0x10020] =	vst v1;
	(pc) =	sbr.rel @p0 .LBB2_2-.Ltmp0, $3  }
0x16: {  	[tilespmem:s23+$0x10000] =	vst v1  }
0x17: {  	[tilespmem:s23+$0x10010] =	vst v1;
	_ =	sdelay $0x1  }
0x18: {  	s23 =	sshra.s32 s26, $0x2  }
0x19: {  	[tilespmem:s23+$0x10030] =	vst v1  }
0x1a: {  	[tilespmem:s23+$0x10020] =	vst v1  }
0x1b: {  	[tilespmem:s23+$0x10000] =	vst v1  }
0x1c: {  	[tilespmem:s23+$0x10010] =	vst v1  }
0x1d: {  	[spmem:s7] =	stream.linear.scatter [tilespmem:s15], [sflag:$0x3], $0x2000, $0x38;
	[tilespmem:$0x1C000] =	vst v63  }
0x1e: {  	_ = 	snop  }
0x1f: {  	[spmem:s8] =	stream.linear.scatter [tilespmem:s15], [sflag:$0x3], $0x2000, $0x38;
	[tilespmem:$0x1C000] =	vst v63  }
0x20: {  	_ = 	snop  }
0x21: {  	[spmem:s9] =	stream.linear.scatter [tilespmem:s15], [sflag:$0x3], $0x2000, $0x38;
	[tilespmem:$0x1C000] =	vst v63  }
0x22: {  	_ = 	snop  }
0x23: {  	[spmem:s10] =	stream.linear.scatter [tilespmem:s15], [sflag:$0x3], $0x2000, $0x38;
	[tilespmem:$0x1C000] =	vst v63  }
0x24: {  	_ = 	snop  }
0x25: {  	[spmem:s11] =	stream.linear.scatter [tilespmem:s15], [sflag:$0x3], $0x2000, $0x38;
	[tilespmem:$0x1C000] =	vst v63  }
0x26: {  	_ =	swait.ge [sflag:s16], $0x5000  }
0x27: {  	[sflag:s16] =	ssyncset.done $0x0  }
0x28: {  	s23 =	simm.s32 $0x0;
	[sflag:s16] =	ssyncadd.s32 $0xFFFFB000  }
0x29: {  	v4 =	vld [tilespmem:s23+$0x0]  }
0x2a: {  	v6 =	vld [tilespmem:s23+$0x10]  }
0x2b: {  	v5 =	vld [tilespmem:s23+$0x20]  }
0x2c: {  	v3 =	vld [tilespmem:s23+$0x30]  }
0x2d: {  	v2 =	vld [tilespmem:s23+$0x40]  }
0x2e: {  	v7 =	vadd.s32 v0, v4;
	v4 =	vld [tilespmem:s23+$0x50]  }
0x2f: {  	s24 =	simm.s32 $0x200;
	[tilespmem:s23+$0x0] =	vst v7;
	v7 =	vadd.s32 v0, v6;
	v6 =	vld [tilespmem:s23+$0x60]  }
.LBB2_4:
0x30: {  	s26 =	sshra.s32 s24, $0x2;
	p0 =	sne.s32 s24, $0x13E00;
	[tilespmem:s23+$0x10] =	vst v7;
	v5 =	vadd.s32 v0, v5;
	v7 =	vld [tilespmem:s23+$0x70]  }
0x31: {  	v8 =	vld [tilespmem:s26+$0x0];
	[tilespmem:s23+$0x20] =	vst v5;
	v3 =	vadd.s32 v0, v3  }
0x32: {  	v9 =	vld [tilespmem:s26+$0x10];
	[tilespmem:s23+$0x30] =	vst v3;
	v2 =	vadd.s32 v0, v2  }
.Ltmp1:
0x33: {  	v5 =	vld [tilespmem:s26+$0x20];
	[tilespmem:s23+$0x40] =	vst v2;
	v2 =	vadd.s32 v0, v4;
	(pc) =	sbr.rel @p0 .LBB2_4-.Ltmp1, $4  }
0x34: {  	v3 =	vld [tilespmem:s26+$0x30];
	[tilespmem:s23+$0x50] =	vst v2;
	v4 =	vadd.s32 v0, v6  }
0x35: {  	v2 =	vld [tilespmem:s26+$0x40];
	[tilespmem:s23+$0x60] =	vst v4;
	v6 =	vadd.s32 v0, v7  }
0x36: {  	v7 =	vadd.s32 v0, v8;
	v4 =	vld [tilespmem:s26+$0x50];
	[tilespmem:s23+$0x70] =	vst v6;
	s23 =	smov.u32 s26  }
0x37: {  	s24 =	sadd.s32 $0x200, s24;
	[tilespmem:s23+$0x0] =	vst v7;
	v7 =	vadd.s32 v0, v9;
	v6 =	vld [tilespmem:s23+$0x60]  }
0x38: {  	[tilespmem:s23+$0x10] =	vst v7;
	v5 =	vadd.s32 v0, v5;
	v63 =	vld [tilespmem:s23+$0x70]  }
0x39: {  	[tilespmem:s23+$0x20] =	vst v5;
	v3 =	vadd.s32 v0, v3  }
0x3a: {  	[tilespmem:s23+$0x30] =	vst v3;
	v2 =	vadd.s32 v0, v2  }
0x3b: {  	[tilespmem:s23+$0x40] =	vst v2;
	v2 =	vadd.s32 v0, v4  }
0x3c: {  	[tilespmem:s23+$0x50] =	vst v2;
	v2 =	vadd.s32 v0, v6  }
0x3d: {  	[tilespmem:s23+$0x60] =	vst v2;
	v2 =	vadd.s32 v0, v63  }
0x3e: {  	[tilespmem:s23+$0x70] =	vst v2  }
0x3f: {  	_ =	swait.ge [sflag:s17], $0x5000  }
0x40: {  	[sflag:s17] =	ssyncset.done $0x0  }
0x41: {  	[sflag:s17] =	ssyncadd.s32 $0xFFFFB000  }
0x42: {  	_ =	swait.ge [sflag:s18], $0x2000  }
0x43: {  	[sflag:s18] =	ssyncset.done $0x0  }
0x44: {  	[sflag:s18] =	ssyncadd.s32 $0xFFFFE000  }
0x45: {  	_ =	swait.ge [sflag:s18], $0x2000  }
0x46: {  	[sflag:s18] =	ssyncset.done $0x0  }
0x47: {  	[sflag:s18] =	ssyncadd.s32 $0xFFFFE000  }
0x48: {  	_ =	swait.ge [sflag:s18], $0x2000  }
0x49: {  	[sflag:s18] =	ssyncset.done $0x0  }
0x4a: {  	[sflag:s18] =	ssyncadd.s32 $0xFFFFE000  }
0x4b: {  	_ =	swait.ge [sflag:s18], $0x2000  }
0x4c: {  	[sflag:s18] =	ssyncset.done $0x0  }
0x4d: {  	[sflag:s18] =	ssyncadd.s32 $0xFFFFE000  }
0x4e: {  	_ =	swait.ge [sflag:s18], $0x2000  }
0x4f: {  	[sflag:s18] =	ssyncset.done $0x0  }
0x50: {  	s30 =	simm.s32 $0x0;
	[sflag:s18] =	ssyncadd.s32 $0xFFFFE000  }
0x51: {  	[tilespmem:s20], [sflag:$0x1] =	stream.indirect.gather [hbm4b:s1+s19], $0x20, s30, s19, $0xb8;
	[tilespmem:$0x1C000] =	vst v63  }
0x52: {  	_ = 	snop  }
0x53: {  	[tilespmem:s21], [sflag:$0x2] =	stream.indirect.gather [hbm4b:s1+s19], $0x20, s19, s19, $0xb8;
	[tilespmem:$0x1C000] =	vst v63  }
0x54: {  	[bflag:$0x0] =	sbarrier.arrive $0xFFFF  }
0x55: {  	_ =	swait.ge [sflag:s16], $0x1000  }
0x56: {  	[sflag:s16] =	ssyncset.done $0x0  }
0x57: {  	s24 =	simm.s32 $0x0;
	[sflag:s16] =	ssyncadd.s32 $0xFFFFF000  }
0x58: {  	v2 =	vld [tilespmem:s24+$0xA000];
	_ =	sdelay $0x4  }
0x59: {  	s23 =	simm.s32 $0xC020;
	v3 =	vunpack.i.l.bf16.f32 v2  }
0x5a: {  	v2 =	vunpack.i.u.bf16.f32 v2;
	[tilespmem:s23+$0xFFFFFFE0] =	vst v3  }
0x5b: {  	[tilespmem:s23+$0xFFFFFFF0] =	vst v2  }
0x5c: {  	s26 =	simm.s32 $0x80;
	v2 =	vld [tilespmem:s24+$0xA010];
	s24 =	simm.s32 $0xC020  }
.LBB2_6:
0x5d: {  	_ =	sdelay $0x2  }
0x5e: {  	p0 =	sne.s32 s26, $0x3F80  }
0x5f: {  	s23 =	sadd.s32 $0x40, s23;
	s29 =	smov.u32 s26;
	s26 =	sadd.s32 $0x80, s26;
	v3 =	vunpack.i.u.bf16.f32 v2;
	v2 =	vunpack.i.l.bf16.f32 v2  }
0x60: {  	[tilespmem:s24+$0x0] =	vst v2  }
0x61: {  	s29 =	sshra.s32 s29, $0x2;
	[tilespmem:s24+$0x10] =	vst v3;
	s24 =	smov.u32 s23  }
0x62: {  	v2 =	vld [tilespmem:s29+$0xA000];
	_ =	sdelay $0x3  }
.Ltmp2:
0x63: {  	(pc) =	sbr.rel @p0 .LBB2_6-.Ltmp2, $4  }
0x64: {  	v3 =	vunpack.i.u.bf16.f32 v2;
	v2 =	vunpack.i.l.bf16.f32 v2  }
0x65: {  	[tilespmem:s23+$0xFFFFFFE0] =	vst v2  }
0x66: {  	[tilespmem:s23+$0xFFFFFFF0] =	vst v3  }
0x67: {  	v2 =	vld [tilespmem:s29+$0xA010]  }
0x68: {  	_ =	sdelay $0x3  }
0x69: {  	v3 =	vunpack.i.l.bf16.f32 v2  }
0x6a: {  	v2 =	vunpack.i.u.bf16.f32 v2;
	[tilespmem:s24+$0x0] =	vst v3  }
0x6b: {  	[tilespmem:s24+$0x10] =	vst v2  }
0x6c: {  	[spmem:s3] =	stream.indirect.scatter.add.f32 [tilespmem:s22], [sflag:$0x3], $0x40, s14, s19, $0xb8;
	[tilespmem:$0x1C000] =	vst v63  }
0x6d: {  	s0 =	simm.s32 $0x100  }
0x6e: {  	[tilespmem:s20], [sflag:$0x1] =	stream.indirect.gather [hbm4b:s1+s19], $0x20, s0, s19, $0xb8;
	[tilespmem:$0x1C000] =	vst v63  }
0x6f: {  	_ =	swait.ge [sflag:s17], $0x1000  }
0x70: {  	[sflag:s17] =	ssyncset.done $0x0  }
0x71: {  	s30 =	simm.s32 $0x0;
	[sflag:s17] =	ssyncadd.s32 $0xFFFFF000  }
0x72: {  	v2 =	vld [tilespmem:s30+$0xB000];
	_ =	sdelay $0x4  }
0x73: {  	s23 =	simm.s32 $0xE030;
	v3 =	vunpack.i.l.bf16.f32 v2  }
0x74: {  	v2 =	vunpack.i.u.bf16.f32 v2;
	[tilespmem:s23+$0xFFFFFFD0] =	vst v3  }
0x75: {  	[tilespmem:s23+$0xFFFFFFE0] =	vst v2  }
0x76: {  	s26 =	simm.s32 $0x80;
	s24 =	simm.s32 $0xE030;
	v2 =	vld [tilespmem:s30+$0xB010]  }
.LBB2_8:
0x77: {  	_ =	sdelay $0x2  }
0x78: {  	p0 =	sne.s32 s26, $0x3F80  }
0x79: {  	s23 =	sadd.s32 $0x40, s23;
	s29 =	smov.u32 s26;
	s26 =	sadd.s32 $0x80, s26;
	v3 =	vunpack.i.u.bf16.f32 v2;
	v2 =	vunpack.i.l.bf16.f32 v2  }
0x7a: {  	[tilespmem:s24+$0xFFFFFFF0] =	vst v2  }
0x7b: {  	s29 =	sshra.s32 s29, $0x2;
	[tilespmem:s24+$0x0] =	vst v3;
	s24 =	smov.u32 s23  }
0x7c: {  	v2 =	vld [tilespmem:s29+$0xB000];
	_ =	sdelay $0x3  }
.Ltmp3:
0x7d: {  	(pc) =	sbr.rel @p0 .LBB2_8-.Ltmp3, $4  }
0x7e: {  	v3 =	vunpack.i.u.bf16.f32 v2;
	v2 =	vunpack.i.l.bf16.f32 v2  }
0x7f: {  	[tilespmem:s23+$0xFFFFFFD0] =	vst v2  }
0x80: {  	[tilespmem:s23+$0xFFFFFFE0] =	vst v3  }
0x81: {  	v2 =	vld [tilespmem:s29+$0xB010]  }
0x82: {  	_ =	sdelay $0x3  }
0x83: {  	v3 =	vunpack.i.l.bf16.f32 v2  }
0x84: {  	v2 =	vunpack.i.u.bf16.f32 v2;
	[tilespmem:s24+$0xFFFFFFF0] =	vst v3  }
0x85: {  	s0 =	simm.s32 $0x5080;
	[tilespmem:s24+$0x0] =	vst v2  }
0x86: {  	[spmem:s3] =	stream.indirect.scatter.add.f32 [tilespmem:s25], [sflag:$0x4], $0x40, s0, s19, $0xb8;
	[tilespmem:$0x1C000] =	vst v63  }
0x87: {  	s30 =	simm.s32 $0x180;
	s23 =	simm.s32 $0x1  }
0x88: {  	[tilespmem:s21], [sflag:$0x2] =	stream.indirect.gather [hbm4b:s1+s19], $0x20, s30, s19, $0xb8;
	[tilespmem:$0x1C000] =	vst v63  }
.LBB2_10:
0x89: {  	_ =	swait.ge [sflag:s18], $0x2000  }
0x8a: {  	[sflag:s18] =	ssyncset.done $0x0  }
0x8b: {  	[sflag:s18] =	ssyncadd.s32 $0xFFFFE000  }
0x8c: {  	_ =	swait.ge [sflag:s16], $0x1000  }
0x8d: {  	[sflag:s16] =	ssyncset.done $0x0  }
0x8e: {  	s26 =	simm.s32 $0x0;
	[sflag:s16] =	ssyncadd.s32 $0xFFFFF000  }
0x8f: {  	v2 =	vld [tilespmem:s26+$0xA000];
	_ =	sdelay $0x4  }
0x90: {  	s24 =	simm.s32 $0xC020;
	v3 =	vunpack.i.l.bf16.f32 v2  }
0x91: {  	v2 =	vunpack.i.u.bf16.f32 v2;
	[tilespmem:s24+$0xFFFFFFE0] =	vst v3  }
0x92: {  	[tilespmem:s24+$0xFFFFFFF0] =	vst v2  }
0x93: {  	s29 =	simm.s32 $0x80;
	v2 =	vld [tilespmem:s26+$0xA010];
	s26 =	simm.s32 $0xC020  }
.LBB2_11:
0x94: {  	_ =	sdelay $0x2  }
0x95: {  	p0 =	sne.s32 s29, $0x3F80  }
0x96: {  	s24 =	sadd.s32 $0x40, s24;
	s30 =	smov.u32 s29;
	s29 =	sadd.s32 $0x80, s29;
	v3 =	vunpack.i.u.bf16.f32 v2;
	v2 =	vunpack.i.l.bf16.f32 v2  }
0x97: {  	[tilespmem:s26+$0x0] =	vst v2  }
0x98: {  	s30 =	sshra.s32 s30, $0x2;
	[tilespmem:s26+$0x10] =	vst v3;
	s26 =	smov.u32 s24  }
0x99: {  	v2 =	vld [tilespmem:s30+$0xA000];
	_ =	sdelay $0x3  }
.Ltmp4:
0x9a: {  	(pc) =	sbr.rel @p0 .LBB2_11-.Ltmp4, $4  }
0x9b: {  	v3 =	vunpack.i.u.bf16.f32 v2;
	v2 =	vunpack.i.l.bf16.f32 v2  }
0x9c: {  	[tilespmem:s24+$0xFFFFFFE0] =	vst v2  }
0x9d: {  	[tilespmem:s24+$0xFFFFFFF0] =	vst v3  }
0x9e: {  	v2 =	vld [tilespmem:s30+$0xA010]  }
0x9f: {  	_ =	sdelay $0x3  }
0xa0: {  	s24 =	sshll.u32 s23, $0x8;
	v3 =	vunpack.i.l.bf16.f32 v2  }
0xa1: {  	s24 =	sand.u32 $0x3FFFFF00, s24;
	v2 =	vunpack.i.u.bf16.f32 v2;
	[tilespmem:s26+$0x0] =	vst v3  }
0xa2: {  	s0 =	sadd.s32 $0x5000, s24;
	[tilespmem:s26+$0x10] =	vst v2  }
0xa3: {  	[spmem:s3] =	stream.indirect.scatter.add.f32 [tilespmem:s22], [sflag:$0x3], $0x40, s0, s19, $0xb8;
	[tilespmem:$0x1C000] =	vst v63  }
0xa4: {  	s0 =	sadd.s32 $0x100, s24  }
0xa5: {  	[tilespmem:s20], [sflag:$0x1] =	stream.indirect.gather [hbm4b:s1+s19], $0x20, s0, s19, $0xb8;
	[tilespmem:$0x1C000] =	vst v63  }
0xa6: {  	_ =	swait.ge [sflag:s28], $0x2000  }
0xa7: {  	[sflag:s28] =	ssyncset.done $0x0  }
0xa8: {  	[sflag:s28] =	ssyncadd.s32 $0xFFFFE000  }
0xa9: {  	_ =	swait.ge [sflag:s17], $0x1000  }
0xaa: {  	[sflag:s17] =	ssyncset.done $0x0  }
0xab: {  	s29 =	simm.s32 $0x0;
	[sflag:s17] =	ssyncadd.s32 $0xFFFFF000  }
0xac: {  	v2 =	vld [tilespmem:s29+$0xB000];
	_ =	sdelay $0x4  }
0xad: {  	s26 =	simm.s32 $0xE030;
	v3 =	vunpack.i.l.bf16.f32 v2  }
0xae: {  	v2 =	vunpack.i.u.bf16.f32 v2;
	[tilespmem:s26+$0xFFFFFFD0] =	vst v3  }
0xaf: {  	[tilespmem:s26+$0xFFFFFFE0] =	vst v2  }
0xb0: {  	s30 =	simm.s32 $0x80;
	v2 =	vld [tilespmem:s29+$0xB010];
	s29 =	simm.s32 $0xE030  }
.LBB2_13:
0xb1: {  	_ =	sdelay $0x2  }
0xb2: {  	p0 =	sne.s32 s30, $0x3F80  }
0xb3: {  	s26 =	sadd.s32 $0x40, s26;
	s0 =	smov.u32 s30;
	s30 =	sadd.s32 $0x80, s30;
	v3 =	vunpack.i.u.bf16.f32 v2;
	v2 =	vunpack.i.l.bf16.f32 v2  }
0xb4: {  	[tilespmem:s29+$0xFFFFFFF0] =	vst v2  }
0xb5: {  	s0 =	sshra.s32 s0, $0x2;
	[tilespmem:s29+$0x0] =	vst v3;
	s29 =	smov.u32 s26  }
0xb6: {  	v2 =	vld [tilespmem:s0+$0xB000];
	_ =	sdelay $0x3  }
.Ltmp5:
0xb7: {  	(pc) =	sbr.rel @p0 .LBB2_13-.Ltmp5, $4  }
0xb8: {  	v3 =	vunpack.i.u.bf16.f32 v2;
	v2 =	vunpack.i.l.bf16.f32 v2  }
0xb9: {  	[tilespmem:s26+$0xFFFFFFD0] =	vst v2  }
0xba: {  	[tilespmem:s26+$0xFFFFFFE0] =	vst v3  }
0xbb: {  	v2 =	vld [tilespmem:s0+$0xB010]  }
0xbc: {  	_ =	sdelay $0x2  }
0xbd: {  	s23 =	sadd.s32 $0x1, s23  }
0xbe: {  	p0 =	sne.s32 s23, $0x4F;
	v3 =	vunpack.i.l.bf16.f32 v2  }
.Ltmp6:
0xbf: {  	v2 =	vunpack.i.u.bf16.f32 v2;
	[tilespmem:s29+$0xFFFFFFF0] =	vst v3;
	(pc) =	sbr.rel @p0 .LBB2_10-.Ltmp6, $4  }
0xc0: {  	s0 =	sadd.s32 $0x5080, s24;
	[tilespmem:s29+$0x0] =	vst v2  }
0xc1: {  	[spmem:s3] =	stream.indirect.scatter.add.f32 [tilespmem:s25], [sflag:$0x4], $0x40, s0, s19, $0xb8;
	[tilespmem:$0x1C000] =	vst v63  }
0xc2: {  	s30 =	sadd.s32 $0x180, s24  }
0xc3: {  	[tilespmem:s21], [sflag:$0x2] =	stream.indirect.gather [hbm4b:s1+s19], $0x20, s30, s19, $0xb8;
	[tilespmem:$0x1C000] =	vst v63  }
0xc4: {  	_ =	swait.ge [sflag:s18], $0x2000  }
0xc5: {  	[sflag:s18] =	ssyncset.done $0x0  }
0xc6: {  	[sflag:s18] =	ssyncadd.s32 $0xFFFFE000  }
0xc7: {  	_ =	swait.ge [sflag:s16], $0x1000  }
0xc8: {  	[sflag:s16] =	ssyncset.done $0x0  }
0xc9: {  	s0 =	simm.s32 $0x0;
	[sflag:s16] =	ssyncadd.s32 $0xFFFFF000  }
0xca: {  	v2 =	vld [tilespmem:s0+$0xA000];
	_ =	sdelay $0x4  }
0xcb: {  	s23 =	simm.s32 $0xC020;
	v3 =	vunpack.i.l.bf16.f32 v2  }
0xcc: {  	v2 =	vunpack.i.u.bf16.f32 v2;
	[tilespmem:s23+$0xFFFFFFE0] =	vst v3  }
0xcd: {  	[tilespmem:s23+$0xFFFFFFF0] =	vst v2  }
0xce: {  	s26 =	simm.s32 $0x80;
	s24 =	simm.s32 $0xC020;
	v2 =	vld [tilespmem:s0+$0xA010]  }
.LBB2_16:
0xcf: {  	_ =	sdelay $0x2  }
0xd0: {  	p0 =	sne.s32 s26, $0x3F80  }
0xd1: {  	s23 =	sadd.s32 $0x40, s23;
	s0 =	smov.u32 s26;
	s26 =	sadd.s32 $0x80, s26;
	v3 =	vunpack.i.u.bf16.f32 v2;
	v2 =	vunpack.i.l.bf16.f32 v2  }
0xd2: {  	[tilespmem:s24+$0x0] =	vst v2  }
0xd3: {  	s0 =	sshra.s32 s0, $0x2;
	[tilespmem:s24+$0x10] =	vst v3;
	s24 =	smov.u32 s23  }
0xd4: {  	v2 =	vld [tilespmem:s0+$0xA000];
	_ =	sdelay $0x3  }
.Ltmp7:
0xd5: {  	(pc) =	sbr.rel @p0 .LBB2_16-.Ltmp7, $4  }
0xd6: {  	v3 =	vunpack.i.u.bf16.f32 v2;
	v2 =	vunpack.i.l.bf16.f32 v2  }
0xd7: {  	[tilespmem:s23+$0xFFFFFFE0] =	vst v2  }
0xd8: {  	[tilespmem:s23+$0xFFFFFFF0] =	vst v3  }
0xd9: {  	v2 =	vld [tilespmem:s0+$0xA010]  }
0xda: {  	_ =	sdelay $0x3  }
0xdb: {  	v3 =	vunpack.i.l.bf16.f32 v2  }
0xdc: {  	v2 =	vunpack.i.u.bf16.f32 v2;
	[tilespmem:s24+$0x0] =	vst v3  }
0xdd: {  	s0 =	simm.s32 $0x9F00;
	[tilespmem:s24+$0x10] =	vst v2  }
0xde: {  	[spmem:s3] =	stream.indirect.scatter.add.f32 [tilespmem:s22], [sflag:$0x3], $0x40, s0, s19, $0xb8;
	[tilespmem:$0x1C000] =	vst v63  }
0xdf: {  	_ =	swait.ge [sflag:s28], $0x2000  }
0xe0: {  	[sflag:s28] =	ssyncset.done $0x0  }
0xe1: {  	[sflag:s28] =	ssyncadd.s32 $0xFFFFE000  }
0xe2: {  	_ =	swait.ge [sflag:s17], $0x1000  }
0xe3: {  	[sflag:s17] =	ssyncset.done $0x0  }
0xe4: {  	s30 =	simm.s32 $0x0;
	[sflag:s17] =	ssyncadd.s32 $0xFFFFF000  }
0xe5: {  	v2 =	vld [tilespmem:s30+$0xB000];
	_ =	sdelay $0x4  }
0xe6: {  	s23 =	simm.s32 $0xE030;
	v3 =	vunpack.i.l.bf16.f32 v2  }
0xe7: {  	v2 =	vunpack.i.u.bf16.f32 v2;
	[tilespmem:s23+$0xFFFFFFD0] =	vst v3  }
0xe8: {  	[tilespmem:s23+$0xFFFFFFE0] =	vst v2  }
0xe9: {  	s26 =	simm.s32 $0x80;
	s24 =	simm.s32 $0xE030;
	v2 =	vld [tilespmem:s30+$0xB010]  }
.LBB2_18:
0xea: {  	_ =	sdelay $0x2  }
0xeb: {  	p0 =	sne.s32 s26, $0x3F80  }
0xec: {  	s23 =	sadd.s32 $0x40, s23;
	s0 =	smov.u32 s26;
	s26 =	sadd.s32 $0x80, s26;
	v3 =	vunpack.i.u.bf16.f32 v2;
	v2 =	vunpack.i.l.bf16.f32 v2  }
0xed: {  	[tilespmem:s24+$0xFFFFFFF0] =	vst v2  }
0xee: {  	s0 =	sshra.s32 s0, $0x2;
	[tilespmem:s24+$0x0] =	vst v3;
	s24 =	smov.u32 s23  }
0xef: {  	v2 =	vld [tilespmem:s0+$0xB000];
	_ =	sdelay $0x3  }
.Ltmp8:
0xf0: {  	(pc) =	sbr.rel @p0 .LBB2_18-.Ltmp8, $4  }
0xf1: {  	v3 =	vunpack.i.u.bf16.f32 v2;
	v2 =	vunpack.i.l.bf16.f32 v2  }
0xf2: {  	[tilespmem:s23+$0xFFFFFFD0] =	vst v2  }
0xf3: {  	[tilespmem:s23+$0xFFFFFFE0] =	vst v3  }
0xf4: {  	v2 =	vld [tilespmem:s0+$0xB010]  }
0xf5: {  	_ =	sdelay $0x3  }
0xf6: {  	v3 =	vunpack.i.l.bf16.f32 v2  }
0xf7: {  	v2 =	vunpack.i.u.bf16.f32 v2;
	[tilespmem:s24+$0xFFFFFFF0] =	vst v3  }
0xf8: {  	s0 =	simm.s32 $0x9F80;
	[tilespmem:s24+$0x0] =	vst v2  }
0xf9: {  	[spmem:s3] =	stream.indirect.scatter.add.f32 [tilespmem:s25], [sflag:$0x4], $0x40, s0, s19, $0xb8;
	[tilespmem:$0x1C000] =	vst v63  }
0xfa: {  	_ =	swait.ge [sflag:s18], $0x2000  }
0xfb: {  	[sflag:s18] =	ssyncset.done $0x0  }
0xfc: {  	[sflag:s18] =	ssyncadd.s32 $0xFFFFE000  }
0xfd: {  	s30 =	stileid.u32;
	_ =	swait.ge [sflag:s28], $0x2000  }
0xfe: {  	s23 =	sshrl.u32 s7, $0x3;
	s2 =	sadd.s32 $0x1, s2;
	[sflag:s28] =	ssyncset.done $0x0  }
0xff: {  	p0 =	sne.s32 s2, s13;
	s0 =	sshll.u32 s30, $0x6;
	[sflag:s28] =	ssyncadd.s32 $0xFFFFE000  }
.Ltmp9:
0x100: {  	s0 =	sor.u32 $0x1C05, s0;
	[bflag:$0x0] =	sbarrier.arrive $0xFFFF;
	(pc) =	sbr.rel @p0 .LBB2_1-.Ltmp9, $4  }
0x101: {  	[hbm:s12], [sflag:s0] =	dma.local [spmem:s23], $0x1400  }
0x102: {  	_ =	swait.ge [sflag:s31], $0x1400  }
0x103: {  	[sflag:s31] =	ssyncset.done $0x0  }
0x104: {  	[sflag:s31] =	ssyncadd.s32 $0xFFFFEC00  }
0x105: {  	_ =	sfence.sel $0x180000  }
0x106: {  	[bflag:$0x0] =	sbarrier.arrive $0xFFFF  }
0x107: {  	_ =	strace $0x9000004D  }
0x108: {  	s0 =	stileid.u32;
	[bflag:$0x2] =	sbarrier.arrive $0xFFFF  }
0x109: {  	p0 =	sne.s32 s0, $0x0;
	s0 =	rddreg [dreg:$0x3]  }
0x10a: {  	s0 =	sadd.s32 @!p0 $0x100000, s0  }
0x10b: {  	[sflag:s0] =	ssyncadd.tile.s32 @!p0 $0x1;
	_ =	shalt  }
.Lfunc_end2:
_tile_overlayer_lowered:
.L_overlay_start_2:
0x10c: {  	(tag) =	ssettag $0x2  }
0x10d: {  	s0 =	rddreg [dreg:$0x0];
	s2 =	stileid.u32  }
0x10e: {  	s1 =	rddreg [dreg:$0x1];
	p0 =	sne.s32 s2, $0x0  }
0x10f: {  	s3 =	rddreg [dreg:$0x2];
	[bflag:$0x3] =	sbarrier.arrive $0xFFFF;
	s2 =	simm.s32 @!p0 $0x1C05  }
0x110: {  	[timem:s3], [sflag:s2] =	dma.local @!p0 [hbm:s0], s1  }
0x111: {  	s0 =	simm.s32 @!p0 $0x5  }
0x112: {  	_ =	swait.ge @!p0 [sflag:s0], s1  }
0x113: {  	s1 =	ssub.s32 @!p0 $0x0, s1;
	[sflag:s0] =	ssyncset.done @!p0 $0x0  }
0x114: {  	[sflag:s0] =	ssyncadd.s32 @!p0 s1  }
0x115: {  	[bflag:$0x3] =	sbarrier.arrive $0xFFFF  }
0x116: {  	_ =	shalt  }

// kernel: kernel.8.cloned.1.call-start
scs
__scs_entry_jumppad:
0x0: {  	(pc) =	sbr.rel $0x88, $3  }
0x1: {  	(tag) =	ssettag $0x0;
	lr =	simm.s32 $0x1  }
0x2: {  	[smem:$0x3F9B] =	sst lr;
	_ =	strace $0xD0000000  }
0x3: {  	_ = 	snop  }
0x4: {  	_ = 	snop  }
0x5: {  	_ = 	snop  }
0x6: {  	_ = 	snop  }
0x7: {  	_ = 	snop  }
__scs_overlays_trampoline_lowered:
0x8: {  	[smem:$0x3FAA] =	sst s0  }
0x9: {  	[smem:$0x3FAB] =	sst s1  }
0xa: {  	[smem:$0x3FAC] =	sst s2  }
0xb: {  	[smem:$0x3FAD] =	sst s3  }
0xc: {  	[smem:$0x3FAE] =	sst s4  }
0xd: {  	[smem:$0x3FAF] =	sst s5  }
0xe: {  	[smem:$0x3FB0] =	sst s6  }
0xf: {  	[smem:$0x3FB1] =	sst s7  }
0x10: {  	[smem:$0x3FB2] =	sst s8  }
0x11: {  	[smem:$0x3FB3] =	sst s9;
	s0 =	simm.s32 @!p0 $0x0  }
0x12: {  	s1 =	sld [smem:$0x3F99];
	s0 =	simm.s32 @p0 $0x1  }
0x13: {  	[smem:$0x3FB4] =	sst s0;
	s0 =	simm.s32 @!p1 $0x0  }
0x14: {  	s2 =	sld [smem:$0x3F98];
	s0 =	simm.s32 @p1 $0x1  }
0x15: {  	[smem:$0x3FB5] =	sst s0;
	s0 =	simm.s32 @!p2 $0x0  }
0x16: {  	s3 =	sld [smem:$0x3FDB];
	s0 =	simm.s32 @p2 $0x1  }
0x17: {  	s4 =	simm.s32 $0x1BF5;
	[smem:$0x3FB7] =	sst s0  }
0x18: {  	s0 =	sld [smem:$0x3F9A];
	_ =	swait.ge [sflag:s4], $0x0  }
0x19: {  	s7 =	sld [smem:$0x3F9B]  }
0x1a: {  	s8 =	sadd.s32 $0xFFFFE003, lr  }
0x1b: {  	s9 =	sadd.s32 $0xFFFFFEF7, lr;
	s5 =	simm.s32 $0xFFFFFFFF;
	p2 =	slt.u32 s8, $0xFFFFF086  }
0x1c: {  	p1 =	slt.u32 s9, $0xF7A;
	s5 =	simm.s32 @!p2 $0x0  }
0x1d: {  	s5 =	simm.s32 @p1 $0x1;
	p0 =	seq.s32 s7, s2  }
0x1e: {  	s7 =	smul.u32 @!p0 $0xF7A, s2;
	p2 =	seq.s32 @!p0 s5, $0x0  }
0x1f: {  	s9 =	smul.u32 $0xF7A, s1;
	s8 =	simm.s32 @!p0 $0x1BF5;
	p2 =	por !p2, p0  }
0x20: {  	[sflag:s8] =	ssyncset.s32 @!p0 $0xFFFFF086;
	s6 =	sadd.s32 @!p0 s3, s7;
	s7 =	simm.s32 @!p0 $0x108  }
0x21: {  	s3 =	sadd.s32 s3, s9;
	s6 =	sadd.s32 @!p0 $0x88, s6;
	s7 =	simm.s32 @p2 $0x1082  }
0x22: {  	[simem:s7], [sflag:s8] =	dma.local @!p0 [hbm:s6], $0xF7A  }
0x23: {  	s9 =	sor.u32 $0xD0000000, s2;
	s6 =	simm.s32 $0x108;
	_ =	swait.ge @!p0 [sflag:s8], $0x0  }
0x24: {  	s3 =	sadd.s32 $0x88, s3;
	s6 =	simm.s32 @!p1 $0x1082;
	[sflag:s4] =	ssyncset.s32 $0xFFFFF086  }
0x25: {  	[simem:s6], [sflag:s4] =	dma.local [hbm:s3], $0xF7A  }
0x26: {  	[smem:$0x3F9B] =	sst s1;
	(tag) =	ssettag s2;
	_ =	strace s9  }
0x27: {  	s1 =	sld [smem:$0x3FAB]  }
0x28: {  	s2 =	sld [smem:$0x3FAC]  }
0x29: {  	s4 =	sld [smem:$0x3FAE]  }
0x2a: {  	p0 =	seq.s32 s5, $0x0;
	s5 =	sld [smem:$0x3FAF]  }
0x2b: {  	s6 =	sld [smem:$0x3FB0]  }
0x2c: {  	s7 =	sld [smem:$0x3FB1]  }
0x2d: {  	s3 =	simm.s32 $0x108;
	s8 =	sld [smem:$0x3FB2]  }
0x2e: {  	s3 =	simm.s32 @!p0 $0x1082;
	s9 =	sld [smem:$0x3FB3]  }
0x2f: {  	lr =	sadd.s32 s0, s3;
	s0 =	sld [smem:$0x3FAA]  }
0x30: {  	s3 =	sld [smem:$0x3FAD]  }
0x31: {  	[smem:$0x3FB6] =	sst s10  }
0x32: {  	s10 =	sld [smem:$0x3FB4];
	_ =	sdelay $0x3  }
0x33: {  	p0 =	seq.s32 s10, $0x1;
	s10 =	sld [smem:$0x3FB6];
	_ =	sdelay $0x3  }
0x34: {  	[smem:$0x3FB6] =	sst s10  }
0x35: {  	s10 =	sld [smem:$0x3FB5];
	_ =	sdelay $0x3  }
0x36: {  	p1 =	seq.s32 s10, $0x1;
	s10 =	sld [smem:$0x3FB6];
	_ =	sdelay $0x3  }
0x37: {  	[smem:$0x3FB6] =	sst s10  }
0x38: {  	s10 =	sld [smem:$0x3FB7]  }
0x39: {  	_ = 	snop;
	(pc) =	sbr.ind lr, $3  }
0x3a: {  	_ = 	snop  }
0x3b: {  	_ = 	snop  }
0x3c: {  	p2 =	seq.s32 s10, $0x1;
	s10 =	sld [smem:$0x3FB6]  }
0x3d: {  	_ =	shalt  }
0x3e: {  	_ =	shalt  }
0x3f: {  	_ =	shalt  }
0x40: {  	_ =	shalt  }
0x41: {  	_ =	shalt  }
0x42: {  	_ =	shalt  }
0x43: {  	_ =	shalt  }
0x44: {  	_ =	shalt  }
0x45: {  	_ =	shalt  }
0x46: {  	_ =	shalt  }
0x47: {  	_ =	shalt  }
0x48: {  	_ =	shalt  }
0x49: {  	_ =	shalt  }
0x4a: {  	_ =	shalt  }
0x4b: {  	_ =	shalt  }
0x4c: {  	_ =	shalt  }
0x4d: {  	_ =	shalt  }
0x4e: {  	_ =	shalt  }
0x4f: {  	_ =	shalt  }
0x50: {  	_ =	shalt  }
0x51: {  	_ =	shalt  }
0x52: {  	_ =	shalt  }
0x53: {  	_ =	shalt  }
0x54: {  	_ =	shalt  }
0x55: {  	_ =	shalt  }
0x56: {  	_ =	shalt  }
0x57: {  	_ =	shalt  }
0x58: {  	_ =	shalt  }
0x59: {  	_ =	shalt  }
0x5a: {  	_ =	shalt  }
0x5b: {  	_ =	shalt  }
0x5c: {  	_ =	shalt  }
0x5d: {  	_ =	shalt  }
0x5e: {  	_ =	shalt  }
0x5f: {  	_ =	shalt  }
0x60: {  	_ =	shalt  }
0x61: {  	_ =	shalt  }
0x62: {  	_ =	shalt  }
0x63: {  	_ =	shalt  }
0x64: {  	_ =	shalt  }
0x65: {  	_ =	shalt  }
0x66: {  	_ =	shalt  }
0x67: {  	_ =	shalt  }
0x68: {  	_ =	shalt  }
0x69: {  	_ =	shalt  }
0x6a: {  	_ =	shalt  }
0x6b: {  	_ =	shalt  }
0x6c: {  	_ =	shalt  }
0x6d: {  	_ =	shalt  }
0x6e: {  	_ =	shalt  }
0x6f: {  	_ =	shalt  }
0x70: {  	_ =	shalt  }
0x71: {  	_ =	shalt  }
0x72: {  	_ =	shalt  }
0x73: {  	_ =	shalt  }
0x74: {  	_ =	shalt  }
0x75: {  	_ =	shalt  }
0x76: {  	_ =	shalt  }
0x77: {  	_ =	shalt  }
0x78: {  	_ =	shalt  }
0x79: {  	_ =	shalt  }
0x7a: {  	_ =	shalt  }
0x7b: {  	_ =	shalt  }
0x7c: {  	_ =	shalt  }
0x7d: {  	_ =	shalt  }
0x7e: {  	_ =	shalt  }
0x7f: {  	_ =	shalt  }
0x80: {  	_ =	shalt  }
0x81: {  	_ =	shalt  }
0x82: {  	_ =	shalt  }
0x83: {  	_ =	shalt  }
0x84: {  	_ =	shalt  }
0x85: {  	_ =	shalt  }
0x86: {  	_ =	shalt  }
0x87: {  	_ =	shalt  }
.Lfunc_end0:
.L_simem_size_0:
called_computation_lowered:
.L_overlay_start_0:
0x88: {  	s2 =	sld [smem:$0x3FD9]  }
0x89: {  	s3 =	sld [smem:$0x3FFE];
	_ =	sdelay $0x1  }
0x8a: {  	s1 =	srdreg.scid  }
0x8b: {  	s0 =	sand.u32 $0x1, s1  }
0x8c: {  	s17 =	sshll.u32 s0, $0xA;
	s2 =	sadd.s32 s3, s2  }
0x8d: {  	s2 =	sadd.s32 s2, s17  }
0x8e: {  	[smem:$0x3FC2] =	sst s2  }
0x8f: {  	_ = 	snop  }
0x90: {  	s2 =	sld [smem:$0x3FD0];
	(tm) =	ssettm $0x1  }
0x91: {  	s18 =	sld [smem:$0x3FFB];
	_ =	sdelay $0x3  }
0x92: {  	_ =	strace s18  }
0x93: {  	s3 =	sld [smem:$0x3FFC];
	_ =	sdelay $0x3  }
0x94: {  	_ =	strace s3  }
0x95: {  	s3 =	sld [smem:$0x3FFD];
	_ =	sdelay $0x3  }
0x96: {  	_ =	strace s3  }
0x97: {  	_ =	strace $0x8FFFFFFF  }
0x98: {  	s19 =	sld [smem:$0x3FDB];
	_ =	sdelay $0x1  }
0x99: {  	s4 =	simm.s32 $_scs_section_size  }
0x9a: {  	s5 =	simm.s32 $_size__tile_overlayer_lowered;
	s6 =	simm.s32 $_tile_overlayer_lowered  }
0x9b: {  	s22 =	simm.s32 $0x1BFF;
	s21 =	sshll.u32 s6, $0x1;
	s3 =	sadd.s32 s4, s19  }
0x9c: {  	s7 =	simm.s32 $0x0;
	s20 =	sshll.u32 s5, $0x1;
	s5 =	sadd.s32 s21, s3  }
0x9d: {  	[timem:s7], [sflag:s22] =	dma.local [hbm:s5], s20  }
0x9e: {  	_ =	swait.ge [sflag:s22], s20  }
0x9f: {  	s4 =	ssub.s32 $0x0, s20;
	[sflag:s22] =	ssyncset.done $0x0  }
0xa0: {  	[sflag:s22] =	ssyncadd.s32 s4;
	_ =	sdelay $0x1  }
0xa1: {  	s23 =	simm.s32 $0x1B8B  }
0xa2: {  	_ =	swait.ge [sflag:s23], $0x1  }
0xa3: {  	[sflag:s23] =	ssyncset.done $0x0  }
0xa4: {  	s25 =	simm.s32 $0x1B8E;
	s24 =	sld [smem:$0x3FFE];
	[sflag:s23] =	ssyncadd.s32 $0xFFFFFFFF  }
0xa5: {  	s26 =	simm.s32 $execute0_lowered;
	[smem:$0x3FD2] =	sst s25  }
0xa6: {  	s5 =	sshll.u32 s26, $0x1;
	_ =	strace $0x80000046;
	[dreg:$0x1] =	wrdreg $0xFFFFFFFF  }
0xa7: {  	s28 =	simm.s32 $_size_execute0_lowered;
	s3 =	sadd.s32 s3, s5;
	[dreg:$0x0] =	wrdreg $0x0  }
0xa8: {  	s5 =	sshll.u32 s28, $0x1;
	[dreg:$0x2] =	wrdreg s3  }
0xa9: {  	[dreg:$0x3] =	wrdreg s5  }
0xaa: {  	[dreg:$0x4] =	wrdreg $0xC0  }
0xab: {  	_ =	task [dreg:s7], $0x5FFFF  }
0xac: {  	[dreg:$0x1] =	wrdreg $0xFFFFFFFF  }
0xad: {  	[dreg:$0x0] =	wrdreg $0x60  }
0xae: {  	[dreg:$0x2] =	wrdreg s2  }
0xaf: {  	[dreg:$0x3] =	wrdreg s24  }
0xb0: {  	[dreg:$0x4] =	wrdreg $0x2B000  }
0xb1: {  	[dreg:$0x5] =	wrdreg $0x9  }
0xb2: {  	_ =	task.clear_ibuf [dreg:s7], $0x6FFFF;
	_ =	strace $0x90000046  }
0xb3: {  	s29 =	simm.s32 $0x9;
	_ =	strace $0x80000048  }
0xb4: {  	_ =	swait.ge [sflag:s29], $0x1  }
0xb5: {  	[sflag:s29] =	ssyncadd.s32 $0xFFFFFFFF  }
0xb6: {  	_ =	strace $0x90000048  }
0xb7: {  	_ =	sfence  }
0xb8: {  	s30 =	sld [smem:$0x0];
	_ =	sdelay $0x2  }
0xb9: {  	s31 =	sshll.u32 s1, $0xD;
	s1 =	sshrl.u32 s1, $0x2  }
0xba: {  	s3 =	sand.u32 $0x4000, s31;
	s1 =	sadd.s32 s1, s30  }
0xbb: {  	s0 =	sor.u32 s3, s0;
	s1 =	sshll.u32 s1, $0x11  }
0xbc: {  	s0 =	sor.u32 s1, s0  }
0xbd: {  	s0 =	sadd.s32 $0x8F2B, s0  }
0xbe: {  	[sflag:s0] =	ssyncadd.remote.s32 $0x1  }
0xbf: {  	_ =	sfence.sel $0xFFFF  }
0xc0: {  	[dreg:$0x0] =	wrdreg $0xFFFFFFFF;
	(pc) =	sbr.abs _section_cstart, $3  }
0xc1: {  	[dreg:$0x1] =	wrdreg $0xFFFFFFFF  }
0xc2: {  	_ =	task.clear_ibuf [dreg:s7], $0x2FFFF;
	_ =	strace $0x9FFFFFFF  }
0xc3: {  	(tm) =	ssettm $0x7FFFFFFF  }
tec
execute0_lowered:
.L_overlay_start_1:
0x0: {  	(tag) =	ssettag $0x1  }
0x1: {  	s5 =	rddreg [dreg:$0x0]  }
0x2: {  	s4 =	rddreg [dreg:$0x1]  }
0x3: {  	s2 =	rddreg [dreg:$0x2]  }
0x4: {  	s0 =	rddreg [dreg:$0x3]  }
0x5: {  	s3 =	simm.s32 $0x0;
	s6 =	srdreg.scid;
	s1 =	stileid.u32  }
0x6: {  	s11 =	simm.s32 $0x2800;
	s14 =	simm.s32 $0x20;
	s15 =	simm.s32 $0x10  }
0x7: {  	s16 =	simm.s32 $0x0;
	[smem:$0x7FF] =	sst s3;
	s7 =	smul.u32 $0x500, s1  }
0x8: {  	s6 =	sand.u32 $0x1, s6;
	s30 =	smul.u32 $0xA00, s1;
	s12 =	sshll.u32 s1, $0x6  }
0x9: {  	_ =	strace $0x80000047;
	s8 =	sshll.u32 s6, $0x7;
	s9 =	sshll.u32 s6, $0x4  }
0xa: {  	s6 =	ssub.s32 $0x2, s6;
	s12 =	sor.u32 $0x1C01, s12;
	s7 =	sor.u32 s8, s7  }
0xb: {  	s29 =	sor.u32 s1, s9;
	s31 =	sshrl.u32 s6, $0x1;
	s9 =	sshrl.u32 s30, $0x2  }
0xc: {  	s7 =	sshrl.u32 s7, $0x3;
	s8 =	smul.u32 $0x500, s29;
	s10 =	ssub.s32 s6, s31  }
0xd: {  	s7 =	sadd.s32 s7, s4;
	s4 =	sadd.s32 s9, s2;
	s9 =	simm.s32 $0x1  }
0xe: {  	s5 =	sadd.s32 s5, s8;
	s6 =	sadd.s32 $0xCA00, s7;
	s7 =	smax.u32 s10, $0x1  }
0xf: {  	v0 =	vimm.f32 $1.000000000e+00;
	v1 =	vimm.f32 $0.0e+00;
	s8 =	simm.s32 $0x2880;
	s10 =	simm.s32 $0x80;
	s13 =	sshrl.u32 s4, $0x3  }
.LBB2_1:
0x10: {  	[tilespmem:$0x2800] =	vst v0  }
0x11: {  	[tilespmem:$0x2810] =	vst v0  }
0x12: {  	[tilespmem:$0x2820] =	vst v0  }
0x13: {  	[tilespmem:$0x2830] =	vst v0  }
0x14: {  	[tilespmem:$0x2840] =	vst v0  }
0x15: {  	[tilespmem:$0x2850] =	vst v0  }
0x16: {  	[tilespmem:$0x2860] =	vst v0  }
0x17: {  	[tilespmem:$0x2870] =	vst v0  }
0x18: {  	[tilespmem:$0x2880] =	vst v1  }
0x19: {  	[tilespmem:$0x2890] =	vst v1  }
0x1a: {  	[tilespmem:$0x28A0] =	vst v1  }
0x1b: {  	[tilespmem:$0x28B0] =	vst v1  }
0x1c: {  	[tilespmem:$0x28C0] =	vst v1  }
0x1d: {  	[tilespmem:$0x28D0] =	vst v1  }
0x1e: {  	[tilespmem:$0x28E0] =	vst v1  }
0x1f: {  	[tilespmem:$0x28F0] =	vst v1  }
0x20: {  	[tilespmem:$0x2900] =	vst v1  }
0x21: {  	[tilespmem:$0x2910] =	vst v1  }
0x22: {  	[tilespmem:$0x2920] =	vst v1  }
0x23: {  	[tilespmem:$0x2930] =	vst v1  }
0x24: {  	[tilespmem:$0x2940] =	vst v1  }
0x25: {  	[tilespmem:$0x2950] =	vst v1  }
0x26: {  	[tilespmem:$0x2960] =	vst v1  }
0x27: {  	[tilespmem:$0x2970] =	vst v1  }
0x28: {  	[tilespmem:$0x2980] =	vst v1  }
0x29: {  	[tilespmem:$0x2990] =	vst v1  }
0x2a: {  	[tilespmem:$0x29A0] =	vst v1  }
0x2b: {  	[tilespmem:$0x29B0] =	vst v1  }
0x2c: {  	[tilespmem:$0x29C0] =	vst v1  }
0x2d: {  	[tilespmem:$0x29D0] =	vst v1  }
0x2e: {  	[tilespmem:$0x29E0] =	vst v1  }
0x2f: {  	[tilespmem:$0x29F0] =	vst v1  }
0x30: {  	[tilespmem:$0x2A00] =	vst v1  }
0x31: {  	[tilespmem:$0x2A10] =	vst v1  }
0x32: {  	[tilespmem:$0x2A20] =	vst v1  }
0x33: {  	[tilespmem:$0x2A30] =	vst v1  }
0x34: {  	[tilespmem:$0x2A40] =	vst v1  }
0x35: {  	[tilespmem:$0x2A50] =	vst v1  }
0x36: {  	[tilespmem:$0x2A60] =	vst v1  }
0x37: {  	[tilespmem:$0x2A70] =	vst v1  }
0x38: {  	[tilespmem:$0x2A80] =	vst v1  }
0x39: {  	[tilespmem:$0x2A90] =	vst v1  }
0x3a: {  	[tilespmem:$0x2AA0] =	vst v1  }
0x3b: {  	[tilespmem:$0x2AB0] =	vst v1  }
0x3c: {  	[tilespmem:$0x2AC0] =	vst v1  }
0x3d: {  	[tilespmem:$0x2AD0] =	vst v1  }
0x3e: {  	[tilespmem:$0x2AE0] =	vst v1  }
0x3f: {  	[tilespmem:$0x2AF0] =	vst v1  }
0x40: {  	[spmem:s4] =	stream.linear.scatter [tilespmem:s8], [sflag:$0x1], $0x280, $0x38;
	[tilespmem:$0x2D80] =	vst v63  }
0x41: {  	_ =	swait.ge [sflag:s9], $0x280  }
0x42: {  	[sflag:s9] =	ssyncset.done $0x0  }
0x43: {  	[sflag:s9] =	ssyncadd.s32 $0xFFFFFD80  }
0x44: {  	[tilespmem:s3], [sflag:$0x1] =	stream.linear.gather [hbm4b:s5+s3], $0x2800, $0x38;
	[tilespmem:$0x2D80] =	vst v63  }
0x45: {  	_ =	swait.ge [sflag:s9], $0x2800  }
0x46: {  	[sflag:s9] =	ssyncset.done $0x0  }
0x47: {  	[sflag:s9] =	ssyncadd.s32 $0xFFFFD800  }
0x48: {  	s17 =	simm.s32 $0x0;
	[bflag:$0x0] =	sbarrier.arrive $0xFFFF  }
0x49: {  	[spmem:s2] =	stream.indirect.scatter.add.f32 [tilespmem:s11], [sflag:$0x1], $0x1, s17, s10, $0xb8;
	[tilespmem:$0x2D80] =	vst v63  }
0x4a: {  	_ =	swait.ge [sflag:s9], $0x80  }
0x4b: {  	s17 =	simm.s32 $0x200;
	[sflag:s9] =	ssyncset.done $0x0  }
.LBB2_2:
0x4c: {  	s18 =	sshra.s32 s17, $0x2;
	[sflag:s9] =	ssyncadd.s32 $0xFFFFFF80;
	p0 =	sne.s32 s17, $0x9E00  }
0x4d: {  	[spmem:s2] =	stream.indirect.scatter.add.f32 [tilespmem:s11], [sflag:$0x1], $0x1, s18, s10, $0xb8;
	[tilespmem:$0x2D80] =	vst v63  }
.Ltmp0:
0x4e: {  	_ = 	snop;
	(pc) =	sbr.rel @p0 .LBB2_2-.Ltmp0, $4  }
0x4f: {  	_ = 	snop  }
0x50: {  	s17 =	sadd.s32 $0x200, s17  }
0x51: {  	_ =	swait.ge [sflag:s9], $0x80  }
0x52: {  	[sflag:s9] =	ssyncset.done $0x0  }
0x53: {  	s16 =	sadd.s32 $0x1, s16  }
0x54: {  	[sflag:s9] =	ssyncadd.s32 $0xFFFFFF80;
	p0 =	sne.s32 s16, s7  }
.Ltmp1:
0x55: {  	[bflag:$0x0] =	sbarrier.arrive $0xFFFF;
	(pc) =	sbr.rel @p0 .LBB2_1-.Ltmp1, $4  }
0x56: {  	[hbm:s6@s14], [sflag:s12] =	dma.strided [spmem:s13@s15], $0x50, s9, $0x10   }
0x57: {  	_ =	swait.ge [sflag:s9], $0x50  }
0x58: {  	[sflag:s9] =	ssyncset.done $0x0  }
0x59: {  	[sflag:s9] =	ssyncadd.s32 $0xFFFFFFB0  }
0x5a: {  	_ =	sfence.sel $0x180000  }
0x5b: {  	[bflag:$0x0] =	sbarrier.arrive $0xFFFF  }
0x5c: {  	p0 =	sne.s32 s1, $0x0;
	_ =	strace $0x90000047  }
0x5d: {  	s0 =	sadd.s32 @!p0 $0x100000, s0;
	[bflag:$0x2] =	sbarrier.arrive $0xFFFF  }
0x5e: {  	[sflag:s0] =	ssyncadd.tile.s32 @!p0 $0x1;
	_ =	shalt  }
.Lfunc_end2:
_tile_overlayer_lowered:
.L_overlay_start_2:
0x5f: {  	(tag) =	ssettag $0x2  }
0x60: {  	s0 =	rddreg [dreg:$0x0];
	s2 =	stileid.u32  }
0x61: {  	s1 =	rddreg [dreg:$0x1];
	p0 =	sne.s32 s2, $0x0  }
0x62: {  	s3 =	rddreg [dreg:$0x2];
	[bflag:$0x3] =	sbarrier.arrive $0xFFFF;
	s2 =	simm.s32 @!p0 $0x1C01  }
0x63: {  	[timem:s3], [sflag:s2] =	dma.local @!p0 [hbm:s0], s1  }
0x64: {  	s0 =	simm.s32 @!p0 $0x1  }
0x65: {  	_ =	swait.ge @!p0 [sflag:s0], s1  }
0x66: {  	s1 =	ssub.s32 @!p0 $0x0, s1;
	[sflag:s0] =	ssyncset.done @!p0 $0x0  }
0x67: {  	[sflag:s0] =	ssyncadd.s32 @!p0 s1  }
0x68: {  	[bflag:$0x3] =	sbarrier.arrive $0xFFFF  }
0x69: {  	_ =	shalt  }

</sc_bundles>
